<compile_context>
chip_gen: v7x
topology: tpu7x:2x2x1
jax: 0.10.2.dev20260603
libtpu: 0.0.44.dev20260713+nightly
codegen_flags: <defaults>
</compile_context>

<pallas_src>
import functools

import jax
import jax.numpy as jnp
from jax import lax
from jax.experimental import pallas as pl
from jax.experimental.pallas import tpu as pltpu
from jax.experimental.pallas import tpu_sc as plsc

N_ = 10000
E_ = 160000
NTILES = 16
EPT = E_ // NTILES
CH = 80
NCHUNK = EPT // CH
ROWS_A = 640
ROWS_LAST = N_ - 15 * ROWS_A

_MESH = plsc.VectorSubcoreMesh(core_axis_name="c", subcore_axis_name="s")


def _zero_buf(buf, rows, groups):
    def body(i, _):
        r = i // groups
        g = i - r * groups
        buf[r, pl.ds(g * 16, 16)] = jnp.zeros((16,), jnp.float32)
        return 0
    lax.fori_loop(0, rows * groups, body, 0)


def _make_prop(F):
    G = F // 16

    @functools.partial(
        pl.kernel,
        out_type=jax.ShapeDtypeStruct((2 * N_, F), jnp.float32),
        mesh=_MESH,
        scratch_types=[
            pltpu.VMEM((EPT,), jnp.int32),
            pltpu.VMEM((NCHUNK, CH), jnp.int32),
            pltpu.VMEM((CH, F), jnp.float32),
            pltpu.VMEM((CH, F), jnp.float32),
            pltpu.VMEM_SHARED((N_, F), jnp.float32),
            pltpu.SemaphoreType.DMA,
        ],
    )
    def prop(y_hbm, srcF, dstR, z_hbm, src_v, dst_v, buf, zb, acc, sem):
        c = lax.axis_index("c")
        s = lax.axis_index("s")

        pltpu.sync_copy(srcF.at[s], src_v)
        pltpu.sync_copy(dstR.at[s], dst_v)

        coff = c * N_
        def add_off(i, _):
            src_v[pl.ds(i * 16, 16)] = src_v[pl.ds(i * 16, 16)] + coff
            return 0
        lax.fori_loop(0, EPT // 16, add_off, 0)

        _zero_buf(zb, CH, G)

        @pl.when(s < 15)
        def _():
            def zcp(i, _):
                pltpu.sync_copy(zb, acc.at[pl.ds(s * ROWS_A + i * CH, CH)])
                return 0
            lax.fori_loop(0, ROWS_A // CH, zcp, 0)

        @pl.when(s == 15)
        def _():
            def zcp(i, _):
                pltpu.sync_copy(zb, acc.at[pl.ds(15 * ROWS_A + i * CH, CH)])
                return 0
            lax.fori_loop(0, ROWS_LAST // CH, zcp, 0)

        plsc.subcore_barrier()

        def chunk(k, _):
            pltpu.async_copy(y_hbm.at[src_v.at[pl.ds(k * CH, CH)]], buf, sem).wait()
            pltpu.sync_copy(buf, acc.at[dst_v.at[k]], add=True)
            return 0
        lax.fori_loop(0, NCHUNK, chunk, 0)

        plsc.subcore_barrier()

        @pl.when(s < 15)
        def _():
            pltpu.sync_copy(acc.at[pl.ds(s * ROWS_A, ROWS_A)],
                            z_hbm.at[pl.ds(c * N_ + s * ROWS_A, ROWS_A)])

        @pl.when(s == 15)
        def _():
            pltpu.sync_copy(acc.at[pl.ds(15 * ROWS_A, ROWS_LAST)],
                            z_hbm.at[pl.ds(c * N_ + 15 * ROWS_A, ROWS_LAST)])

    return prop


_prop128 = _make_prop(128)


@functools.partial(
    pl.kernel,
    out_type=jax.ShapeDtypeStruct((2 * N_, 16), jnp.float32),
    mesh=_MESH,
    scratch_types=[
        pltpu.VMEM((NCHUNK, CH), jnp.int32),
        pltpu.VMEM((CH, 16), jnp.float32),
        pltpu.VMEM((CH, 16), jnp.float32),
        pltpu.VMEM_SHARED((N_, 16), jnp.float32),
        pltpu.SemaphoreType.DMA,
    ],
)
def _deg_kernel(dstR, out_hbm, dst_v, ones, zb, acc, sem):
    c = lax.axis_index("c")
    s = lax.axis_index("s")

    pltpu.sync_copy(dstR.at[s], dst_v)

    def fill(i, _):
        ones[i, :] = jnp.ones((16,), jnp.float32)
        zb[i, :] = jnp.zeros((16,), jnp.float32)
        return 0
    lax.fori_loop(0, CH, fill, 0)

    @pl.when(s < 15)
    def _():
        def zcp(i, _):
            pltpu.sync_copy(zb, acc.at[pl.ds(s * ROWS_A + i * CH, CH)])
            return 0
        lax.fori_loop(0, ROWS_A // CH, zcp, 0)

    @pl.when(s == 15)
    def _():
        def zcp(i, _):
            pltpu.sync_copy(zb, acc.at[pl.ds(15 * ROWS_A + i * CH, CH)])
            return 0
        lax.fori_loop(0, ROWS_LAST // CH, zcp, 0)

    plsc.subcore_barrier()

    def chunk(k, _):
        pltpu.sync_copy(ones, acc.at[dst_v.at[k]], add=True)
        return 0
    lax.fori_loop(0, NCHUNK, chunk, 0)

    plsc.subcore_barrier()

    @pl.when(s < 15)
    def _():
        pltpu.sync_copy(acc.at[pl.ds(s * ROWS_A, ROWS_A)],
                        out_hbm.at[pl.ds(c * N_ + s * ROWS_A, ROWS_A)])

    @pl.when(s == 15)
    def _():
        pltpu.sync_copy(acc.at[pl.ds(15 * ROWS_A, ROWS_LAST)],
                        out_hbm.at[pl.ds(c * N_ + 15 * ROWS_A, ROWS_LAST)])


NB = 400
GRID = N_ // NB


def _dinv_of(deg_ref):
    return lax.rsqrt(deg_ref[:, 0:1] + 1.0)


def _tc1_body(deg_ref, x_ref, y_ref):
    dinv = _dinv_of(deg_ref)
    y = x_ref[...] * dinv
    y_ref[0] = y[:, :128]
    y_ref[1] = y[:, 128:]


def _tc2_body(deg_ref, z_ref, y_ref, w1_ref, b1_ref, w2_ref, y2_ref):
    dinv = _dinv_of(deg_ref)
    a = dinv * (jnp.concatenate([z_ref[0], z_ref[1]], axis=1)
                + jnp.concatenate([y_ref[0], y_ref[1]], axis=1))
    h1 = jnp.dot(a, w1_ref[...], preferred_element_type=jnp.float32) + b1_ref[...]
    h1 = jnp.clip(h1, 0.0, 6.0)
    u2 = jnp.dot(h1, w2_ref[...], preferred_element_type=jnp.float32)
    y2 = dinv * u2
    y2_ref[0] = y2[:, :128]
    y2_ref[1] = y2[:, 128:]


def _tc3_body(deg_ref, z_ref, y_ref, b2_ref, w3_ref, y3_ref):
    dinv = _dinv_of(deg_ref)
    h2 = dinv * (jnp.concatenate([z_ref[0], z_ref[1]], axis=1)
                 + jnp.concatenate([y_ref[0], y_ref[1]], axis=1)) + b2_ref[...]
    h2 = jnp.clip(h2, 0.0, 6.0)
    u3 = jnp.dot(h2, w3_ref[...], preferred_element_type=jnp.float32)
    y3 = dinv * u3
    y3_ref[0] = y3[:, :128]
    y3_ref[1] = y3[:, 128:]


def _tc4_body(deg_ref, z_ref, y_ref, b3_ref, wc_ref, bc_ref, o_ref):
    dinv = _dinv_of(deg_ref)
    v = dinv * (jnp.concatenate([z_ref[0], z_ref[1]], axis=1)
                + jnp.concatenate([y_ref[0], y_ref[1]], axis=1)) + b3_ref[...]
    h3 = jnp.clip(v, 0.0, 6.0)
    o = jnp.dot(h3, wc_ref[...], preferred_element_type=jnp.float32) + bc_ref[...]
    o_ref[...] = jax.nn.sigmoid(o)


def _nodes(shape2):
    return pl.BlockSpec((NB, shape2), lambda i: (i, 0))


def _halves(F):
    return pl.BlockSpec((2, NB, F), lambda i: (0, i, 0))


def _full(a, b):
    return pl.BlockSpec((a, b), lambda i: (0, 0))


def kernel(x, edges, layers_lengths, W1, b1, W2, b2, W3, b3, Wc, bc):
    srcF = edges[0].reshape(NTILES, EPT)
    dstR = edges[1].reshape(NTILES, NCHUNK, CH)

    deg16 = _deg_kernel(dstR)[:N_]

    y1 = pl.pallas_call(
        _tc1_body,
        grid=(GRID,),
        in_specs=[_nodes(16), _nodes(256)],
        out_specs=_halves(128),
        out_shape=jax.ShapeDtypeStruct((2, N_, 128), jnp.float32),
    )(deg16, x)

    z1 = _prop128(y1.reshape(2 * N_, 128), srcF, dstR).reshape(2, N_, 128)

    y2 = pl.pallas_call(
        _tc2_body,
        grid=(GRID,),
        in_specs=[_nodes(16), _halves(128), _halves(128),
                  _full(256, 512), _full(1, 512), _full(512, 256)],
        out_specs=_halves(128),
        out_shape=jax.ShapeDtypeStruct((2, N_, 128), jnp.float32),
    )(deg16, z1, y1, W1, b1.reshape(1, 512), W2)

    z2 = _prop128(y2.reshape(2 * N_, 128), srcF, dstR).reshape(2, N_, 128)

    W3p = jnp.pad(W3, ((0, 0), (0, 204)))
    y3 = pl.pallas_call(
        _tc3_body,
        grid=(GRID,),
        in_specs=[_nodes(16), _halves(128), _halves(128),
                  _full(1, 256), _full(256, 256)],
        out_specs=_halves(128),
        out_shape=jax.ShapeDtypeStruct((2, N_, 128), jnp.float32),
    )(deg16, z2, y2, b2.reshape(1, 256), W3p)

    z3 = _prop128(y3.reshape(2 * N_, 128), srcF, dstR).reshape(2, N_, 128)

    b3p = jnp.pad(b3, (0, 204)).reshape(1, 256)
    Wcp = jnp.pad(Wc, ((0, 204), (0, 0)))
    out = pl.pallas_call(
        _tc4_body,
        grid=(GRID,),
        in_specs=[_nodes(16), _halves(128), _halves(128),
                  _full(1, 256), _full(256, 3), _full(1, 3)],
        out_specs=_nodes(3),
        out_shape=jax.ShapeDtypeStruct((N_, 3), jnp.float32),
    )(deg16, z3, y3, b3p, Wcp, bc.reshape(1, 3))

    return (out, edges, layers_lengths)

# --- scband reference (transcript-rebuilt; emitter-appended) ---
"""Pipeline reference for scband-mara-38087769981502 (READ-ONLY COPY).

The authoritative reference and input builder live on the scoring server;
editing this copy changes nothing except your own understanding.
"""

import jax, jax.numpy as jnp
import numpy as np

N_NODES = 10000
N_EDGES = 160000
D_IN = 256


def _init_linear(key, fan_in, fan_out):
    k1, k2 = jax.random.split(key)
    bound = 1.0 / np.sqrt(fan_in)
    W = jax.random.uniform(k1, (fan_in, fan_out), minval=-bound, maxval=bound, dtype=jnp.float32)
    b = jax.random.uniform(k2, (fan_out,), minval=-bound, maxval=bound, dtype=jnp.float32)
    return W, b


def setup_inputs(seed: int = 0) -> dict:
    key = jax.random.key(seed)
    ks = jax.random.split(key, 8)
    x = jax.random.normal(ks[0], (N_NODES, D_IN), dtype=jnp.float32)
    edges = jax.random.randint(ks[1], (2, N_EDGES), 0, N_NODES, dtype=jnp.int64 if jax.config.jax_enable_x64 else jnp.int32).astype(jnp.int32)
    layers_lengths = jax.random.randint(ks[2], (3,), 0, N_EDGES).astype(jnp.int32)
    W1, b1 = _init_linear(ks[3], D_IN, 512)
    W2, b2 = _init_linear(ks[4], 512, 256)
    W3, b3 = _init_linear(ks[5], 256, 52)
    Wc, bc = _init_linear(ks[6], 52, 3)
    return {"x": x, "edges": edges, "layers_lengths": layers_lengths,
            "W1": W1, "b1": b1, "W2": W2, "b2": b2, "W3": W3, "b3": b3,
            "Wc": Wc, "bc": bc}


def _gcn_conv(x, W, b, edge_index, num_nodes):
    # PyG GCNConv: linear transform, then D^{-1/2}(A+I)D^{-1/2} propagation
    src = edge_index[0]
    dst = edge_index[1]
    loop = jnp.arange(num_nodes, dtype=src.dtype)
    src = jnp.concatenate([src, loop])
    dst = jnp.concatenate([dst, loop])
    deg = jnp.zeros((num_nodes,), dtype=jnp.float32).at[dst].add(1.0)
    dinv = 1.0 / jnp.sqrt(deg)
    norm = dinv[src] * dinv[dst]
    xw = x @ W
    msg = xw[src] * norm[:, None]
    out = jnp.zeros((num_nodes, W.shape[1]), dtype=jnp.float32).at[dst].add(msg)
    return out + b


def _relu6(h):
    return jnp.clip(h, 0.0, 6.0)


def reference(x, edges, layers_lengths, W1, b1, W2, b2, W3, b3, Wc, bc):
    # simplification_strategy='DE', stages='once', DE_p=0.0 -> DropEdge is identity
    # dropout=0.0 -> identity
    n = x.shape[0]
    h = _relu6(_gcn_conv(x, W1, b1, edges, n))
    h = _relu6(_gcn_conv(h, W2, b2, edges, n))
    h = _relu6(_gcn_conv(h, W3, b3, edges, n))
    out = jax.nn.sigmoid(h @ Wc + bc)
    return (out, edges, layers_lengths)

if __name__ == "__main__":
    import jax
    _d = setup_inputs()
    print(jax.jit(kernel)(*tuple(_d.values())))

</pallas_src>

<mosaic_0001>
#map = affine_map<(d0, d1) -> (0, 0)>
#map1 = affine_map<(d0, d1) -> (0, 0, 0)>
module attributes {stable_mosaic.version = 14 : i64} {
  func.func @prop(%arg0: i32, %arg1: i32, %arg2: memref<20000x128xf32, #tpu.memory_space<hbm>>, %arg3: memref<16x10000xi32, #tpu.memory_space<hbm>>, %arg4: memref<16x125x80xi32, #tpu.memory_space<hbm>>, %arg5: memref<20000x128xf32, #tpu.memory_space<hbm>>, %arg6: memref<10000xi32, #tpu.memory_space<vmem>>, %arg7: memref<125x80xi32, #tpu.memory_space<vmem>>, %arg8: memref<80x128xf32, #tpu.memory_space<vmem>>, %arg9: memref<80x128xf32, #tpu.memory_space<vmem>>, %arg10: memref<10000x128xf32, #tpu.memory_space<vmem_shared>>, %arg11: memref<!tpu.dma_semaphore, #tpu.memory_space<semaphore_mem>>) attributes {dimension_semantics = [#tpu.dimension_semantics<core_parallel>, #tpu.dimension_semantics<subcore_parallel>], iteration_bounds = array<i64: 2, 16>, scalar_prefetch = 0 : i64, scratch_operands = 6 : i64, tpu.core_type = #tpu.core_type<sc_vector_subcore>, window_params = [{transform_indices = #map}, {transform_indices = #map}, {transform_indices = #map1}, {transform_indices = #map}]} {
    "tpu.region"() ({
      %run_scoped3A = tpu.sem_alloc : memref<!tpu.dma_semaphore, #tpu.memory_space<semaphore_mem>>
      %dma_start3A = arith.constant 0 : i32
      %dma_start3A_38 = tpu.memref_slice %arg3[%arg1, %dma_start3A] : memref<16x10000xi32, #tpu.memory_space<hbm>> -> memref<1x10000xi32, #tpu.memory_space<hbm>>
      %dma_start3A_39 = tpu.memref_squeeze %dma_start3A_38 : memref<1x10000xi32, #tpu.memory_space<hbm>> -> memref<10000xi32, #tpu.memory_space<hbm>>
      %dma_start3A_40 = arith.constant 0 : i32
      %dma_start3A_41 = tpu.memref_slice %arg3[%arg1, %dma_start3A_40] : memref<16x10000xi32, #tpu.memory_space<hbm>> -> memref<1x10000xi32, #tpu.memory_space<hbm>>
      %dma_start3A_42 = tpu.memref_squeeze %dma_start3A_41 : memref<1x10000xi32, #tpu.memory_space<hbm>> -> memref<10000xi32, #tpu.memory_space<hbm>>
      tpu.enqueue_dma source(%dma_start3A_42 : memref<10000xi32, #tpu.memory_space<hbm>>) target(%arg6 : memref<10000xi32, #tpu.memory_space<vmem>>) target_semaphore(%run_scoped3A : memref<!tpu.dma_semaphore, #tpu.memory_space<semaphore_mem>>)
      %dma_wait3A = arith.constant 0 : i32
      %dma_wait3A_43 = tpu.memref_slice %arg3[%arg1, %dma_wait3A] : memref<16x10000xi32, #tpu.memory_space<hbm>> -> memref<1x10000xi32, #tpu.memory_space<hbm>>
      %dma_wait3A_44 = tpu.memref_squeeze %dma_wait3A_43 : memref<1x10000xi32, #tpu.memory_space<hbm>> -> memref<10000xi32, #tpu.memory_space<hbm>>
      %dma_wait3A_45 = arith.constant 0 : i32
      %dma_wait3A_46 = tpu.memref_slice %arg3[%arg1, %dma_wait3A_45] : memref<16x10000xi32, #tpu.memory_space<hbm>> -> memref<1x10000xi32, #tpu.memory_space<hbm>>
      %dma_wait3A_47 = tpu.memref_squeeze %dma_wait3A_46 : memref<1x10000xi32, #tpu.memory_space<hbm>> -> memref<10000xi32, #tpu.memory_space<hbm>>
      tpu.wait_dma2 semaphore(%run_scoped3A : memref<!tpu.dma_semaphore, #tpu.memory_space<semaphore_mem>>) src(%dma_wait3A_47 : memref<10000xi32, #tpu.memory_space<hbm>>) dst(%arg6 : memref<10000xi32, #tpu.memory_space<vmem>>)
      tpu.yield
    }) : () -> ()
    "tpu.region"() ({
      %run_scoped3A = tpu.sem_alloc : memref<!tpu.dma_semaphore, #tpu.memory_space<semaphore_mem>>
      %dma_start3A = arith.constant 0 : i32
      %dma_start3A_38 = arith.constant 0 : i32
      %dma_start3A_39 = tpu.memref_slice %arg4[%arg1, %dma_start3A, %dma_start3A_38] : memref<16x125x80xi32, #tpu.memory_space<hbm>> -> memref<1x125x80xi32, #tpu.memory_space<hbm>>
      %dma_start3A_40 = tpu.memref_squeeze %dma_start3A_39 : memref<1x125x80xi32, #tpu.memory_space<hbm>> -> memref<125x80xi32, #tpu.memory_space<hbm>>
      %dma_start3A_41 = arith.constant 0 : i32
      %dma_start3A_42 = arith.constant 0 : i32
      %dma_start3A_43 = tpu.memref_slice %arg4[%arg1, %dma_start3A_41, %dma_start3A_42] : memref<16x125x80xi32, #tpu.memory_space<hbm>> -> memref<1x125x80xi32, #tpu.memory_space<hbm>>
      %dma_start3A_44 = tpu.memref_squeeze %dma_start3A_43 : memref<1x125x80xi32, #tpu.memory_space<hbm>> -> memref<125x80xi32, #tpu.memory_space<hbm>>
      tpu.enqueue_dma source(%dma_start3A_44 : memref<125x80xi32, #tpu.memory_space<hbm>>) target(%arg7 : memref<125x80xi32, #tpu.memory_space<vmem>>) target_semaphore(%run_scoped3A : memref<!tpu.dma_semaphore, #tpu.memory_space<semaphore_mem>>)
      %dma_wait3A = arith.constant 0 : i32
      %dma_wait3A_45 = arith.constant 0 : i32
      %dma_wait3A_46 = tpu.memref_slice %arg4[%arg1, %dma_wait3A, %dma_wait3A_45] : memref<16x125x80xi32, #tpu.memory_space<hbm>> -> memref<1x125x80xi32, #tpu.memory_space<hbm>>
      %dma_wait3A_47 = tpu.memref_squeeze %dma_wait3A_46 : memref<1x125x80xi32, #tpu.memory_space<hbm>> -> memref<125x80xi32, #tpu.memory_space<hbm>>
      %dma_wait3A_48 = arith.constant 0 : i32
      %dma_wait3A_49 = arith.constant 0 : i32
      %dma_wait3A_50 = tpu.memref_slice %arg4[%arg1, %dma_wait3A_48, %dma_wait3A_49] : memref<16x125x80xi32, #tpu.memory_space<hbm>> -> memref<1x125x80xi32, #tpu.memory_space<hbm>>
      %dma_wait3A_51 = tpu.memref_squeeze %dma_wait3A_50 : memref<1x125x80xi32, #tpu.memory_space<hbm>> -> memref<125x80xi32, #tpu.memory_space<hbm>>
      tpu.wait_dma2 semaphore(%run_scoped3A : memref<!tpu.dma_semaphore, #tpu.memory_space<semaphore_mem>>) src(%dma_wait3A_51 : memref<125x80xi32, #tpu.memory_space<hbm>>) dst(%arg7 : memref<125x80xi32, #tpu.memory_space<vmem>>)
      tpu.yield
    }) : () -> ()
    %mul3A = arith.constant 10000 : i32
    %mul3A_0 = arith.muli %arg0, %mul3A : i32
    %scan3A = arith.constant 0 : i32
    %scan3A_1 = arith.constant 0 : i32
    %scan3A_2 = arith.constant 625 : i32
    %scan3A_3 = arith.addi %scan3A_1, %scan3A_2 : i32
    %scan3A_4 = arith.constant 1 : i32
    %scan3A_5 = scf.for %scan3A_38 = %scan3A_1 to %scan3A_3 step %scan3A_4 iter_args(%scan3A_39 = %scan3A) -> (i32)  : i32 {
      %mul3A_40 = arith.constant 16 : i32
      %mul3A_41 = arith.muli %scan3A_38, %mul3A_40 : i32
      %get3A = arith.index_cast %mul3A_41 : i32 to index
      %get3A_42 = tpu.vector_load %arg6[%get3A] {strides = array<i32>} : memref<10000xi32, #tpu.memory_space<vmem>>, vector<16xi32>,
      %get3A_43 = vector.shape_cast %get3A_42 : vector<16xi32> to vector<16xi32>
      %add3A = vector.broadcast %mul3A_0 : i32 to vector<16xi32>
      %add3A_44 = arith.addi %get3A_43, %add3A : vector<16xi32>
      %mul3A_45 = arith.constant 16 : i32
      %mul3A_46 = arith.muli %scan3A_38, %mul3A_45 : i32
      %swap3A = arith.index_cast %mul3A_46 : i32 to index
      %swap3A_47 = tpu.vector_load %arg6[%swap3A] {strides = array<i32>} : memref<10000xi32, #tpu.memory_space<vmem>>, vector<16xi32>,
      %swap3A_48 = vector.shape_cast %swap3A_47 : vector<16xi32> to vector<16xi32>
      %swap3A_49 = vector.shape_cast %add3A_44 : vector<16xi32> to vector<16xi32>
      tpu.vector_store %arg6[%swap3A], %swap3A_49 {strides = array<i32>} : memref<10000xi32, #tpu.memory_space<vmem>>, vector<16xi32>,
      %scan3A_50 = arith.constant 0 : i32
      scf.yield %scan3A_50 : i32
    }
    %scan3A_6 = arith.constant 625 : i32
    %scan3A_7 = arith.constant 0 : i32
    %scan3A_8 = arith.constant 0 : i32
    %scan3A_9 = arith.constant 640 : i32
    %scan3A_10 = arith.addi %scan3A_8, %scan3A_9 : i32
    %scan3A_11 = arith.constant 1 : i32
    %scan3A_12 = scf.for %scan3A_38 = %scan3A_8 to %scan3A_10 step %scan3A_11 iter_args(%scan3A_39 = %scan3A_7) -> (i32)  : i32 {
      %jit3A = arith.constant 8 : i32
      %div3A = arith.divsi %scan3A_38, %jit3A : i32
      %sign3A = arith.constant 0 : i32
      %sign3A_40 = arith.cmpi sgt, %scan3A_38, %sign3A : i32
      %sign3A_41 = arith.extui %sign3A_40 : i1 to i32
      %sign3A_42 = arith.constant 0 : i32
      %sign3A_43 = arith.cmpi slt, %scan3A_38, %sign3A_42 : i32
      %sign3A_44 = arith.extui %sign3A_43 : i1 to i32
      %sign3A_45 = arith.subi %sign3A_41, %sign3A_44 : i32
      %sign3A_46 = arith.constant 0 : i32
      %sign3A_47 = arith.cmpi sgt, %jit3A, %sign3A_46 : i32
      %sign3A_48 = arith.extui %sign3A_47 : i1 to i32
      %sign3A_49 = arith.constant 0 : i32
      %sign3A_50 = arith.cmpi slt, %jit3A, %sign3A_49 : i32
      %sign3A_51 = arith.extui %sign3A_50 : i1 to i32
      %sign3A_52 = arith.subi %sign3A_48, %sign3A_51 : i32
      %ne3A = arith.cmpi ne, %sign3A_45, %sign3A_52 : i32
      %rem3A = arith.remsi %scan3A_38, %jit3A : i32
      %ne3A_53 = arith.constant 0 : i32
      %ne3A_54 = arith.cmpi ne, %rem3A, %ne3A_53 : i32
      %and3A = arith.andi %ne3A, %ne3A_54 : i1
      %sub3A = arith.constant 1 : i32
      %sub3A_55 = arith.subi %div3A, %sub3A : i32
      %select_n3A = arith.select %and3A, %sub3A_55, %div3A : i32
      %mul3A_56 = arith.constant 8 : i32
      %mul3A_57 = arith.muli %select_n3A, %mul3A_56 : i32
      %sub3A_58 = arith.subi %scan3A_38, %mul3A_57 : i32
      %broadcast_in_dim3A = arith.constant 0.000000e+00 : f32
      %broadcast_in_dim3A_59 = vector.broadcast %broadcast_in_dim3A : f32 to vector<16xf32>
      %mul3A_60 = arith.constant 16 : i32
      %mul3A_61 = arith.muli %sub3A_58, %mul3A_60 : i32
      %swap3A = arith.index_cast %select_n3A : i32 to index
      %swap3A_62 = arith.index_cast %mul3A_61 : i32 to index
      %swap3A_63 = tpu.vector_load %arg9[%swap3A, %swap3A_62] {strides = array<i32>} : memref<80x128xf32, #tpu.memory_space<vmem>>, vector<1x16xf32>,
      %swap3A_64 = vector.shape_cast %swap3A_63 : vector<1x16xf32> to vector<16xf32>
      %swap3A_65 = vector.shape_cast %broadcast_in_dim3A_59 : vector<16xf32> to vector<1x16xf32>
      tpu.vector_store %arg9[%swap3A, %swap3A_62], %swap3A_65 {strides = array<i32>} : memref<80x128xf32, #tpu.memory_space<vmem>>, vector<1x16xf32>,
      %scan3A_66 = arith.constant 0 : i32
      scf.yield %scan3A_66 : i32
    }
    %scan3A_13 = arith.constant 640 : i32
    %lt3A = arith.constant 15 : i32
    %lt3A_14 = arith.cmpi slt, %arg1, %lt3A : i32
    %convert_element_type3A = arith.extui %lt3A_14 : i1 to i32
    %cond3A = arith.constant 0 : i32
    %cond3A_15 = arith.cmpi ne, %convert_element_type3A, %cond3A : i32
    scf.if %cond3A_15 {
      %scan3A_38 = arith.constant 0 : i32
      %scan3A_39 = arith.constant 0 : i32
      %scan3A_40 = arith.constant 8 : i32
      %scan3A_41 = arith.addi %scan3A_39, %scan3A_40 : i32
      %scan3A_42 = arith.constant 1 : i32
      %scan3A_43 = scf.for %scan3A_45 = %scan3A_39 to %scan3A_41 step %scan3A_42 iter_args(%scan3A_46 = %scan3A_38) -> (i32)  : i32 {
        %mul3A_47 = arith.constant 640 : i32
        %mul3A_48 = arith.muli %arg1, %mul3A_47 : i32
        %mul3A_49 = arith.constant 80 : i32
        %mul3A_50 = arith.muli %scan3A_45, %mul3A_49 : i32
        %add3A = arith.addi %mul3A_48, %mul3A_50 : i32
        "tpu.region"() ({
          %run_scoped3A = tpu.sem_alloc : memref<!tpu.dma_semaphore, #tpu.memory_space<semaphore_mem>>
          %dma_start3A = arith.constant 0 : i32
          %dma_start3A_52 = tpu.memref_slice %arg10[%add3A, %dma_start3A] : memref<10000x128xf32, #tpu.memory_space<vmem_shared>> -> memref<80x128xf32, #tpu.memory_space<vmem_shared>>
          %dma_start3A_53 = arith.constant 0 : i32
          %dma_start3A_54 = tpu.memref_slice %arg10[%add3A, %dma_start3A_53] : memref<10000x128xf32, #tpu.memory_space<vmem_shared>> -> memref<80x128xf32, #tpu.memory_space<vmem_shared>>
          tpu.enqueue_dma source(%arg9 : memref<80x128xf32, #tpu.memory_space<vmem>>) target(%dma_start3A_54 : memref<80x128xf32, #tpu.memory_space<vmem_shared>>) target_semaphore(%run_scoped3A : memref<!tpu.dma_semaphore, #tpu.memory_space<semaphore_mem>>)
          %dma_wait3A = arith.constant 0 : i32
          %dma_wait3A_55 = tpu.memref_slice %arg10[%add3A, %dma_wait3A] : memref<10000x128xf32, #tpu.memory_space<vmem_shared>> -> memref<80x128xf32, #tpu.memory_space<vmem_shared>>
          %dma_wait3A_56 = arith.constant 0 : i32
          %dma_wait3A_57 = tpu.memref_slice %arg10[%add3A, %dma_wait3A_56] : memref<10000x128xf32, #tpu.memory_space<vmem_shared>> -> memref<80x128xf32, #tpu.memory_space<vmem_shared>>
          tpu.wait_dma2 semaphore(%run_scoped3A : memref<!tpu.dma_semaphore, #tpu.memory_space<semaphore_mem>>) src(%arg9 : memref<80x128xf32, #tpu.memory_space<vmem>>) dst(%dma_wait3A_57 : memref<80x128xf32, #tpu.memory_space<vmem_shared>>)
          tpu.yield
        }) : () -> ()
        %scan3A_51 = arith.constant 0 : i32
        scf.yield %scan3A_51 : i32
      }
      %scan3A_44 = arith.constant 8 : i32
    } else {
    }
    %eq3A = arith.constant 15 : i32
    %eq3A_16 = arith.cmpi eq, %arg1, %eq3A : i32
    %convert_element_type3A_17 = arith.extui %eq3A_16 : i1 to i32
    %cond3A_18 = arith.constant 0 : i32
    %cond3A_19 = arith.cmpi ne, %convert_element_type3A_17, %cond3A_18 : i32
    scf.if %cond3A_19 {
      %scan3A_38 = arith.constant 0 : i32
      %scan3A_39 = arith.constant 0 : i32
      %scan3A_40 = arith.constant 5 : i32
      %scan3A_41 = arith.addi %scan3A_39, %scan3A_40 : i32
      %scan3A_42 = arith.constant 1 : i32
      %scan3A_43 = scf.for %scan3A_45 = %scan3A_39 to %scan3A_41 step %scan3A_42 iter_args(%scan3A_46 = %scan3A_38) -> (i32)  : i32 {
        %mul3A_47 = arith.constant 80 : i32
        %mul3A_48 = arith.muli %scan3A_45, %mul3A_47 : i32
        %add3A = arith.constant 9600 : i32
        %add3A_49 = arith.addi %add3A, %mul3A_48 : i32
        "tpu.region"() ({
          %run_scoped3A = tpu.sem_alloc : memref<!tpu.dma_semaphore, #tpu.memory_space<semaphore_mem>>
          %dma_start3A = arith.constant 0 : i32
          %dma_start3A_51 = tpu.memref_slice %arg10[%add3A_49, %dma_start3A] : memref<10000x128xf32, #tpu.memory_space<vmem_shared>> -> memref<80x128xf32, #tpu.memory_space<vmem_shared>>
          %dma_start3A_52 = arith.constant 0 : i32
          %dma_start3A_53 = tpu.memref_slice %arg10[%add3A_49, %dma_start3A_52] : memref<10000x128xf32, #tpu.memory_space<vmem_shared>> -> memref<80x128xf32, #tpu.memory_space<vmem_shared>>
          tpu.enqueue_dma source(%arg9 : memref<80x128xf32, #tpu.memory_space<vmem>>) target(%dma_start3A_53 : memref<80x128xf32, #tpu.memory_space<vmem_shared>>) target_semaphore(%run_scoped3A : memref<!tpu.dma_semaphore, #tpu.memory_space<semaphore_mem>>)
          %dma_wait3A = arith.constant 0 : i32
          %dma_wait3A_54 = tpu.memref_slice %arg10[%add3A_49, %dma_wait3A] : memref<10000x128xf32, #tpu.memory_space<vmem_shared>> -> memref<80x128xf32, #tpu.memory_space<vmem_shared>>
          %dma_wait3A_55 = arith.constant 0 : i32
          %dma_wait3A_56 = tpu.memref_slice %arg10[%add3A_49, %dma_wait3A_55] : memref<10000x128xf32, #tpu.memory_space<vmem_shared>> -> memref<80x128xf32, #tpu.memory_space<vmem_shared>>
          tpu.wait_dma2 semaphore(%run_scoped3A : memref<!tpu.dma_semaphore, #tpu.memory_space<semaphore_mem>>) src(%arg9 : memref<80x128xf32, #tpu.memory_space<vmem>>) dst(%dma_wait3A_56 : memref<80x128xf32, #tpu.memory_space<vmem_shared>>)
          tpu.yield
        }) : () -> ()
        %scan3A_50 = arith.constant 0 : i32
        scf.yield %scan3A_50 : i32
      }
      %scan3A_44 = arith.constant 5 : i32
    } else {
    }
    %barrier3A = arith.constant 0 : index
    tpu.barrier barrier_id(%barrier3A)
    %scan3A_20 = arith.constant 0 : i32
    %scan3A_21 = arith.constant 0 : i32
    %scan3A_22 = arith.constant 125 : i32
    %scan3A_23 = arith.addi %scan3A_21, %scan3A_22 : i32
    %scan3A_24 = arith.constant 1 : i32
    %scan3A_25 = scf.for %scan3A_38 = %scan3A_21 to %scan3A_23 step %scan3A_24 iter_args(%scan3A_39 = %scan3A_20) -> (i32)  : i32 {
      %mul3A_40 = arith.constant 80 : i32
      %mul3A_41 = arith.muli %scan3A_38, %mul3A_40 : i32
      %dma_start3A = tpu.memref_slice %arg6[%mul3A_41] : memref<10000xi32, #tpu.memory_space<vmem>> -> memref<80xi32, #tpu.memory_space<vmem>>
      %dma_start3A_42 = arith.constant 0 : i32
      %dma_start3A_43 = arith.constant 0 : i32
      %dma_start3A_44 = tpu.memref_slice %arg2[%dma_start3A_42, %dma_start3A_43] : memref<20000x128xf32, #tpu.memory_space<hbm>> -> memref<20000x128xf32, #tpu.memory_space<hbm>>
      tpu.enqueue_indirect_dma source(%dma_start3A_44 : memref<20000x128xf32, #tpu.memory_space<hbm>>) target(%arg8 : memref<80x128xf32, #tpu.memory_space<vmem>>) offsets(%dma_start3A : memref<80xi32, #tpu.memory_space<vmem>>) semaphore(%arg11 : memref<!tpu.dma_semaphore, #tpu.memory_space<semaphore_mem>>)
      %dma_wait3A = tpu.memref_slice %arg6[%mul3A_41] : memref<10000xi32, #tpu.memory_space<vmem>> -> memref<80xi32, #tpu.memory_space<vmem>>
      %dma_wait3A_45 = arith.constant 0 : i32
      %dma_wait3A_46 = arith.constant 0 : i32
      %dma_wait3A_47 = tpu.memref_slice %arg2[%dma_wait3A_45, %dma_wait3A_46] : memref<20000x128xf32, #tpu.memory_space<hbm>> -> memref<20000x128xf32, #tpu.memory_space<hbm>>
      tpu.wait_indirect_dma semaphore(%arg11 : memref<!tpu.dma_semaphore, #tpu.memory_space<semaphore_mem>>) src(%dma_wait3A_47 : memref<20000x128xf32, #tpu.memory_space<hbm>>) dst(%arg8 : memref<80x128xf32, #tpu.memory_space<vmem>>)
      "tpu.region"() ({
        %run_scoped3A = tpu.sem_alloc : memref<!tpu.dma_semaphore, #tpu.memory_space<semaphore_mem>>
        %dma_start3A_49 = arith.constant 0 : i32
        %dma_start3A_50 = tpu.memref_slice %arg7[%scan3A_38, %dma_start3A_49] : memref<125x80xi32, #tpu.memory_space<vmem>> -> memref<1x80xi32, #tpu.memory_space<vmem>>
        %dma_start3A_51 = tpu.memref_squeeze %dma_start3A_50 : memref<1x80xi32, #tpu.memory_space<vmem>> -> memref<80xi32, #tpu.memory_space<vmem>>
        %dma_start3A_52 = arith.constant 0 : i32
        %dma_start3A_53 = arith.constant 0 : i32
        %dma_start3A_54 = tpu.memref_slice %arg10[%dma_start3A_52, %dma_start3A_53] : memref<10000x128xf32, #tpu.memory_space<vmem_shared>> -> memref<10000x128xf32, #tpu.memory_space<vmem_shared>>
        tpu.enqueue_indirect_dma source(%arg8 : memref<80x128xf32, #tpu.memory_space<vmem>>) target(%dma_start3A_54 : memref<10000x128xf32, #tpu.memory_space<vmem_shared>>) offsets(%dma_start3A_51 : memref<80xi32, #tpu.memory_space<vmem>>) semaphore(%run_scoped3A : memref<!tpu.dma_semaphore, #tpu.memory_space<semaphore_mem>>) {add = true}
        %dma_wait3A_55 = arith.constant 0 : i32
        %dma_wait3A_56 = tpu.memref_slice %arg7[%scan3A_38, %dma_wait3A_55] : memref<125x80xi32, #tpu.memory_space<vmem>> -> memref<1x80xi32, #tpu.memory_space<vmem>>
        %dma_wait3A_57 = tpu.memref_squeeze %dma_wait3A_56 : memref<1x80xi32, #tpu.memory_space<vmem>> -> memref<80xi32, #tpu.memory_space<vmem>>
        %dma_wait3A_58 = arith.constant 0 : i32
        %dma_wait3A_59 = arith.constant 0 : i32
        %dma_wait3A_60 = tpu.memref_slice %arg10[%dma_wait3A_58, %dma_wait3A_59] : memref<10000x128xf32, #tpu.memory_space<vmem_shared>> -> memref<10000x128xf32, #tpu.memory_space<vmem_shared>>
        tpu.wait_indirect_dma semaphore(%run_scoped3A : memref<!tpu.dma_semaphore, #tpu.memory_space<semaphore_mem>>) src(%arg8 : memref<80x128xf32, #tpu.memory_space<vmem>>) dst(%dma_wait3A_60 : memref<10000x128xf32, #tpu.memory_space<vmem_shared>>)
        tpu.yield
      }) : () -> ()
      %scan3A_48 = arith.constant 0 : i32
      scf.yield %scan3A_48 : i32
    }
    %scan3A_26 = arith.constant 125 : i32
    %barrier3A_27 = arith.constant 0 : index
    tpu.barrier barrier_id(%barrier3A_27)
    %lt3A_28 = arith.constant 15 : i32
    %lt3A_29 = arith.cmpi slt, %arg1, %lt3A_28 : i32
    %convert_element_type3A_30 = arith.extui %lt3A_29 : i1 to i32
    %cond3A_31 = arith.constant 0 : i32
    %cond3A_32 = arith.cmpi ne, %convert_element_type3A_30, %cond3A_31 : i32
    scf.if %cond3A_32 {
      %mul3A_38 = arith.constant 640 : i32
      %mul3A_39 = arith.muli %arg1, %mul3A_38 : i32
      %mul3A_40 = arith.constant 10000 : i32
      %mul3A_41 = arith.muli %arg0, %mul3A_40 : i32
      %mul3A_42 = arith.constant 640 : i32
      %mul3A_43 = arith.muli %arg1, %mul3A_42 : i32
      %add3A = arith.addi %mul3A_41, %mul3A_43 : i32
      "tpu.region"() ({
        %run_scoped3A = tpu.sem_alloc : memref<!tpu.dma_semaphore, #tpu.memory_space<semaphore_mem>>
        %dma_start3A = arith.constant 0 : i32
        %dma_start3A_44 = tpu.memref_slice %arg5[%add3A, %dma_start3A] : memref<20000x128xf32, #tpu.memory_space<hbm>> -> memref<640x128xf32, #tpu.memory_space<hbm>>
        %dma_start3A_45 = arith.constant 0 : i32
        %dma_start3A_46 = tpu.memref_slice %arg10[%mul3A_39, %dma_start3A_45] : memref<10000x128xf32, #tpu.memory_space<vmem_shared>> -> memref<640x128xf32, #tpu.memory_space<vmem_shared>>
        tpu.enqueue_dma source(%dma_start3A_46 : memref<640x128xf32, #tpu.memory_space<vmem_shared>>) target(%dma_start3A_44 : memref<640x128xf32, #tpu.memory_space<hbm>>) target_semaphore(%run_scoped3A : memref<!tpu.dma_semaphore, #tpu.memory_space<semaphore_mem>>)
        %dma_wait3A = arith.constant 0 : i32
        %dma_wait3A_47 = tpu.memref_slice %arg5[%add3A, %dma_wait3A] : memref<20000x128xf32, #tpu.memory_space<hbm>> -> memref<640x128xf32, #tpu.memory_space<hbm>>
        %dma_wait3A_48 = arith.constant 0 : i32
        %dma_wait3A_49 = tpu.memref_slice %arg10[%mul3A_39, %dma_wait3A_48] : memref<10000x128xf32, #tpu.memory_space<vmem_shared>> -> memref<640x128xf32, #tpu.memory_space<vmem_shared>>
        tpu.wait_dma2 semaphore(%run_scoped3A : memref<!tpu.dma_semaphore, #tpu.memory_space<semaphore_mem>>) src(%dma_wait3A_49 : memref<640x128xf32, #tpu.memory_space<vmem_shared>>) dst(%dma_wait3A_47 : memref<640x128xf32, #tpu.memory_space<hbm>>)
        tpu.yield
      }) : () -> ()
    } else {
    }
    %eq3A_33 = arith.constant 15 : i32
    %eq3A_34 = arith.cmpi eq, %arg1, %eq3A_33 : i32
    %convert_element_type3A_35 = arith.extui %eq3A_34 : i1 to i32
    %cond3A_36 = arith.constant 0 : i32
    %cond3A_37 = arith.cmpi ne, %convert_element_type3A_35, %cond3A_36 : i32
    scf.if %cond3A_37 {
      %mul3A_38 = arith.constant 10000 : i32
      %mul3A_39 = arith.muli %arg0, %mul3A_38 : i32
      %add3A = arith.constant 9600 : i32
      %add3A_40 = arith.addi %mul3A_39, %add3A : i32
      "tpu.region"() ({
        %run_scoped3A = tpu.sem_alloc : memref<!tpu.dma_semaphore, #tpu.memory_space<semaphore_mem>>
        %dma_start3A = arith.constant 0 : i32
        %dma_start3A_41 = tpu.memref_slice %arg5[%add3A_40, %dma_start3A] : memref<20000x128xf32, #tpu.memory_space<hbm>> -> memref<400x128xf32, #tpu.memory_space<hbm>>
        %dma_start3A_42 = arith.constant 9600 : i32
        %dma_start3A_43 = arith.constant 0 : i32
        %dma_start3A_44 = tpu.memref_slice %arg10[%dma_start3A_42, %dma_start3A_43] : memref<10000x128xf32, #tpu.memory_space<vmem_shared>> -> memref<400x128xf32, #tpu.memory_space<vmem_shared>>
        tpu.enqueue_dma source(%dma_start3A_44 : memref<400x128xf32, #tpu.memory_space<vmem_shared>>) target(%dma_start3A_41 : memref<400x128xf32, #tpu.memory_space<hbm>>) target_semaphore(%run_scoped3A : memref<!tpu.dma_semaphore, #tpu.memory_space<semaphore_mem>>)
        %dma_wait3A = arith.constant 0 : i32
        %dma_wait3A_45 = tpu.memref_slice %arg5[%add3A_40, %dma_wait3A] : memref<20000x128xf32, #tpu.memory_space<hbm>> -> memref<400x128xf32, #tpu.memory_space<hbm>>
        %dma_wait3A_46 = arith.constant 9600 : i32
        %dma_wait3A_47 = arith.constant 0 : i32
        %dma_wait3A_48 = tpu.memref_slice %arg10[%dma_wait3A_46, %dma_wait3A_47] : memref<10000x128xf32, #tpu.memory_space<vmem_shared>> -> memref<400x128xf32, #tpu.memory_space<vmem_shared>>
        tpu.wait_dma2 semaphore(%run_scoped3A : memref<!tpu.dma_semaphore, #tpu.memory_space<semaphore_mem>>) src(%dma_wait3A_48 : memref<400x128xf32, #tpu.memory_space<vmem_shared>>) dst(%dma_wait3A_45 : memref<400x128xf32, #tpu.memory_space<hbm>>)
        tpu.yield
      }) : () -> ()
    } else {
    }
    return
  }
}

#map = affine_map<(d0, d1) -> (0, 0, 0)>
#map1 = affine_map<(d0, d1) -> (0, 0)>
module attributes {stable_mosaic.version = 14 : i64} {
  func.func @_deg_kernel(%arg0: i32, %arg1: i32, %arg2: memref<16x125x80xi32, #tpu.memory_space<hbm>>, %arg3: memref<20000x16xf32, #tpu.memory_space<hbm>>, %arg4: memref<125x80xi32, #tpu.memory_space<vmem>>, %arg5: memref<80x16xf32, #tpu.memory_space<vmem>>, %arg6: memref<80x16xf32, #tpu.memory_space<vmem>>, %arg7: memref<10000x16xf32, #tpu.memory_space<vmem_shared>>, %arg8: memref<!tpu.dma_semaphore, #tpu.memory_space<semaphore_mem>>) attributes {dimension_semantics = [#tpu.dimension_semantics<core_parallel>, #tpu.dimension_semantics<subcore_parallel>], iteration_bounds = array<i64: 2, 16>, scalar_prefetch = 0 : i64, scratch_operands = 5 : i64, tpu.core_type = #tpu.core_type<sc_vector_subcore>, window_params = [{transform_indices = #map}, {transform_indices = #map1}]} {
    "tpu.region"() ({
      %run_scoped3A = tpu.sem_alloc : memref<!tpu.dma_semaphore, #tpu.memory_space<semaphore_mem>>
      %dma_start3A = arith.constant 0 : i32
      %dma_start3A_30 = arith.constant 0 : i32
      %dma_start3A_31 = tpu.memref_slice %arg2[%arg1, %dma_start3A, %dma_start3A_30] : memref<16x125x80xi32, #tpu.memory_space<hbm>> -> memref<1x125x80xi32, #tpu.memory_space<hbm>>
      %dma_start3A_32 = tpu.memref_squeeze %dma_start3A_31 : memref<1x125x80xi32, #tpu.memory_space<hbm>> -> memref<125x80xi32, #tpu.memory_space<hbm>>
      %dma_start3A_33 = arith.constant 0 : i32
      %dma_start3A_34 = arith.constant 0 : i32
      %dma_start3A_35 = tpu.memref_slice %arg2[%arg1, %dma_start3A_33, %dma_start3A_34] : memref<16x125x80xi32, #tpu.memory_space<hbm>> -> memref<1x125x80xi32, #tpu.memory_space<hbm>>
      %dma_start3A_36 = tpu.memref_squeeze %dma_start3A_35 : memref<1x125x80xi32, #tpu.memory_space<hbm>> -> memref<125x80xi32, #tpu.memory_space<hbm>>
      tpu.enqueue_dma source(%dma_start3A_36 : memref<125x80xi32, #tpu.memory_space<hbm>>) target(%arg4 : memref<125x80xi32, #tpu.memory_space<vmem>>) target_semaphore(%run_scoped3A : memref<!tpu.dma_semaphore, #tpu.memory_space<semaphore_mem>>)
      %dma_wait3A = arith.constant 0 : i32
      %dma_wait3A_37 = arith.constant 0 : i32
      %dma_wait3A_38 = tpu.memref_slice %arg2[%arg1, %dma_wait3A, %dma_wait3A_37] : memref<16x125x80xi32, #tpu.memory_space<hbm>> -> memref<1x125x80xi32, #tpu.memory_space<hbm>>
      %dma_wait3A_39 = tpu.memref_squeeze %dma_wait3A_38 : memref<1x125x80xi32, #tpu.memory_space<hbm>> -> memref<125x80xi32, #tpu.memory_space<hbm>>
      %dma_wait3A_40 = arith.constant 0 : i32
      %dma_wait3A_41 = arith.constant 0 : i32
      %dma_wait3A_42 = tpu.memref_slice %arg2[%arg1, %dma_wait3A_40, %dma_wait3A_41] : memref<16x125x80xi32, #tpu.memory_space<hbm>> -> memref<1x125x80xi32, #tpu.memory_space<hbm>>
      %dma_wait3A_43 = tpu.memref_squeeze %dma_wait3A_42 : memref<1x125x80xi32, #tpu.memory_space<hbm>> -> memref<125x80xi32, #tpu.memory_space<hbm>>
      tpu.wait_dma2 semaphore(%run_scoped3A : memref<!tpu.dma_semaphore, #tpu.memory_space<semaphore_mem>>) src(%dma_wait3A_43 : memref<125x80xi32, #tpu.memory_space<hbm>>) dst(%arg4 : memref<125x80xi32, #tpu.memory_space<vmem>>)
      tpu.yield
    }) : () -> ()
    %scan3A = arith.constant 0 : i32
    %scan3A_0 = arith.constant 0 : i32
    %scan3A_1 = arith.constant 80 : i32
    %scan3A_2 = arith.addi %scan3A_0, %scan3A_1 : i32
    %scan3A_3 = arith.constant 1 : i32
    %scan3A_4 = scf.for %scan3A_30 = %scan3A_0 to %scan3A_2 step %scan3A_3 iter_args(%scan3A_31 = %scan3A) -> (i32)  : i32 {
      %broadcast_in_dim3A = arith.constant 1.000000e+00 : f32
      %broadcast_in_dim3A_32 = vector.broadcast %broadcast_in_dim3A : f32 to vector<16xf32>
      %swap3A = arith.index_cast %scan3A_30 : i32 to index
      %swap3A_33 = arith.constant 0 : index
      %swap3A_34 = tpu.vector_load %arg5[%swap3A, %swap3A_33] {strides = array<i32>} : memref<80x16xf32, #tpu.memory_space<vmem>>, vector<1x16xf32>,
      %swap3A_35 = vector.shape_cast %swap3A_34 : vector<1x16xf32> to vector<16xf32>
      %swap3A_36 = vector.shape_cast %broadcast_in_dim3A_32 : vector<16xf32> to vector<1x16xf32>
      tpu.vector_store %arg5[%swap3A, %swap3A_33], %swap3A_36 {strides = array<i32>} : memref<80x16xf32, #tpu.memory_space<vmem>>, vector<1x16xf32>,
      %broadcast_in_dim3A_37 = arith.constant 0.000000e+00 : f32
      %broadcast_in_dim3A_38 = vector.broadcast %broadcast_in_dim3A_37 : f32 to vector<16xf32>
      %swap3A_39 = arith.index_cast %scan3A_30 : i32 to index
      %swap3A_40 = arith.constant 0 : index
      %swap3A_41 = tpu.vector_load %arg6[%swap3A_39, %swap3A_40] {strides = array<i32>} : memref<80x16xf32, #tpu.memory_space<vmem>>, vector<1x16xf32>,
      %swap3A_42 = vector.shape_cast %swap3A_41 : vector<1x16xf32> to vector<16xf32>
      %swap3A_43 = vector.shape_cast %broadcast_in_dim3A_38 : vector<16xf32> to vector<1x16xf32>
      tpu.vector_store %arg6[%swap3A_39, %swap3A_40], %swap3A_43 {strides = array<i32>} : memref<80x16xf32, #tpu.memory_space<vmem>>, vector<1x16xf32>,
      %scan3A_44 = arith.constant 0 : i32
      scf.yield %scan3A_44 : i32
    }
    %scan3A_5 = arith.constant 80 : i32
    %lt3A = arith.constant 15 : i32
    %lt3A_6 = arith.cmpi slt, %arg1, %lt3A : i32
    %convert_element_type3A = arith.extui %lt3A_6 : i1 to i32
    %cond3A = arith.constant 0 : i32
    %cond3A_7 = arith.cmpi ne, %convert_element_type3A, %cond3A : i32
    scf.if %cond3A_7 {
      %scan3A_30 = arith.constant 0 : i32
      %scan3A_31 = arith.constant 0 : i32
      %scan3A_32 = arith.constant 8 : i32
      %scan3A_33 = arith.addi %scan3A_31, %scan3A_32 : i32
      %scan3A_34 = arith.constant 1 : i32
      %scan3A_35 = scf.for %scan3A_37 = %scan3A_31 to %scan3A_33 step %scan3A_34 iter_args(%scan3A_38 = %scan3A_30) -> (i32)  : i32 {
        %mul3A = arith.constant 640 : i32
        %mul3A_39 = arith.muli %arg1, %mul3A : i32
        %mul3A_40 = arith.constant 80 : i32
        %mul3A_41 = arith.muli %scan3A_37, %mul3A_40 : i32
        %add3A = arith.addi %mul3A_39, %mul3A_41 : i32
        "tpu.region"() ({
          %run_scoped3A = tpu.sem_alloc : memref<!tpu.dma_semaphore, #tpu.memory_space<semaphore_mem>>
          %dma_start3A = arith.constant 0 : i32
          %dma_start3A_43 = tpu.memref_slice %arg7[%add3A, %dma_start3A] : memref<10000x16xf32, #tpu.memory_space<vmem_shared>> -> memref<80x16xf32, #tpu.memory_space<vmem_shared>>
          %dma_start3A_44 = arith.constant 0 : i32
          %dma_start3A_45 = tpu.memref_slice %arg7[%add3A, %dma_start3A_44] : memref<10000x16xf32, #tpu.memory_space<vmem_shared>> -> memref<80x16xf32, #tpu.memory_space<vmem_shared>>
          tpu.enqueue_dma source(%arg6 : memref<80x16xf32, #tpu.memory_space<vmem>>) target(%dma_start3A_45 : memref<80x16xf32, #tpu.memory_space<vmem_shared>>) target_semaphore(%run_scoped3A : memref<!tpu.dma_semaphore, #tpu.memory_space<semaphore_mem>>)
          %dma_wait3A = arith.constant 0 : i32
          %dma_wait3A_46 = tpu.memref_slice %arg7[%add3A, %dma_wait3A] : memref<10000x16xf32, #tpu.memory_space<vmem_shared>> -> memref<80x16xf32, #tpu.memory_space<vmem_shared>>
          %dma_wait3A_47 = arith.constant 0 : i32
          %dma_wait3A_48 = tpu.memref_slice %arg7[%add3A, %dma_wait3A_47] : memref<10000x16xf32, #tpu.memory_space<vmem_shared>> -> memref<80x16xf32, #tpu.memory_space<vmem_shared>>
          tpu.wait_dma2 semaphore(%run_scoped3A : memref<!tpu.dma_semaphore, #tpu.memory_space<semaphore_mem>>) src(%arg6 : memref<80x16xf32, #tpu.memory_space<vmem>>) dst(%dma_wait3A_48 : memref<80x16xf32, #tpu.memory_space<vmem_shared>>)
          tpu.yield
        }) : () -> ()
        %scan3A_42 = arith.constant 0 : i32
        scf.yield %scan3A_42 : i32
      }
      %scan3A_36 = arith.constant 8 : i32
    } else {
    }
    %eq3A = arith.constant 15 : i32
    %eq3A_8 = arith.cmpi eq, %arg1, %eq3A : i32
    %convert_element_type3A_9 = arith.extui %eq3A_8 : i1 to i32
    %cond3A_10 = arith.constant 0 : i32
    %cond3A_11 = arith.cmpi ne, %convert_element_type3A_9, %cond3A_10 : i32
    scf.if %cond3A_11 {
      %scan3A_30 = arith.constant 0 : i32
      %scan3A_31 = arith.constant 0 : i32
      %scan3A_32 = arith.constant 5 : i32
      %scan3A_33 = arith.addi %scan3A_31, %scan3A_32 : i32
      %scan3A_34 = arith.constant 1 : i32
      %scan3A_35 = scf.for %scan3A_37 = %scan3A_31 to %scan3A_33 step %scan3A_34 iter_args(%scan3A_38 = %scan3A_30) -> (i32)  : i32 {
        %mul3A = arith.constant 80 : i32
        %mul3A_39 = arith.muli %scan3A_37, %mul3A : i32
        %add3A = arith.constant 9600 : i32
        %add3A_40 = arith.addi %add3A, %mul3A_39 : i32
        "tpu.region"() ({
          %run_scoped3A = tpu.sem_alloc : memref<!tpu.dma_semaphore, #tpu.memory_space<semaphore_mem>>
          %dma_start3A = arith.constant 0 : i32
          %dma_start3A_42 = tpu.memref_slice %arg7[%add3A_40, %dma_start3A] : memref<10000x16xf32, #tpu.memory_space<vmem_shared>> -> memref<80x16xf32, #tpu.memory_space<vmem_shared>>
          %dma_start3A_43 = arith.constant 0 : i32
          %dma_start3A_44 = tpu.memref_slice %arg7[%add3A_40, %dma_start3A_43] : memref<10000x16xf32, #tpu.memory_space<vmem_shared>> -> memref<80x16xf32, #tpu.memory_space<vmem_shared>>
          tpu.enqueue_dma source(%arg6 : memref<80x16xf32, #tpu.memory_space<vmem>>) target(%dma_start3A_44 : memref<80x16xf32, #tpu.memory_space<vmem_shared>>) target_semaphore(%run_scoped3A : memref<!tpu.dma_semaphore, #tpu.memory_space<semaphore_mem>>)
          %dma_wait3A = arith.constant 0 : i32
          %dma_wait3A_45 = tpu.memref_slice %arg7[%add3A_40, %dma_wait3A] : memref<10000x16xf32, #tpu.memory_space<vmem_shared>> -> memref<80x16xf32, #tpu.memory_space<vmem_shared>>
          %dma_wait3A_46 = arith.constant 0 : i32
          %dma_wait3A_47 = tpu.memref_slice %arg7[%add3A_40, %dma_wait3A_46] : memref<10000x16xf32, #tpu.memory_space<vmem_shared>> -> memref<80x16xf32, #tpu.memory_space<vmem_shared>>
          tpu.wait_dma2 semaphore(%run_scoped3A : memref<!tpu.dma_semaphore, #tpu.memory_space<semaphore_mem>>) src(%arg6 : memref<80x16xf32, #tpu.memory_space<vmem>>) dst(%dma_wait3A_47 : memref<80x16xf32, #tpu.memory_space<vmem_shared>>)
          tpu.yield
        }) : () -> ()
        %scan3A_41 = arith.constant 0 : i32
        scf.yield %scan3A_41 : i32
      }
      %scan3A_36 = arith.constant 5 : i32
    } else {
    }
    %barrier3A = arith.constant 0 : index
    tpu.barrier barrier_id(%barrier3A)
    %scan3A_12 = arith.constant 0 : i32
    %scan3A_13 = arith.constant 0 : i32
    %scan3A_14 = arith.constant 125 : i32
    %scan3A_15 = arith.addi %scan3A_13, %scan3A_14 : i32
    %scan3A_16 = arith.constant 1 : i32
    %scan3A_17 = scf.for %scan3A_30 = %scan3A_13 to %scan3A_15 step %scan3A_16 iter_args(%scan3A_31 = %scan3A_12) -> (i32)  : i32 {
      "tpu.region"() ({
        %run_scoped3A = tpu.sem_alloc : memref<!tpu.dma_semaphore, #tpu.memory_space<semaphore_mem>>
        %dma_start3A = arith.constant 0 : i32
        %dma_start3A_33 = tpu.memref_slice %arg4[%scan3A_30, %dma_start3A] : memref<125x80xi32, #tpu.memory_space<vmem>> -> memref<1x80xi32, #tpu.memory_space<vmem>>
        %dma_start3A_34 = tpu.memref_squeeze %dma_start3A_33 : memref<1x80xi32, #tpu.memory_space<vmem>> -> memref<80xi32, #tpu.memory_space<vmem>>
        %dma_start3A_35 = arith.constant 0 : i32
        %dma_start3A_36 = arith.constant 0 : i32
        %dma_start3A_37 = tpu.memref_slice %arg7[%dma_start3A_35, %dma_start3A_36] : memref<10000x16xf32, #tpu.memory_space<vmem_shared>> -> memref<10000x16xf32, #tpu.memory_space<vmem_shared>>
        tpu.enqueue_indirect_dma source(%arg5 : memref<80x16xf32, #tpu.memory_space<vmem>>) target(%dma_start3A_37 : memref<10000x16xf32, #tpu.memory_space<vmem_shared>>) offsets(%dma_start3A_34 : memref<80xi32, #tpu.memory_space<vmem>>) semaphore(%run_scoped3A : memref<!tpu.dma_semaphore, #tpu.memory_space<semaphore_mem>>) {add = true}
        %dma_wait3A = arith.constant 0 : i32
        %dma_wait3A_38 = tpu.memref_slice %arg4[%scan3A_30, %dma_wait3A] : memref<125x80xi32, #tpu.memory_space<vmem>> -> memref<1x80xi32, #tpu.memory_space<vmem>>
        %dma_wait3A_39 = tpu.memref_squeeze %dma_wait3A_38 : memref<1x80xi32, #tpu.memory_space<vmem>> -> memref<80xi32, #tpu.memory_space<vmem>>
        %dma_wait3A_40 = arith.constant 0 : i32
        %dma_wait3A_41 = arith.constant 0 : i32
        %dma_wait3A_42 = tpu.memref_slice %arg7[%dma_wait3A_40, %dma_wait3A_41] : memref<10000x16xf32, #tpu.memory_space<vmem_shared>> -> memref<10000x16xf32, #tpu.memory_space<vmem_shared>>
        tpu.wait_indirect_dma semaphore(%run_scoped3A : memref<!tpu.dma_semaphore, #tpu.memory_space<semaphore_mem>>) src(%arg5 : memref<80x16xf32, #tpu.memory_space<vmem>>) dst(%dma_wait3A_42 : memref<10000x16xf32, #tpu.memory_space<vmem_shared>>)
        tpu.yield
      }) : () -> ()
      %scan3A_32 = arith.constant 0 : i32
      scf.yield %scan3A_32 : i32
    }
    %scan3A_18 = arith.constant 125 : i32
    %barrier3A_19 = arith.constant 0 : index
    tpu.barrier barrier_id(%barrier3A_19)
    %lt3A_20 = arith.constant 15 : i32
    %lt3A_21 = arith.cmpi slt, %arg1, %lt3A_20 : i32
    %convert_element_type3A_22 = arith.extui %lt3A_21 : i1 to i32
    %cond3A_23 = arith.constant 0 : i32
    %cond3A_24 = arith.cmpi ne, %convert_element_type3A_22, %cond3A_23 : i32
    scf.if %cond3A_24 {
      %mul3A = arith.constant 640 : i32
      %mul3A_30 = arith.muli %arg1, %mul3A : i32
      %mul3A_31 = arith.constant 10000 : i32
      %mul3A_32 = arith.muli %arg0, %mul3A_31 : i32
      %mul3A_33 = arith.constant 640 : i32
      %mul3A_34 = arith.muli %arg1, %mul3A_33 : i32
      %add3A = arith.addi %mul3A_32, %mul3A_34 : i32
      "tpu.region"() ({
        %run_scoped3A = tpu.sem_alloc : memref<!tpu.dma_semaphore, #tpu.memory_space<semaphore_mem>>
        %dma_start3A = arith.constant 0 : i32
        %dma_start3A_35 = tpu.memref_slice %arg3[%add3A, %dma_start3A] : memref<20000x16xf32, #tpu.memory_space<hbm>> -> memref<640x16xf32, #tpu.memory_space<hbm>>
        %dma_start3A_36 = arith.constant 0 : i32
        %dma_start3A_37 = tpu.memref_slice %arg7[%mul3A_30, %dma_start3A_36] : memref<10000x16xf32, #tpu.memory_space<vmem_shared>> -> memref<640x16xf32, #tpu.memory_space<vmem_shared>>
        tpu.enqueue_dma source(%dma_start3A_37 : memref<640x16xf32, #tpu.memory_space<vmem_shared>>) target(%dma_start3A_35 : memref<640x16xf32, #tpu.memory_space<hbm>>) target_semaphore(%run_scoped3A : memref<!tpu.dma_semaphore, #tpu.memory_space<semaphore_mem>>)
        %dma_wait3A = arith.constant 0 : i32
        %dma_wait3A_38 = tpu.memref_slice %arg3[%add3A, %dma_wait3A] : memref<20000x16xf32, #tpu.memory_space<hbm>> -> memref<640x16xf32, #tpu.memory_space<hbm>>
        %dma_wait3A_39 = arith.constant 0 : i32
        %dma_wait3A_40 = tpu.memref_slice %arg7[%mul3A_30, %dma_wait3A_39] : memref<10000x16xf32, #tpu.memory_space<vmem_shared>> -> memref<640x16xf32, #tpu.memory_space<vmem_shared>>
        tpu.wait_dma2 semaphore(%run_scoped3A : memref<!tpu.dma_semaphore, #tpu.memory_space<semaphore_mem>>) src(%dma_wait3A_40 : memref<640x16xf32, #tpu.memory_space<vmem_shared>>) dst(%dma_wait3A_38 : memref<640x16xf32, #tpu.memory_space<hbm>>)
        tpu.yield
      }) : () -> ()
    } else {
    }
    %eq3A_25 = arith.constant 15 : i32
    %eq3A_26 = arith.cmpi eq, %arg1, %eq3A_25 : i32
    %convert_element_type3A_27 = arith.extui %eq3A_26 : i1 to i32
    %cond3A_28 = arith.constant 0 : i32
    %cond3A_29 = arith.cmpi ne, %convert_element_type3A_27, %cond3A_28 : i32
    scf.if %cond3A_29 {
      %mul3A = arith.constant 10000 : i32
      %mul3A_30 = arith.muli %arg0, %mul3A : i32
      %add3A = arith.constant 9600 : i32
      %add3A_31 = arith.addi %mul3A_30, %add3A : i32
      "tpu.region"() ({
        %run_scoped3A = tpu.sem_alloc : memref<!tpu.dma_semaphore, #tpu.memory_space<semaphore_mem>>
        %dma_start3A = arith.constant 0 : i32
        %dma_start3A_32 = tpu.memref_slice %arg3[%add3A_31, %dma_start3A] : memref<20000x16xf32, #tpu.memory_space<hbm>> -> memref<400x16xf32, #tpu.memory_space<hbm>>
        %dma_start3A_33 = arith.constant 9600 : i32
        %dma_start3A_34 = arith.constant 0 : i32
        %dma_start3A_35 = tpu.memref_slice %arg7[%dma_start3A_33, %dma_start3A_34] : memref<10000x16xf32, #tpu.memory_space<vmem_shared>> -> memref<400x16xf32, #tpu.memory_space<vmem_shared>>
        tpu.enqueue_dma source(%dma_start3A_35 : memref<400x16xf32, #tpu.memory_space<vmem_shared>>) target(%dma_start3A_32 : memref<400x16xf32, #tpu.memory_space<hbm>>) target_semaphore(%run_scoped3A : memref<!tpu.dma_semaphore, #tpu.memory_space<semaphore_mem>>)
        %dma_wait3A = arith.constant 0 : i32
        %dma_wait3A_36 = tpu.memref_slice %arg3[%add3A_31, %dma_wait3A] : memref<20000x16xf32, #tpu.memory_space<hbm>> -> memref<400x16xf32, #tpu.memory_space<hbm>>
        %dma_wait3A_37 = arith.constant 9600 : i32
        %dma_wait3A_38 = arith.constant 0 : i32
        %dma_wait3A_39 = tpu.memref_slice %arg7[%dma_wait3A_37, %dma_wait3A_38] : memref<10000x16xf32, #tpu.memory_space<vmem_shared>> -> memref<400x16xf32, #tpu.memory_space<vmem_shared>>
        tpu.wait_dma2 semaphore(%run_scoped3A : memref<!tpu.dma_semaphore, #tpu.memory_space<semaphore_mem>>) src(%dma_wait3A_39 : memref<400x16xf32, #tpu.memory_space<vmem_shared>>) dst(%dma_wait3A_36 : memref<400x16xf32, #tpu.memory_space<hbm>>)
        tpu.yield
      }) : () -> ()
    } else {
    }
    return
  }
}

#map = affine_map<(d0, d1) -> (0, 0)>
#map1 = affine_map<(d0, d1) -> (0, 0, 0)>
module attributes {stable_mosaic.version = 14 : i64} {
  func.func @prop(%arg0: i32, %arg1: i32, %arg2: memref<20000x128xf32, #tpu.memory_space<hbm>>, %arg3: memref<16x10000xi32, #tpu.memory_space<hbm>>, %arg4: memref<16x125x80xi32, #tpu.memory_space<hbm>>, %arg5: memref<20000x128xf32, #tpu.memory_space<hbm>>, %arg6: memref<10000xi32, #tpu.memory_space<vmem>>, %arg7: memref<125x80xi32, #tpu.memory_space<vmem>>, %arg8: memref<80x128xf32, #tpu.memory_space<vmem>>, %arg9: memref<80x128xf32, #tpu.memory_space<vmem>>, %arg10: memref<10000x128xf32, #tpu.memory_space<vmem_shared>>, %arg11: memref<!tpu.dma_semaphore, #tpu.memory_space<semaphore_mem>>) attributes {dimension_semantics = [#tpu.dimension_semantics<core_parallel>, #tpu.dimension_semantics<subcore_parallel>], iteration_bounds = array<i64: 2, 16>, scalar_prefetch = 0 : i64, scratch_operands = 6 : i64, tpu.core_type = #tpu.core_type<sc_vector_subcore>, window_params = [{transform_indices = #map}, {transform_indices = #map}, {transform_indices = #map1}, {transform_indices = #map}]} {
    "tpu.region"() ({
      %run_scoped3A = tpu.sem_alloc : memref<!tpu.dma_semaphore, #tpu.memory_space<semaphore_mem>>
      %dma_start3A = arith.constant 0 : i32
      %dma_start3A_38 = tpu.memref_slice %arg3[%arg1, %dma_start3A] : memref<16x10000xi32, #tpu.memory_space<hbm>> -> memref<1x10000xi32, #tpu.memory_space<hbm>>
      %dma_start3A_39 = tpu.memref_squeeze %dma_start3A_38 : memref<1x10000xi32, #tpu.memory_space<hbm>> -> memref<10000xi32, #tpu.memory_space<hbm>>
      %dma_start3A_40 = arith.constant 0 : i32
      %dma_start3A_41 = tpu.memref_slice %arg3[%arg1, %dma_start3A_40] : memref<16x10000xi32, #tpu.memory_space<hbm>> -> memref<1x10000xi32, #tpu.memory_space<hbm>>
      %dma_start3A_42 = tpu.memref_squeeze %dma_start3A_41 : memref<1x10000xi32, #tpu.memory_space<hbm>> -> memref<10000xi32, #tpu.memory_space<hbm>>
      tpu.enqueue_dma source(%dma_start3A_42 : memref<10000xi32, #tpu.memory_space<hbm>>) target(%arg6 : memref<10000xi32, #tpu.memory_space<vmem>>) target_semaphore(%run_scoped3A : memref<!tpu.dma_semaphore, #tpu.memory_space<semaphore_mem>>)
      %dma_wait3A = arith.constant 0 : i32
      %dma_wait3A_43 = tpu.memref_slice %arg3[%arg1, %dma_wait3A] : memref<16x10000xi32, #tpu.memory_space<hbm>> -> memref<1x10000xi32, #tpu.memory_space<hbm>>
      %dma_wait3A_44 = tpu.memref_squeeze %dma_wait3A_43 : memref<1x10000xi32, #tpu.memory_space<hbm>> -> memref<10000xi32, #tpu.memory_space<hbm>>
      %dma_wait3A_45 = arith.constant 0 : i32
      %dma_wait3A_46 = tpu.memref_slice %arg3[%arg1, %dma_wait3A_45] : memref<16x10000xi32, #tpu.memory_space<hbm>> -> memref<1x10000xi32, #tpu.memory_space<hbm>>
      %dma_wait3A_47 = tpu.memref_squeeze %dma_wait3A_46 : memref<1x10000xi32, #tpu.memory_space<hbm>> -> memref<10000xi32, #tpu.memory_space<hbm>>
      tpu.wait_dma2 semaphore(%run_scoped3A : memref<!tpu.dma_semaphore, #tpu.memory_space<semaphore_mem>>) src(%dma_wait3A_47 : memref<10000xi32, #tpu.memory_space<hbm>>) dst(%arg6 : memref<10000xi32, #tpu.memory_space<vmem>>)
      tpu.yield
    }) : () -> ()
    "tpu.region"() ({
      %run_scoped3A = tpu.sem_alloc : memref<!tpu.dma_semaphore, #tpu.memory_space<semaphore_mem>>
      %dma_start3A = arith.constant 0 : i32
      %dma_start3A_38 = arith.constant 0 : i32
      %dma_start3A_39 = tpu.memref_slice %arg4[%arg1, %dma_start3A, %dma_start3A_38] : memref<16x125x80xi32, #tpu.memory_space<hbm>> -> memref<1x125x80xi32, #tpu.memory_space<hbm>>
      %dma_start3A_40 = tpu.memref_squeeze %dma_start3A_39 : memref<1x125x80xi32, #tpu.memory_space<hbm>> -> memref<125x80xi32, #tpu.memory_space<hbm>>
      %dma_start3A_41 = arith.constant 0 : i32
      %dma_start3A_42 = arith.constant 0 : i32
      %dma_start3A_43 = tpu.memref_slice %arg4[%arg1, %dma_start3A_41, %dma_start3A_42] : memref<16x125x80xi32, #tpu.memory_space<hbm>> -> memref<1x125x80xi32, #tpu.memory_space<hbm>>
      %dma_start3A_44 = tpu.memref_squeeze %dma_start3A_43 : memref<1x125x80xi32, #tpu.memory_space<hbm>> -> memref<125x80xi32, #tpu.memory_space<hbm>>
      tpu.enqueue_dma source(%dma_start3A_44 : memref<125x80xi32, #tpu.memory_space<hbm>>) target(%arg7 : memref<125x80xi32, #tpu.memory_space<vmem>>) target_semaphore(%run_scoped3A : memref<!tpu.dma_semaphore, #tpu.memory_space<semaphore_mem>>)
      %dma_wait3A = arith.constant 0 : i32
      %dma_wait3A_45 = arith.constant 0 : i32
      %dma_wait3A_46 = tpu.memref_slice %arg4[%arg1, %dma_wait3A, %dma_wait3A_45] : memref<16x125x80xi32, #tpu.memory_space<hbm>> -> memref<1x125x80xi32, #tpu.memory_space<hbm>>
      %dma_wait3A_47 = tpu.memref_squeeze %dma_wait3A_46 : memref<1x125x80xi32, #tpu.memory_space<hbm>> -> memref<125x80xi32, #tpu.memory_space<hbm>>
      %dma_wait3A_48 = arith.constant 0 : i32
      %dma_wait3A_49 = arith.constant 0 : i32
      %dma_wait3A_50 = tpu.memref_slice %arg4[%arg1, %dma_wait3A_48, %dma_wait3A_49] : memref<16x125x80xi32, #tpu.memory_space<hbm>> -> memref<1x125x80xi32, #tpu.memory_space<hbm>>
      %dma_wait3A_51 = tpu.memref_squeeze %dma_wait3A_50 : memref<1x125x80xi32, #tpu.memory_space<hbm>> -> memref<125x80xi32, #tpu.memory_space<hbm>>
      tpu.wait_dma2 semaphore(%run_scoped3A : memref<!tpu.dma_semaphore, #tpu.memory_space<semaphore_mem>>) src(%dma_wait3A_51 : memref<125x80xi32, #tpu.memory_space<hbm>>) dst(%arg7 : memref<125x80xi32, #tpu.memory_space<vmem>>)
      tpu.yield
    }) : () -> ()
    %mul3A = arith.constant 10000 : i32
    %mul3A_0 = arith.muli %arg0, %mul3A : i32
    %scan3A = arith.constant 0 : i32
    %scan3A_1 = arith.constant 0 : i32
    %scan3A_2 = arith.constant 625 : i32
    %scan3A_3 = arith.addi %scan3A_1, %scan3A_2 : i32
    %scan3A_4 = arith.constant 1 : i32
    %scan3A_5 = scf.for %scan3A_38 = %scan3A_1 to %scan3A_3 step %scan3A_4 iter_args(%scan3A_39 = %scan3A) -> (i32)  : i32 {
      %mul3A_40 = arith.constant 16 : i32
      %mul3A_41 = arith.muli %scan3A_38, %mul3A_40 : i32
      %get3A = arith.index_cast %mul3A_41 : i32 to index
      %get3A_42 = tpu.vector_load %arg6[%get3A] {strides = array<i32>} : memref<10000xi32, #tpu.memory_space<vmem>>, vector<16xi32>,
      %get3A_43 = vector.shape_cast %get3A_42 : vector<16xi32> to vector<16xi32>
      %add3A = vector.broadcast %mul3A_0 : i32 to vector<16xi32>
      %add3A_44 = arith.addi %get3A_43, %add3A : vector<16xi32>
      %mul3A_45 = arith.constant 16 : i32
      %mul3A_46 = arith.muli %scan3A_38, %mul3A_45 : i32
      %swap3A = arith.index_cast %mul3A_46 : i32 to index
      %swap3A_47 = tpu.vector_load %arg6[%swap3A] {strides = array<i32>} : memref<10000xi32, #tpu.memory_space<vmem>>, vector<16xi32>,
      %swap3A_48 = vector.shape_cast %swap3A_47 : vector<16xi32> to vector<16xi32>
      %swap3A_49 = vector.shape_cast %add3A_44 : vector<16xi32> to vector<16xi32>
      tpu.vector_store %arg6[%swap3A], %swap3A_49 {strides = array<i32>} : memref<10000xi32, #tpu.memory_space<vmem>>, vector<16xi32>,
      %scan3A_50 = arith.constant 0 : i32
      scf.yield %scan3A_50 : i32
    }
    %scan3A_6 = arith.constant 625 : i32
    %scan3A_7 = arith.constant 0 : i32
    %scan3A_8 = arith.constant 0 : i32
    %scan3A_9 = arith.constant 640 : i32
    %scan3A_10 = arith.addi %scan3A_8, %scan3A_9 : i32
    %scan3A_11 = arith.constant 1 : i32
    %scan3A_12 = scf.for %scan3A_38 = %scan3A_8 to %scan3A_10 step %scan3A_11 iter_args(%scan3A_39 = %scan3A_7) -> (i32)  : i32 {
      %jit3A = arith.constant 8 : i32
      %div3A = arith.divsi %scan3A_38, %jit3A : i32
      %sign3A = arith.constant 0 : i32
      %sign3A_40 = arith.cmpi sgt, %scan3A_38, %sign3A : i32
      %sign3A_41 = arith.extui %sign3A_40 : i1 to i32
      %sign3A_42 = arith.constant 0 : i32
      %sign3A_43 = arith.cmpi slt, %scan3A_38, %sign3A_42 : i32
      %sign3A_44 = arith.extui %sign3A_43 : i1 to i32
      %sign3A_45 = arith.subi %sign3A_41, %sign3A_44 : i32
      %sign3A_46 = arith.constant 0 : i32
      %sign3A_47 = arith.cmpi sgt, %jit3A, %sign3A_46 : i32
      %sign3A_48 = arith.extui %sign3A_47 : i1 to i32
      %sign3A_49 = arith.constant 0 : i32
      %sign3A_50 = arith.cmpi slt, %jit3A, %sign3A_49 : i32
      %sign3A_51 = arith.extui %sign3A_50 : i1 to i32
      %sign3A_52 = arith.subi %sign3A_48, %sign3A_51 : i32
      %ne3A = arith.cmpi ne, %sign3A_45, %sign3A_52 : i32
      %rem3A = arith.remsi %scan3A_38, %jit3A : i32
      %ne3A_53 = arith.constant 0 : i32
      %ne3A_54 = arith.cmpi ne, %rem3A, %ne3A_53 : i32
      %and3A = arith.andi %ne3A, %ne3A_54 : i1
      %sub3A = arith.constant 1 : i32
      %sub3A_55 = arith.subi %div3A, %sub3A : i32
      %select_n3A = arith.select %and3A, %sub3A_55, %div3A : i32
      %mul3A_56 = arith.constant 8 : i32
      %mul3A_57 = arith.muli %select_n3A, %mul3A_56 : i32
      %sub3A_58 = arith.subi %scan3A_38, %mul3A_57 : i32
      %broadcast_in_dim3A = arith.constant 0.000000e+00 : f32
      %broadcast_in_dim3A_59 = vector.broadcast %broadcast_in_dim3A : f32 to vector<16xf32>
      %mul3A_60 = arith.constant 16 : i32
      %mul3A_61 = arith.muli %sub3A_58, %mul3A_60 : i32
      %swap3A = arith.index_cast %select_n3A : i32 to index
      %swap3A_62 = arith.index_cast %mul3A_61 : i32 to index
      %swap3A_63 = tpu.vector_load %arg9[%swap3A, %swap3A_62] {strides = array<i32>} : memref<80x128xf32, #tpu.memory_space<vmem>>, vector<1x16xf32>,
      %swap3A_64 = vector.shape_cast %swap3A_63 : vector<1x16xf32> to vector<16xf32>
      %swap3A_65 = vector.shape_cast %broadcast_in_dim3A_59 : vector<16xf32> to vector<1x16xf32>
      tpu.vector_store %arg9[%swap3A, %swap3A_62], %swap3A_65 {strides = array<i32>} : memref<80x128xf32, #tpu.memory_space<vmem>>, vector<1x16xf32>,
      %scan3A_66 = arith.constant 0 : i32
      scf.yield %scan3A_66 : i32
    }
    %scan3A_13 = arith.constant 640 : i32
    %lt3A = arith.constant 15 : i32
    %lt3A_14 = arith.cmpi slt, %arg1, %lt3A : i32
    %convert_element_type3A = arith.extui %lt3A_14 : i1 to i32
    %cond3A = arith.constant 0 : i32
    %cond3A_15 = arith.cmpi ne, %convert_element_type3A, %cond3A : i32
    scf.if %cond3A_15 {
      %scan3A_38 = arith.constant 0 : i32
      %scan3A_39 = arith.constant 0 : i32
      %scan3A_40 = arith.constant 8 : i32
      %scan3A_41 = arith.addi %scan3A_39, %scan3A_40 : i32
      %scan3A_42 = arith.constant 1 : i32
      %scan3A_43 = scf.for %scan3A_45 = %scan3A_39 to %scan3A_41 step %scan3A_42 iter_args(%scan3A_46 = %scan3A_38) -> (i32)  : i32 {
        %mul3A_47 = arith.constant 640 : i32
        %mul3A_48 = arith.muli %arg1, %mul3A_47 : i32
        %mul3A_49 = arith.constant 80 : i32
        %mul3A_50 = arith.muli %scan3A_45, %mul3A_49 : i32
        %add3A = arith.addi %mul3A_48, %mul3A_50 : i32
        "tpu.region"() ({
          %run_scoped3A = tpu.sem_alloc : memref<!tpu.dma_semaphore, #tpu.memory_space<semaphore_mem>>
          %dma_start3A = arith.constant 0 : i32
          %dma_start3A_52 = tpu.memref_slice %arg10[%add3A, %dma_start3A] : memref<10000x128xf32, #tpu.memory_space<vmem_shared>> -> memref<80x128xf32, #tpu.memory_space<vmem_shared>>
          %dma_start3A_53 = arith.constant 0 : i32
          %dma_start3A_54 = tpu.memref_slice %arg10[%add3A, %dma_start3A_53] : memref<10000x128xf32, #tpu.memory_space<vmem_shared>> -> memref<80x128xf32, #tpu.memory_space<vmem_shared>>
          tpu.enqueue_dma source(%arg9 : memref<80x128xf32, #tpu.memory_space<vmem>>) target(%dma_start3A_54 : memref<80x128xf32, #tpu.memory_space<vmem_shared>>) target_semaphore(%run_scoped3A : memref<!tpu.dma_semaphore, #tpu.memory_space<semaphore_mem>>)
          %dma_wait3A = arith.constant 0 : i32
          %dma_wait3A_55 = tpu.memref_slice %arg10[%add3A, %dma_wait3A] : memref<10000x128xf32, #tpu.memory_space<vmem_shared>> -> memref<80x128xf32, #tpu.memory_space<vmem_shared>>
          %dma_wait3A_56 = arith.constant 0 : i32
          %dma_wait3A_57 = tpu.memref_slice %arg10[%add3A, %dma_wait3A_56] : memref<10000x128xf32, #tpu.memory_space<vmem_shared>> -> memref<80x128xf32, #tpu.memory_space<vmem_shared>>
          tpu.wait_dma2 semaphore(%run_scoped3A : memref<!tpu.dma_semaphore, #tpu.memory_space<semaphore_mem>>) src(%arg9 : memref<80x128xf32, #tpu.memory_space<vmem>>) dst(%dma_wait3A_57 : memref<80x128xf32, #tpu.memory_space<vmem_shared>>)
          tpu.yield
        }) : () -> ()
        %scan3A_51 = arith.constant 0 : i32
        scf.yield %scan3A_51 : i32
      }
      %scan3A_44 = arith.constant 8 : i32
    } else {
    }
    %eq3A = arith.constant 15 : i32
    %eq3A_16 = arith.cmpi eq, %arg1, %eq3A : i32
    %convert_element_type3A_17 = arith.extui %eq3A_16 : i1 to i32
    %cond3A_18 = arith.constant 0 : i32
    %cond3A_19 = arith.cmpi ne, %convert_element_type3A_17, %cond3A_18 : i32
    scf.if %cond3A_19 {
      %scan3A_38 = arith.constant 0 : i32
      %scan3A_39 = arith.constant 0 : i32
      %scan3A_40 = arith.constant 5 : i32
      %scan3A_41 = arith.addi %scan3A_39, %scan3A_40 : i32
      %scan3A_42 = arith.constant 1 : i32
      %scan3A_43 = scf.for %scan3A_45 = %scan3A_39 to %scan3A_41 step %scan3A_42 iter_args(%scan3A_46 = %scan3A_38) -> (i32)  : i32 {
        %mul3A_47 = arith.constant 80 : i32
        %mul3A_48 = arith.muli %scan3A_45, %mul3A_47 : i32
        %add3A = arith.constant 9600 : i32
        %add3A_49 = arith.addi %add3A, %mul3A_48 : i32
        "tpu.region"() ({
          %run_scoped3A = tpu.sem_alloc : memref<!tpu.dma_semaphore, #tpu.memory_space<semaphore_mem>>
          %dma_start3A = arith.constant 0 : i32
          %dma_start3A_51 = tpu.memref_slice %arg10[%add3A_49, %dma_start3A] : memref<10000x128xf32, #tpu.memory_space<vmem_shared>> -> memref<80x128xf32, #tpu.memory_space<vmem_shared>>
          %dma_start3A_52 = arith.constant 0 : i32
          %dma_start3A_53 = tpu.memref_slice %arg10[%add3A_49, %dma_start3A_52] : memref<10000x128xf32, #tpu.memory_space<vmem_shared>> -> memref<80x128xf32, #tpu.memory_space<vmem_shared>>
          tpu.enqueue_dma source(%arg9 : memref<80x128xf32, #tpu.memory_space<vmem>>) target(%dma_start3A_53 : memref<80x128xf32, #tpu.memory_space<vmem_shared>>) target_semaphore(%run_scoped3A : memref<!tpu.dma_semaphore, #tpu.memory_space<semaphore_mem>>)
          %dma_wait3A = arith.constant 0 : i32
          %dma_wait3A_54 = tpu.memref_slice %arg10[%add3A_49, %dma_wait3A] : memref<10000x128xf32, #tpu.memory_space<vmem_shared>> -> memref<80x128xf32, #tpu.memory_space<vmem_shared>>
          %dma_wait3A_55 = arith.constant 0 : i32
          %dma_wait3A_56 = tpu.memref_slice %arg10[%add3A_49, %dma_wait3A_55] : memref<10000x128xf32, #tpu.memory_space<vmem_shared>> -> memref<80x128xf32, #tpu.memory_space<vmem_shared>>
          tpu.wait_dma2 semaphore(%run_scoped3A : memref<!tpu.dma_semaphore, #tpu.memory_space<semaphore_mem>>) src(%arg9 : memref<80x128xf32, #tpu.memory_space<vmem>>) dst(%dma_wait3A_56 : memref<80x128xf32, #tpu.memory_space<vmem_shared>>)
          tpu.yield
        }) : () -> ()
        %scan3A_50 = arith.constant 0 : i32
        scf.yield %scan3A_50 : i32
      }
      %scan3A_44 = arith.constant 5 : i32
    } else {
    }
    %barrier3A = arith.constant 0 : index
    tpu.barrier barrier_id(%barrier3A)
    %scan3A_20 = arith.constant 0 : i32
    %scan3A_21 = arith.constant 0 : i32
    %scan3A_22 = arith.constant 125 : i32
    %scan3A_23 = arith.addi %scan3A_21, %scan3A_22 : i32
    %scan3A_24 = arith.constant 1 : i32
    %scan3A_25 = scf.for %scan3A_38 = %scan3A_21 to %scan3A_23 step %scan3A_24 iter_args(%scan3A_39 = %scan3A_20) -> (i32)  : i32 {
      %mul3A_40 = arith.constant 80 : i32
      %mul3A_41 = arith.muli %scan3A_38, %mul3A_40 : i32
      %dma_start3A = tpu.memref_slice %arg6[%mul3A_41] : memref<10000xi32, #tpu.memory_space<vmem>> -> memref<80xi32, #tpu.memory_space<vmem>>
      %dma_start3A_42 = arith.constant 0 : i32
      %dma_start3A_43 = arith.constant 0 : i32
      %dma_start3A_44 = tpu.memref_slice %arg2[%dma_start3A_42, %dma_start3A_43] : memref<20000x128xf32, #tpu.memory_space<hbm>> -> memref<20000x128xf32, #tpu.memory_space<hbm>>
      tpu.enqueue_indirect_dma source(%dma_start3A_44 : memref<20000x128xf32, #tpu.memory_space<hbm>>) target(%arg8 : memref<80x128xf32, #tpu.memory_space<vmem>>) offsets(%dma_start3A : memref<80xi32, #tpu.memory_space<vmem>>) semaphore(%arg11 : memref<!tpu.dma_semaphore, #tpu.memory_space<semaphore_mem>>)
      %dma_wait3A = tpu.memref_slice %arg6[%mul3A_41] : memref<10000xi32, #tpu.memory_space<vmem>> -> memref<80xi32, #tpu.memory_space<vmem>>
      %dma_wait3A_45 = arith.constant 0 : i32
      %dma_wait3A_46 = arith.constant 0 : i32
      %dma_wait3A_47 = tpu.memref_slice %arg2[%dma_wait3A_45, %dma_wait3A_46] : memref<20000x128xf32, #tpu.memory_space<hbm>> -> memref<20000x128xf32, #tpu.memory_space<hbm>>
      tpu.wait_indirect_dma semaphore(%arg11 : memref<!tpu.dma_semaphore, #tpu.memory_space<semaphore_mem>>) src(%dma_wait3A_47 : memref<20000x128xf32, #tpu.memory_space<hbm>>) dst(%arg8 : memref<80x128xf32, #tpu.memory_space<vmem>>)
      "tpu.region"() ({
        %run_scoped3A = tpu.sem_alloc : memref<!tpu.dma_semaphore, #tpu.memory_space<semaphore_mem>>
        %dma_start3A_49 = arith.constant 0 : i32
        %dma_start3A_50 = tpu.memref_slice %arg7[%scan3A_38, %dma_start3A_49] : memref<125x80xi32, #tpu.memory_space<vmem>> -> memref<1x80xi32, #tpu.memory_space<vmem>>
        %dma_start3A_51 = tpu.memref_squeeze %dma_start3A_50 : memref<1x80xi32, #tpu.memory_space<vmem>> -> memref<80xi32, #tpu.memory_space<vmem>>
        %dma_start3A_52 = arith.constant 0 : i32
        %dma_start3A_53 = arith.constant 0 : i32
        %dma_start3A_54 = tpu.memref_slice %arg10[%dma_start3A_52, %dma_start3A_53] : memref<10000x128xf32, #tpu.memory_space<vmem_shared>> -> memref<10000x128xf32, #tpu.memory_space<vmem_shared>>
        tpu.enqueue_indirect_dma source(%arg8 : memref<80x128xf32, #tpu.memory_space<vmem>>) target(%dma_start3A_54 : memref<10000x128xf32, #tpu.memory_space<vmem_shared>>) offsets(%dma_start3A_51 : memref<80xi32, #tpu.memory_space<vmem>>) semaphore(%run_scoped3A : memref<!tpu.dma_semaphore, #tpu.memory_space<semaphore_mem>>) {add = true}
        %dma_wait3A_55 = arith.constant 0 : i32
        %dma_wait3A_56 = tpu.memref_slice %arg7[%scan3A_38, %dma_wait3A_55] : memref<125x80xi32, #tpu.memory_space<vmem>> -> memref<1x80xi32, #tpu.memory_space<vmem>>
        %dma_wait3A_57 = tpu.memref_squeeze %dma_wait3A_56 : memref<1x80xi32, #tpu.memory_space<vmem>> -> memref<80xi32, #tpu.memory_space<vmem>>
        %dma_wait3A_58 = arith.constant 0 : i32
        %dma_wait3A_59 = arith.constant 0 : i32
        %dma_wait3A_60 = tpu.memref_slice %arg10[%dma_wait3A_58, %dma_wait3A_59] : memref<10000x128xf32, #tpu.memory_space<vmem_shared>> -> memref<10000x128xf32, #tpu.memory_space<vmem_shared>>
        tpu.wait_indirect_dma semaphore(%run_scoped3A : memref<!tpu.dma_semaphore, #tpu.memory_space<semaphore_mem>>) src(%arg8 : memref<80x128xf32, #tpu.memory_space<vmem>>) dst(%dma_wait3A_60 : memref<10000x128xf32, #tpu.memory_space<vmem_shared>>)
        tpu.yield
      }) : () -> ()
      %scan3A_48 = arith.constant 0 : i32
      scf.yield %scan3A_48 : i32
    }
    %scan3A_26 = arith.constant 125 : i32
    %barrier3A_27 = arith.constant 0 : index
    tpu.barrier barrier_id(%barrier3A_27)
    %lt3A_28 = arith.constant 15 : i32
    %lt3A_29 = arith.cmpi slt, %arg1, %lt3A_28 : i32
    %convert_element_type3A_30 = arith.extui %lt3A_29 : i1 to i32
    %cond3A_31 = arith.constant 0 : i32
    %cond3A_32 = arith.cmpi ne, %convert_element_type3A_30, %cond3A_31 : i32
    scf.if %cond3A_32 {
      %mul3A_38 = arith.constant 640 : i32
      %mul3A_39 = arith.muli %arg1, %mul3A_38 : i32
      %mul3A_40 = arith.constant 10000 : i32
      %mul3A_41 = arith.muli %arg0, %mul3A_40 : i32
      %mul3A_42 = arith.constant 640 : i32
      %mul3A_43 = arith.muli %arg1, %mul3A_42 : i32
      %add3A = arith.addi %mul3A_41, %mul3A_43 : i32
      "tpu.region"() ({
        %run_scoped3A = tpu.sem_alloc : memref<!tpu.dma_semaphore, #tpu.memory_space<semaphore_mem>>
        %dma_start3A = arith.constant 0 : i32
        %dma_start3A_44 = tpu.memref_slice %arg5[%add3A, %dma_start3A] : memref<20000x128xf32, #tpu.memory_space<hbm>> -> memref<640x128xf32, #tpu.memory_space<hbm>>
        %dma_start3A_45 = arith.constant 0 : i32
        %dma_start3A_46 = tpu.memref_slice %arg10[%mul3A_39, %dma_start3A_45] : memref<10000x128xf32, #tpu.memory_space<vmem_shared>> -> memref<640x128xf32, #tpu.memory_space<vmem_shared>>
        tpu.enqueue_dma source(%dma_start3A_46 : memref<640x128xf32, #tpu.memory_space<vmem_shared>>) target(%dma_start3A_44 : memref<640x128xf32, #tpu.memory_space<hbm>>) target_semaphore(%run_scoped3A : memref<!tpu.dma_semaphore, #tpu.memory_space<semaphore_mem>>)
        %dma_wait3A = arith.constant 0 : i32
        %dma_wait3A_47 = tpu.memref_slice %arg5[%add3A, %dma_wait3A] : memref<20000x128xf32, #tpu.memory_space<hbm>> -> memref<640x128xf32, #tpu.memory_space<hbm>>
        %dma_wait3A_48 = arith.constant 0 : i32
        %dma_wait3A_49 = tpu.memref_slice %arg10[%mul3A_39, %dma_wait3A_48] : memref<10000x128xf32, #tpu.memory_space<vmem_shared>> -> memref<640x128xf32, #tpu.memory_space<vmem_shared>>
        tpu.wait_dma2 semaphore(%run_scoped3A : memref<!tpu.dma_semaphore, #tpu.memory_space<semaphore_mem>>) src(%dma_wait3A_49 : memref<640x128xf32, #tpu.memory_space<vmem_shared>>) dst(%dma_wait3A_47 : memref<640x128xf32, #tpu.memory_space<hbm>>)
        tpu.yield
      }) : () -> ()
    } else {
    }
    %eq3A_33 = arith.constant 15 : i32
    %eq3A_34 = arith.cmpi eq, %arg1, %eq3A_33 : i32
    %convert_element_type3A_35 = arith.extui %eq3A_34 : i1 to i32
    %cond3A_36 = arith.constant 0 : i32
    %cond3A_37 = arith.cmpi ne, %convert_element_type3A_35, %cond3A_36 : i32
    scf.if %cond3A_37 {
      %mul3A_38 = arith.constant 10000 : i32
      %mul3A_39 = arith.muli %arg0, %mul3A_38 : i32
      %add3A = arith.constant 9600 : i32
      %add3A_40 = arith.addi %mul3A_39, %add3A : i32
      "tpu.region"() ({
        %run_scoped3A = tpu.sem_alloc : memref<!tpu.dma_semaphore, #tpu.memory_space<semaphore_mem>>
        %dma_start3A = arith.constant 0 : i32
        %dma_start3A_41 = tpu.memref_slice %arg5[%add3A_40, %dma_start3A] : memref<20000x128xf32, #tpu.memory_space<hbm>> -> memref<400x128xf32, #tpu.memory_space<hbm>>
        %dma_start3A_42 = arith.constant 9600 : i32
        %dma_start3A_43 = arith.constant 0 : i32
        %dma_start3A_44 = tpu.memref_slice %arg10[%dma_start3A_42, %dma_start3A_43] : memref<10000x128xf32, #tpu.memory_space<vmem_shared>> -> memref<400x128xf32, #tpu.memory_space<vmem_shared>>
        tpu.enqueue_dma source(%dma_start3A_44 : memref<400x128xf32, #tpu.memory_space<vmem_shared>>) target(%dma_start3A_41 : memref<400x128xf32, #tpu.memory_space<hbm>>) target_semaphore(%run_scoped3A : memref<!tpu.dma_semaphore, #tpu.memory_space<semaphore_mem>>)
        %dma_wait3A = arith.constant 0 : i32
        %dma_wait3A_45 = tpu.memref_slice %arg5[%add3A_40, %dma_wait3A] : memref<20000x128xf32, #tpu.memory_space<hbm>> -> memref<400x128xf32, #tpu.memory_space<hbm>>
        %dma_wait3A_46 = arith.constant 9600 : i32
        %dma_wait3A_47 = arith.constant 0 : i32
        %dma_wait3A_48 = tpu.memref_slice %arg10[%dma_wait3A_46, %dma_wait3A_47] : memref<10000x128xf32, #tpu.memory_space<vmem_shared>> -> memref<400x128xf32, #tpu.memory_space<vmem_shared>>
        tpu.wait_dma2 semaphore(%run_scoped3A : memref<!tpu.dma_semaphore, #tpu.memory_space<semaphore_mem>>) src(%dma_wait3A_48 : memref<400x128xf32, #tpu.memory_space<vmem_shared>>) dst(%dma_wait3A_45 : memref<400x128xf32, #tpu.memory_space<hbm>>)
        tpu.yield
      }) : () -> ()
    } else {
    }
    return
  }
}

#map = affine_map<(d0, d1) -> (0, 0)>
#map1 = affine_map<(d0, d1) -> (0, 0, 0)>
module attributes {stable_mosaic.version = 14 : i64} {
  func.func @prop(%arg0: i32, %arg1: i32, %arg2: memref<20000x128xf32, #tpu.memory_space<hbm>>, %arg3: memref<16x10000xi32, #tpu.memory_space<hbm>>, %arg4: memref<16x125x80xi32, #tpu.memory_space<hbm>>, %arg5: memref<20000x128xf32, #tpu.memory_space<hbm>>, %arg6: memref<10000xi32, #tpu.memory_space<vmem>>, %arg7: memref<125x80xi32, #tpu.memory_space<vmem>>, %arg8: memref<80x128xf32, #tpu.memory_space<vmem>>, %arg9: memref<80x128xf32, #tpu.memory_space<vmem>>, %arg10: memref<10000x128xf32, #tpu.memory_space<vmem_shared>>, %arg11: memref<!tpu.dma_semaphore, #tpu.memory_space<semaphore_mem>>) attributes {dimension_semantics = [#tpu.dimension_semantics<core_parallel>, #tpu.dimension_semantics<subcore_parallel>], iteration_bounds = array<i64: 2, 16>, scalar_prefetch = 0 : i64, scratch_operands = 6 : i64, tpu.core_type = #tpu.core_type<sc_vector_subcore>, window_params = [{transform_indices = #map}, {transform_indices = #map}, {transform_indices = #map1}, {transform_indices = #map}]} {
    "tpu.region"() ({
      %run_scoped3A = tpu.sem_alloc : memref<!tpu.dma_semaphore, #tpu.memory_space<semaphore_mem>>
      %dma_start3A = arith.constant 0 : i32
      %dma_start3A_38 = tpu.memref_slice %arg3[%arg1, %dma_start3A] : memref<16x10000xi32, #tpu.memory_space<hbm>> -> memref<1x10000xi32, #tpu.memory_space<hbm>>
      %dma_start3A_39 = tpu.memref_squeeze %dma_start3A_38 : memref<1x10000xi32, #tpu.memory_space<hbm>> -> memref<10000xi32, #tpu.memory_space<hbm>>
      %dma_start3A_40 = arith.constant 0 : i32
      %dma_start3A_41 = tpu.memref_slice %arg3[%arg1, %dma_start3A_40] : memref<16x10000xi32, #tpu.memory_space<hbm>> -> memref<1x10000xi32, #tpu.memory_space<hbm>>
      %dma_start3A_42 = tpu.memref_squeeze %dma_start3A_41 : memref<1x10000xi32, #tpu.memory_space<hbm>> -> memref<10000xi32, #tpu.memory_space<hbm>>
      tpu.enqueue_dma source(%dma_start3A_42 : memref<10000xi32, #tpu.memory_space<hbm>>) target(%arg6 : memref<10000xi32, #tpu.memory_space<vmem>>) target_semaphore(%run_scoped3A : memref<!tpu.dma_semaphore, #tpu.memory_space<semaphore_mem>>)
      %dma_wait3A = arith.constant 0 : i32
      %dma_wait3A_43 = tpu.memref_slice %arg3[%arg1, %dma_wait3A] : memref<16x10000xi32, #tpu.memory_space<hbm>> -> memref<1x10000xi32, #tpu.memory_space<hbm>>
      %dma_wait3A_44 = tpu.memref_squeeze %dma_wait3A_43 : memref<1x10000xi32, #tpu.memory_space<hbm>> -> memref<10000xi32, #tpu.memory_space<hbm>>
      %dma_wait3A_45 = arith.constant 0 : i32
      %dma_wait3A_46 = tpu.memref_slice %arg3[%arg1, %dma_wait3A_45] : memref<16x10000xi32, #tpu.memory_space<hbm>> -> memref<1x10000xi32, #tpu.memory_space<hbm>>
      %dma_wait3A_47 = tpu.memref_squeeze %dma_wait3A_46 : memref<1x10000xi32, #tpu.memory_space<hbm>> -> memref<10000xi32, #tpu.memory_space<hbm>>
      tpu.wait_dma2 semaphore(%run_scoped3A : memref<!tpu.dma_semaphore, #tpu.memory_space<semaphore_mem>>) src(%dma_wait3A_47 : memref<10000xi32, #tpu.memory_space<hbm>>) dst(%arg6 : memref<10000xi32, #tpu.memory_space<vmem>>)
      tpu.yield
    }) : () -> ()
    "tpu.region"() ({
      %run_scoped3A = tpu.sem_alloc : memref<!tpu.dma_semaphore, #tpu.memory_space<semaphore_mem>>
      %dma_start3A = arith.constant 0 : i32
      %dma_start3A_38 = arith.constant 0 : i32
      %dma_start3A_39 = tpu.memref_slice %arg4[%arg1, %dma_start3A, %dma_start3A_38] : memref<16x125x80xi32, #tpu.memory_space<hbm>> -> memref<1x125x80xi32, #tpu.memory_space<hbm>>
      %dma_start3A_40 = tpu.memref_squeeze %dma_start3A_39 : memref<1x125x80xi32, #tpu.memory_space<hbm>> -> memref<125x80xi32, #tpu.memory_space<hbm>>
      %dma_start3A_41 = arith.constant 0 : i32
      %dma_start3A_42 = arith.constant 0 : i32
      %dma_start3A_43 = tpu.memref_slice %arg4[%arg1, %dma_start3A_41, %dma_start3A_42] : memref<16x125x80xi32, #tpu.memory_space<hbm>> -> memref<1x125x80xi32, #tpu.memory_space<hbm>>
      %dma_start3A_44 = tpu.memref_squeeze %dma_start3A_43 : memref<1x125x80xi32, #tpu.memory_space<hbm>> -> memref<125x80xi32, #tpu.memory_space<hbm>>
      tpu.enqueue_dma source(%dma_start3A_44 : memref<125x80xi32, #tpu.memory_space<hbm>>) target(%arg7 : memref<125x80xi32, #tpu.memory_space<vmem>>) target_semaphore(%run_scoped3A : memref<!tpu.dma_semaphore, #tpu.memory_space<semaphore_mem>>)
      %dma_wait3A = arith.constant 0 : i32
      %dma_wait3A_45 = arith.constant 0 : i32
      %dma_wait3A_46 = tpu.memref_slice %arg4[%arg1, %dma_wait3A, %dma_wait3A_45] : memref<16x125x80xi32, #tpu.memory_space<hbm>> -> memref<1x125x80xi32, #tpu.memory_space<hbm>>
      %dma_wait3A_47 = tpu.memref_squeeze %dma_wait3A_46 : memref<1x125x80xi32, #tpu.memory_space<hbm>> -> memref<125x80xi32, #tpu.memory_space<hbm>>
      %dma_wait3A_48 = arith.constant 0 : i32
      %dma_wait3A_49 = arith.constant 0 : i32
      %dma_wait3A_50 = tpu.memref_slice %arg4[%arg1, %dma_wait3A_48, %dma_wait3A_49] : memref<16x125x80xi32, #tpu.memory_space<hbm>> -> memref<1x125x80xi32, #tpu.memory_space<hbm>>
      %dma_wait3A_51 = tpu.memref_squeeze %dma_wait3A_50 : memref<1x125x80xi32, #tpu.memory_space<hbm>> -> memref<125x80xi32, #tpu.memory_space<hbm>>
      tpu.wait_dma2 semaphore(%run_scoped3A : memref<!tpu.dma_semaphore, #tpu.memory_space<semaphore_mem>>) src(%dma_wait3A_51 : memref<125x80xi32, #tpu.memory_space<hbm>>) dst(%arg7 : memref<125x80xi32, #tpu.memory_space<vmem>>)
      tpu.yield
    }) : () -> ()
    %mul3A = arith.constant 10000 : i32
    %mul3A_0 = arith.muli %arg0, %mul3A : i32
    %scan3A = arith.constant 0 : i32
    %scan3A_1 = arith.constant 0 : i32
    %scan3A_2 = arith.constant 625 : i32
    %scan3A_3 = arith.addi %scan3A_1, %scan3A_2 : i32
    %scan3A_4 = arith.constant 1 : i32
    %scan3A_5 = scf.for %scan3A_38 = %scan3A_1 to %scan3A_3 step %scan3A_4 iter_args(%scan3A_39 = %scan3A) -> (i32)  : i32 {
      %mul3A_40 = arith.constant 16 : i32
      %mul3A_41 = arith.muli %scan3A_38, %mul3A_40 : i32
      %get3A = arith.index_cast %mul3A_41 : i32 to index
      %get3A_42 = tpu.vector_load %arg6[%get3A] {strides = array<i32>} : memref<10000xi32, #tpu.memory_space<vmem>>, vector<16xi32>,
      %get3A_43 = vector.shape_cast %get3A_42 : vector<16xi32> to vector<16xi32>
      %add3A = vector.broadcast %mul3A_0 : i32 to vector<16xi32>
      %add3A_44 = arith.addi %get3A_43, %add3A : vector<16xi32>
      %mul3A_45 = arith.constant 16 : i32
      %mul3A_46 = arith.muli %scan3A_38, %mul3A_45 : i32
      %swap3A = arith.index_cast %mul3A_46 : i32 to index
      %swap3A_47 = tpu.vector_load %arg6[%swap3A] {strides = array<i32>} : memref<10000xi32, #tpu.memory_space<vmem>>, vector<16xi32>,
      %swap3A_48 = vector.shape_cast %swap3A_47 : vector<16xi32> to vector<16xi32>
      %swap3A_49 = vector.shape_cast %add3A_44 : vector<16xi32> to vector<16xi32>
      tpu.vector_store %arg6[%swap3A], %swap3A_49 {strides = array<i32>} : memref<10000xi32, #tpu.memory_space<vmem>>, vector<16xi32>,
      %scan3A_50 = arith.constant 0 : i32
      scf.yield %scan3A_50 : i32
    }
    %scan3A_6 = arith.constant 625 : i32
    %scan3A_7 = arith.constant 0 : i32
    %scan3A_8 = arith.constant 0 : i32
    %scan3A_9 = arith.constant 640 : i32
    %scan3A_10 = arith.addi %scan3A_8, %scan3A_9 : i32
    %scan3A_11 = arith.constant 1 : i32
    %scan3A_12 = scf.for %scan3A_38 = %scan3A_8 to %scan3A_10 step %scan3A_11 iter_args(%scan3A_39 = %scan3A_7) -> (i32)  : i32 {
      %jit3A = arith.constant 8 : i32
      %div3A = arith.divsi %scan3A_38, %jit3A : i32
      %sign3A = arith.constant 0 : i32
      %sign3A_40 = arith.cmpi sgt, %scan3A_38, %sign3A : i32
      %sign3A_41 = arith.extui %sign3A_40 : i1 to i32
      %sign3A_42 = arith.constant 0 : i32
      %sign3A_43 = arith.cmpi slt, %scan3A_38, %sign3A_42 : i32
      %sign3A_44 = arith.extui %sign3A_43 : i1 to i32
      %sign3A_45 = arith.subi %sign3A_41, %sign3A_44 : i32
      %sign3A_46 = arith.constant 0 : i32
      %sign3A_47 = arith.cmpi sgt, %jit3A, %sign3A_46 : i32
      %sign3A_48 = arith.extui %sign3A_47 : i1 to i32
      %sign3A_49 = arith.constant 0 : i32
      %sign3A_50 = arith.cmpi slt, %jit3A, %sign3A_49 : i32
      %sign3A_51 = arith.extui %sign3A_50 : i1 to i32
      %sign3A_52 = arith.subi %sign3A_48, %sign3A_51 : i32
      %ne3A = arith.cmpi ne, %sign3A_45, %sign3A_52 : i32
      %rem3A = arith.remsi %scan3A_38, %jit3A : i32
      %ne3A_53 = arith.constant 0 : i32
      %ne3A_54 = arith.cmpi ne, %rem3A, %ne3A_53 : i32
      %and3A = arith.andi %ne3A, %ne3A_54 : i1
      %sub3A = arith.constant 1 : i32
      %sub3A_55 = arith.subi %div3A, %sub3A : i32
      %select_n3A = arith.select %and3A, %sub3A_55, %div3A : i32
      %mul3A_56 = arith.constant 8 : i32
      %mul3A_57 = arith.muli %select_n3A, %mul3A_56 : i32
      %sub3A_58 = arith.subi %scan3A_38, %mul3A_57 : i32
      %broadcast_in_dim3A = arith.constant 0.000000e+00 : f32
      %broadcast_in_dim3A_59 = vector.broadcast %broadcast_in_dim3A : f32 to vector<16xf32>
      %mul3A_60 = arith.constant 16 : i32
      %mul3A_61 = arith.muli %sub3A_58, %mul3A_60 : i32
      %swap3A = arith.index_cast %select_n3A : i32 to index
      %swap3A_62 = arith.index_cast %mul3A_61 : i32 to index
      %swap3A_63 = tpu.vector_load %arg9[%swap3A, %swap3A_62] {strides = array<i32>} : memref<80x128xf32, #tpu.memory_space<vmem>>, vector<1x16xf32>,
      %swap3A_64 = vector.shape_cast %swap3A_63 : vector<1x16xf32> to vector<16xf32>
      %swap3A_65 = vector.shape_cast %broadcast_in_dim3A_59 : vector<16xf32> to vector<1x16xf32>
      tpu.vector_store %arg9[%swap3A, %swap3A_62], %swap3A_65 {strides = array<i32>} : memref<80x128xf32, #tpu.memory_space<vmem>>, vector<1x16xf32>,
      %scan3A_66 = arith.constant 0 : i32
      scf.yield %scan3A_66 : i32
    }
    %scan3A_13 = arith.constant 640 : i32
    %lt3A = arith.constant 15 : i32
    %lt3A_14 = arith.cmpi slt, %arg1, %lt3A : i32
    %convert_element_type3A = arith.extui %lt3A_14 : i1 to i32
    %cond3A = arith.constant 0 : i32
    %cond3A_15 = arith.cmpi ne, %convert_element_type3A, %cond3A : i32
    scf.if %cond3A_15 {
      %scan3A_38 = arith.constant 0 : i32
      %scan3A_39 = arith.constant 0 : i32
      %scan3A_40 = arith.constant 8 : i32
      %scan3A_41 = arith.addi %scan3A_39, %scan3A_40 : i32
      %scan3A_42 = arith.constant 1 : i32
      %scan3A_43 = scf.for %scan3A_45 = %scan3A_39 to %scan3A_41 step %scan3A_42 iter_args(%scan3A_46 = %scan3A_38) -> (i32)  : i32 {
        %mul3A_47 = arith.constant 640 : i32
        %mul3A_48 = arith.muli %arg1, %mul3A_47 : i32
        %mul3A_49 = arith.constant 80 : i32
        %mul3A_50 = arith.muli %scan3A_45, %mul3A_49 : i32
        %add3A = arith.addi %mul3A_48, %mul3A_50 : i32
        "tpu.region"() ({
          %run_scoped3A = tpu.sem_alloc : memref<!tpu.dma_semaphore, #tpu.memory_space<semaphore_mem>>
          %dma_start3A = arith.constant 0 : i32
          %dma_start3A_52 = tpu.memref_slice %arg10[%add3A, %dma_start3A] : memref<10000x128xf32, #tpu.memory_space<vmem_shared>> -> memref<80x128xf32, #tpu.memory_space<vmem_shared>>
          %dma_start3A_53 = arith.constant 0 : i32
          %dma_start3A_54 = tpu.memref_slice %arg10[%add3A, %dma_start3A_53] : memref<10000x128xf32, #tpu.memory_space<vmem_shared>> -> memref<80x128xf32, #tpu.memory_space<vmem_shared>>
          tpu.enqueue_dma source(%arg9 : memref<80x128xf32, #tpu.memory_space<vmem>>) target(%dma_start3A_54 : memref<80x128xf32, #tpu.memory_space<vmem_shared>>) target_semaphore(%run_scoped3A : memref<!tpu.dma_semaphore, #tpu.memory_space<semaphore_mem>>)
          %dma_wait3A = arith.constant 0 : i32
          %dma_wait3A_55 = tpu.memref_slice %arg10[%add3A, %dma_wait3A] : memref<10000x128xf32, #tpu.memory_space<vmem_shared>> -> memref<80x128xf32, #tpu.memory_space<vmem_shared>>
          %dma_wait3A_56 = arith.constant 0 : i32
          %dma_wait3A_57 = tpu.memref_slice %arg10[%add3A, %dma_wait3A_56] : memref<10000x128xf32, #tpu.memory_space<vmem_shared>> -> memref<80x128xf32, #tpu.memory_space<vmem_shared>>
          tpu.wait_dma2 semaphore(%run_scoped3A : memref<!tpu.dma_semaphore, #tpu.memory_space<semaphore_mem>>) src(%arg9 : memref<80x128xf32, #tpu.memory_space<vmem>>) dst(%dma_wait3A_57 : memref<80x128xf32, #tpu.memory_space<vmem_shared>>)
          tpu.yield
        }) : () -> ()
        %scan3A_51 = arith.constant 0 : i32
        scf.yield %scan3A_51 : i32
      }
      %scan3A_44 = arith.constant 8 : i32
    } else {
    }
    %eq3A = arith.constant 15 : i32
    %eq3A_16 = arith.cmpi eq, %arg1, %eq3A : i32
    %convert_element_type3A_17 = arith.extui %eq3A_16 : i1 to i32
    %cond3A_18 = arith.constant 0 : i32
    %cond3A_19 = arith.cmpi ne, %convert_element_type3A_17, %cond3A_18 : i32
    scf.if %cond3A_19 {
      %scan3A_38 = arith.constant 0 : i32
      %scan3A_39 = arith.constant 0 : i32
      %scan3A_40 = arith.constant 5 : i32
      %scan3A_41 = arith.addi %scan3A_39, %scan3A_40 : i32
      %scan3A_42 = arith.constant 1 : i32
      %scan3A_43 = scf.for %scan3A_45 = %scan3A_39 to %scan3A_41 step %scan3A_42 iter_args(%scan3A_46 = %scan3A_38) -> (i32)  : i32 {
        %mul3A_47 = arith.constant 80 : i32
        %mul3A_48 = arith.muli %scan3A_45, %mul3A_47 : i32
        %add3A = arith.constant 9600 : i32
        %add3A_49 = arith.addi %add3A, %mul3A_48 : i32
        "tpu.region"() ({
          %run_scoped3A = tpu.sem_alloc : memref<!tpu.dma_semaphore, #tpu.memory_space<semaphore_mem>>
          %dma_start3A = arith.constant 0 : i32
          %dma_start3A_51 = tpu.memref_slice %arg10[%add3A_49, %dma_start3A] : memref<10000x128xf32, #tpu.memory_space<vmem_shared>> -> memref<80x128xf32, #tpu.memory_space<vmem_shared>>
          %dma_start3A_52 = arith.constant 0 : i32
          %dma_start3A_53 = tpu.memref_slice %arg10[%add3A_49, %dma_start3A_52] : memref<10000x128xf32, #tpu.memory_space<vmem_shared>> -> memref<80x128xf32, #tpu.memory_space<vmem_shared>>
          tpu.enqueue_dma source(%arg9 : memref<80x128xf32, #tpu.memory_space<vmem>>) target(%dma_start3A_53 : memref<80x128xf32, #tpu.memory_space<vmem_shared>>) target_semaphore(%run_scoped3A : memref<!tpu.dma_semaphore, #tpu.memory_space<semaphore_mem>>)
          %dma_wait3A = arith.constant 0 : i32
          %dma_wait3A_54 = tpu.memref_slice %arg10[%add3A_49, %dma_wait3A] : memref<10000x128xf32, #tpu.memory_space<vmem_shared>> -> memref<80x128xf32, #tpu.memory_space<vmem_shared>>
          %dma_wait3A_55 = arith.constant 0 : i32
          %dma_wait3A_56 = tpu.memref_slice %arg10[%add3A_49, %dma_wait3A_55] : memref<10000x128xf32, #tpu.memory_space<vmem_shared>> -> memref<80x128xf32, #tpu.memory_space<vmem_shared>>
          tpu.wait_dma2 semaphore(%run_scoped3A : memref<!tpu.dma_semaphore, #tpu.memory_space<semaphore_mem>>) src(%arg9 : memref<80x128xf32, #tpu.memory_space<vmem>>) dst(%dma_wait3A_56 : memref<80x128xf32, #tpu.memory_space<vmem_shared>>)
          tpu.yield
        }) : () -> ()
        %scan3A_50 = arith.constant 0 : i32
        scf.yield %scan3A_50 : i32
      }
      %scan3A_44 = arith.constant 5 : i32
    } else {
    }
    %barrier3A = arith.constant 0 : index
    tpu.barrier barrier_id(%barrier3A)
    %scan3A_20 = arith.constant 0 : i32
    %scan3A_21 = arith.constant 0 : i32
    %scan3A_22 = arith.constant 125 : i32
    %scan3A_23 = arith.addi %scan3A_21, %scan3A_22 : i32
    %scan3A_24 = arith.constant 1 : i32
    %scan3A_25 = scf.for %scan3A_38 = %scan3A_21 to %scan3A_23 step %scan3A_24 iter_args(%scan3A_39 = %scan3A_20) -> (i32)  : i32 {
      %mul3A_40 = arith.constant 80 : i32
      %mul3A_41 = arith.muli %scan3A_38, %mul3A_40 : i32
      %dma_start3A = tpu.memref_slice %arg6[%mul3A_41] : memref<10000xi32, #tpu.memory_space<vmem>> -> memref<80xi32, #tpu.memory_space<vmem>>
      %dma_start3A_42 = arith.constant 0 : i32
      %dma_start3A_43 = arith.constant 0 : i32
      %dma_start3A_44 = tpu.memref_slice %arg2[%dma_start3A_42, %dma_start3A_43] : memref<20000x128xf32, #tpu.memory_space<hbm>> -> memref<20000x128xf32, #tpu.memory_space<hbm>>
      tpu.enqueue_indirect_dma source(%dma_start3A_44 : memref<20000x128xf32, #tpu.memory_space<hbm>>) target(%arg8 : memref<80x128xf32, #tpu.memory_space<vmem>>) offsets(%dma_start3A : memref<80xi32, #tpu.memory_space<vmem>>) semaphore(%arg11 : memref<!tpu.dma_semaphore, #tpu.memory_space<semaphore_mem>>)
      %dma_wait3A = tpu.memref_slice %arg6[%mul3A_41] : memref<10000xi32, #tpu.memory_space<vmem>> -> memref<80xi32, #tpu.memory_space<vmem>>
      %dma_wait3A_45 = arith.constant 0 : i32
      %dma_wait3A_46 = arith.constant 0 : i32
      %dma_wait3A_47 = tpu.memref_slice %arg2[%dma_wait3A_45, %dma_wait3A_46] : memref<20000x128xf32, #tpu.memory_space<hbm>> -> memref<20000x128xf32, #tpu.memory_space<hbm>>
      tpu.wait_indirect_dma semaphore(%arg11 : memref<!tpu.dma_semaphore, #tpu.memory_space<semaphore_mem>>) src(%dma_wait3A_47 : memref<20000x128xf32, #tpu.memory_space<hbm>>) dst(%arg8 : memref<80x128xf32, #tpu.memory_space<vmem>>)
      "tpu.region"() ({
        %run_scoped3A = tpu.sem_alloc : memref<!tpu.dma_semaphore, #tpu.memory_space<semaphore_mem>>
        %dma_start3A_49 = arith.constant 0 : i32
        %dma_start3A_50 = tpu.memref_slice %arg7[%scan3A_38, %dma_start3A_49] : memref<125x80xi32, #tpu.memory_space<vmem>> -> memref<1x80xi32, #tpu.memory_space<vmem>>
        %dma_start3A_51 = tpu.memref_squeeze %dma_start3A_50 : memref<1x80xi32, #tpu.memory_space<vmem>> -> memref<80xi32, #tpu.memory_space<vmem>>
        %dma_start3A_52 = arith.constant 0 : i32
        %dma_start3A_53 = arith.constant 0 : i32
        %dma_start3A_54 = tpu.memref_slice %arg10[%dma_start3A_52, %dma_start3A_53] : memref<10000x128xf32, #tpu.memory_space<vmem_shared>> -> memref<10000x128xf32, #tpu.memory_space<vmem_shared>>
        tpu.enqueue_indirect_dma source(%arg8 : memref<80x128xf32, #tpu.memory_space<vmem>>) target(%dma_start3A_54 : memref<10000x128xf32, #tpu.memory_space<vmem_shared>>) offsets(%dma_start3A_51 : memref<80xi32, #tpu.memory_space<vmem>>) semaphore(%run_scoped3A : memref<!tpu.dma_semaphore, #tpu.memory_space<semaphore_mem>>) {add = true}
        %dma_wait3A_55 = arith.constant 0 : i32
        %dma_wait3A_56 = tpu.memref_slice %arg7[%scan3A_38, %dma_wait3A_55] : memref<125x80xi32, #tpu.memory_space<vmem>> -> memref<1x80xi32, #tpu.memory_space<vmem>>
        %dma_wait3A_57 = tpu.memref_squeeze %dma_wait3A_56 : memref<1x80xi32, #tpu.memory_space<vmem>> -> memref<80xi32, #tpu.memory_space<vmem>>
        %dma_wait3A_58 = arith.constant 0 : i32
        %dma_wait3A_59 = arith.constant 0 : i32
        %dma_wait3A_60 = tpu.memref_slice %arg10[%dma_wait3A_58, %dma_wait3A_59] : memref<10000x128xf32, #tpu.memory_space<vmem_shared>> -> memref<10000x128xf32, #tpu.memory_space<vmem_shared>>
        tpu.wait_indirect_dma semaphore(%run_scoped3A : memref<!tpu.dma_semaphore, #tpu.memory_space<semaphore_mem>>) src(%arg8 : memref<80x128xf32, #tpu.memory_space<vmem>>) dst(%dma_wait3A_60 : memref<10000x128xf32, #tpu.memory_space<vmem_shared>>)
        tpu.yield
      }) : () -> ()
      %scan3A_48 = arith.constant 0 : i32
      scf.yield %scan3A_48 : i32
    }
    %scan3A_26 = arith.constant 125 : i32
    %barrier3A_27 = arith.constant 0 : index
    tpu.barrier barrier_id(%barrier3A_27)
    %lt3A_28 = arith.constant 15 : i32
    %lt3A_29 = arith.cmpi slt, %arg1, %lt3A_28 : i32
    %convert_element_type3A_30 = arith.extui %lt3A_29 : i1 to i32
    %cond3A_31 = arith.constant 0 : i32
    %cond3A_32 = arith.cmpi ne, %convert_element_type3A_30, %cond3A_31 : i32
    scf.if %cond3A_32 {
      %mul3A_38 = arith.constant 640 : i32
      %mul3A_39 = arith.muli %arg1, %mul3A_38 : i32
      %mul3A_40 = arith.constant 10000 : i32
      %mul3A_41 = arith.muli %arg0, %mul3A_40 : i32
      %mul3A_42 = arith.constant 640 : i32
      %mul3A_43 = arith.muli %arg1, %mul3A_42 : i32
      %add3A = arith.addi %mul3A_41, %mul3A_43 : i32
      "tpu.region"() ({
        %run_scoped3A = tpu.sem_alloc : memref<!tpu.dma_semaphore, #tpu.memory_space<semaphore_mem>>
        %dma_start3A = arith.constant 0 : i32
        %dma_start3A_44 = tpu.memref_slice %arg5[%add3A, %dma_start3A] : memref<20000x128xf32, #tpu.memory_space<hbm>> -> memref<640x128xf32, #tpu.memory_space<hbm>>
        %dma_start3A_45 = arith.constant 0 : i32
        %dma_start3A_46 = tpu.memref_slice %arg10[%mul3A_39, %dma_start3A_45] : memref<10000x128xf32, #tpu.memory_space<vmem_shared>> -> memref<640x128xf32, #tpu.memory_space<vmem_shared>>
        tpu.enqueue_dma source(%dma_start3A_46 : memref<640x128xf32, #tpu.memory_space<vmem_shared>>) target(%dma_start3A_44 : memref<640x128xf32, #tpu.memory_space<hbm>>) target_semaphore(%run_scoped3A : memref<!tpu.dma_semaphore, #tpu.memory_space<semaphore_mem>>)
        %dma_wait3A = arith.constant 0 : i32
        %dma_wait3A_47 = tpu.memref_slice %arg5[%add3A, %dma_wait3A] : memref<20000x128xf32, #tpu.memory_space<hbm>> -> memref<640x128xf32, #tpu.memory_space<hbm>>
        %dma_wait3A_48 = arith.constant 0 : i32
        %dma_wait3A_49 = tpu.memref_slice %arg10[%mul3A_39, %dma_wait3A_48] : memref<10000x128xf32, #tpu.memory_space<vmem_shared>> -> memref<640x128xf32, #tpu.memory_space<vmem_shared>>
        tpu.wait_dma2 semaphore(%run_scoped3A : memref<!tpu.dma_semaphore, #tpu.memory_space<semaphore_mem>>) src(%dma_wait3A_49 : memref<640x128xf32, #tpu.memory_space<vmem_shared>>) dst(%dma_wait3A_47 : memref<640x128xf32, #tpu.memory_space<hbm>>)
        tpu.yield
      }) : () -> ()
    } else {
    }
    %eq3A_33 = arith.constant 15 : i32
    %eq3A_34 = arith.cmpi eq, %arg1, %eq3A_33 : i32
    %convert_element_type3A_35 = arith.extui %eq3A_34 : i1 to i32
    %cond3A_36 = arith.constant 0 : i32
    %cond3A_37 = arith.cmpi ne, %convert_element_type3A_35, %cond3A_36 : i32
    scf.if %cond3A_37 {
      %mul3A_38 = arith.constant 10000 : i32
      %mul3A_39 = arith.muli %arg0, %mul3A_38 : i32
      %add3A = arith.constant 9600 : i32
      %add3A_40 = arith.addi %mul3A_39, %add3A : i32
      "tpu.region"() ({
        %run_scoped3A = tpu.sem_alloc : memref<!tpu.dma_semaphore, #tpu.memory_space<semaphore_mem>>
        %dma_start3A = arith.constant 0 : i32
        %dma_start3A_41 = tpu.memref_slice %arg5[%add3A_40, %dma_start3A] : memref<20000x128xf32, #tpu.memory_space<hbm>> -> memref<400x128xf32, #tpu.memory_space<hbm>>
        %dma_start3A_42 = arith.constant 9600 : i32
        %dma_start3A_43 = arith.constant 0 : i32
        %dma_start3A_44 = tpu.memref_slice %arg10[%dma_start3A_42, %dma_start3A_43] : memref<10000x128xf32, #tpu.memory_space<vmem_shared>> -> memref<400x128xf32, #tpu.memory_space<vmem_shared>>
        tpu.enqueue_dma source(%dma_start3A_44 : memref<400x128xf32, #tpu.memory_space<vmem_shared>>) target(%dma_start3A_41 : memref<400x128xf32, #tpu.memory_space<hbm>>) target_semaphore(%run_scoped3A : memref<!tpu.dma_semaphore, #tpu.memory_space<semaphore_mem>>)
        %dma_wait3A = arith.constant 0 : i32
        %dma_wait3A_45 = tpu.memref_slice %arg5[%add3A_40, %dma_wait3A] : memref<20000x128xf32, #tpu.memory_space<hbm>> -> memref<400x128xf32, #tpu.memory_space<hbm>>
        %dma_wait3A_46 = arith.constant 9600 : i32
        %dma_wait3A_47 = arith.constant 0 : i32
        %dma_wait3A_48 = tpu.memref_slice %arg10[%dma_wait3A_46, %dma_wait3A_47] : memref<10000x128xf32, #tpu.memory_space<vmem_shared>> -> memref<400x128xf32, #tpu.memory_space<vmem_shared>>
        tpu.wait_dma2 semaphore(%run_scoped3A : memref<!tpu.dma_semaphore, #tpu.memory_space<semaphore_mem>>) src(%dma_wait3A_48 : memref<400x128xf32, #tpu.memory_space<vmem_shared>>) dst(%dma_wait3A_45 : memref<400x128xf32, #tpu.memory_space<hbm>>)
        tpu.yield
      }) : () -> ()
    } else {
    }
    return
  }
}

module attributes {stable_mosaic.version = 14 : i64} {
  func.func @_tc1_body(%arg0: i32, %arg1: memref<400x16xf32, #tpu.memory_space<vmem>>, %arg2: memref<400x256xf32, #tpu.memory_space<vmem>>, %arg3: memref<2x400x128xf32, #tpu.memory_space<vmem>>) attributes {dimension_semantics = [#tpu.dimension_semantics<arbitrary>], iteration_bounds = array<i64: 25>, scalar_prefetch = 0 : i64, scratch_operands = 0 : i64, tpu.core_type = #tpu.core_type<tc>, window_params = [{transform_indices = @transform_0, window_bounds = array<i64: 400, 16>}, {transform_indices = @transform_1, window_bounds = array<i64: 400, 256>}, {transform_indices = @transform_2, window_bounds = array<i64: 2, 400, 128>}]} {
    %get3A = arith.constant 0 : index
    %get3A_0 = arith.constant 0 : index
    %get3A_1 = vector.load %arg1[%get3A, %get3A_0] : memref<400x16xf32, #tpu.memory_space<vmem>>, vector<400x1xf32>
    %add3A = arith.constant 1.000000e+00 : f32
    %add3A_2 = vector.broadcast %add3A : f32 to vector<400x1xf32>
    %add3A_3 = arith.addf %get3A_1, %add3A_2 : vector<400x1xf32>
    %rsqrt3A = math.rsqrt %add3A_3 : vector<400x1xf32>
    %get3A_4 = arith.constant 0 : index
    %get3A_5 = arith.constant 0 : index
    %get3A_6 = vector.load %arg2[%get3A_4, %get3A_5] : memref<400x256xf32, #tpu.memory_space<vmem>>, vector<400x256xf32>
    %mul3A = vector.broadcast %rsqrt3A : vector<400x1xf32> to vector<400x256xf32>
    %mul3A_7 = arith.mulf %get3A_6, %mul3A : vector<400x256xf32>
    %slice3A = vector.extract_strided_slice %mul3A_7 {offsets = [0, 0], sizes = [400, 128], strides = [1, 1]} : vector<400x256xf32> to vector<400x128xf32>
    %swap3A = arith.constant 0 : index
    %swap3A_8 = arith.constant 0 : index
    %swap3A_9 = arith.constant 0 : index
    %swap3A_10 = vector.load %arg3[%swap3A, %swap3A_8, %swap3A_9] : memref<2x400x128xf32, #tpu.memory_space<vmem>>, vector<1x400x128xf32>
    %swap3A_11 = vector.shape_cast %swap3A_10 : vector<1x400x128xf32> to vector<400x128xf32>
    %swap3A_12 = vector.shape_cast %slice3A : vector<400x128xf32> to vector<1x400x128xf32>
    tpu.vector_store %arg3[%swap3A, %swap3A_8, %swap3A_9], %swap3A_12 {strides = array<i32>} : memref<2x400x128xf32, #tpu.memory_space<vmem>>, vector<1x400x128xf32>,
    %slice3A_13 = vector.extract_strided_slice %mul3A_7 {offsets = [0, 128], sizes = [400, 128], strides = [1, 1]} : vector<400x256xf32> to vector<400x128xf32>
    %swap3A_14 = arith.constant 1 : index
    %swap3A_15 = arith.constant 0 : index
    %swap3A_16 = arith.constant 0 : index
    %swap3A_17 = vector.load %arg3[%swap3A_14, %swap3A_15, %swap3A_16] : memref<2x400x128xf32, #tpu.memory_space<vmem>>, vector<1x400x128xf32>
    %swap3A_18 = vector.shape_cast %swap3A_17 : vector<1x400x128xf32> to vector<400x128xf32>
    %swap3A_19 = vector.shape_cast %slice3A_13 : vector<400x128xf32> to vector<1x400x128xf32>
    tpu.vector_store %arg3[%swap3A_14, %swap3A_15, %swap3A_16], %swap3A_19 {strides = array<i32>} : memref<2x400x128xf32, #tpu.memory_space<vmem>>, vector<1x400x128xf32>,
    return
  }
  func.func @transform_0(%arg0: i32) -> (i32, i32) {
    %c0_i32 = arith.constant 0 : i32
    %c0_i32_0 = arith.constant 0 : i32
    return %arg0, %c0_i32 : i32, i32
  }
  func.func @transform_1(%arg0: i32) -> (i32, i32) {
    %c0_i32 = arith.constant 0 : i32
    %c0_i32_0 = arith.constant 0 : i32
    return %arg0, %c0_i32 : i32, i32
  }
  func.func @transform_2(%arg0: i32) -> (i32, i32, i32) {
    %c0_i32 = arith.constant 0 : i32
    %c0_i32_0 = arith.constant 0 : i32
    %c0_i32_1 = arith.constant 0 : i32
    return %c0_i32, %arg0, %c0_i32_0 : i32, i32, i32
  }
}

module attributes {stable_mosaic.version = 14 : i64} {
  func.func @_tc2_body(%arg0: i32, %arg1: memref<400x16xf32, #tpu.memory_space<vmem>>, %arg2: memref<2x400x128xf32, #tpu.memory_space<vmem>>, %arg3: memref<2x400x128xf32, #tpu.memory_space<vmem>>, %arg4: memref<256x512xf32, #tpu.memory_space<vmem>>, %arg5: memref<1x512xf32, #tpu.memory_space<vmem>>, %arg6: memref<512x256xf32, #tpu.memory_space<vmem>>, %arg7: memref<2x400x128xf32, #tpu.memory_space<vmem>>) attributes {dimension_semantics = [#tpu.dimension_semantics<arbitrary>], iteration_bounds = array<i64: 25>, scalar_prefetch = 0 : i64, scratch_operands = 0 : i64, tpu.core_type = #tpu.core_type<tc>, window_params = [{transform_indices = @transform_0, window_bounds = array<i64: 400, 16>}, {transform_indices = @transform_1, window_bounds = array<i64: 2, 400, 128>}, {transform_indices = @transform_2, window_bounds = array<i64: 2, 400, 128>}, {pipeline_mode = #tpu.pipeline_mode<synchronous>, transform_indices = @transform_3, window_bounds = array<i64: 256, 512>}, {pipeline_mode = #tpu.pipeline_mode<synchronous>, transform_indices = @transform_4, window_bounds = array<i64: 1, 512>}, {pipeline_mode = #tpu.pipeline_mode<synchronous>, transform_indices = @transform_5, window_bounds = array<i64: 512, 256>}, {transform_indices = @transform_6, window_bounds = array<i64: 2, 400, 128>}]} {
    %get3A = arith.constant 0 : index
    %get3A_0 = arith.constant 0 : index
    %get3A_1 = vector.load %arg1[%get3A, %get3A_0] : memref<400x16xf32, #tpu.memory_space<vmem>>, vector<400x1xf32>
    %add3A = arith.constant 1.000000e+00 : f32
    %add3A_2 = vector.broadcast %add3A : f32 to vector<400x1xf32>
    %add3A_3 = arith.addf %get3A_1, %add3A_2 : vector<400x1xf32>
    %rsqrt3A = math.rsqrt %add3A_3 : vector<400x1xf32>
    %get3A_4 = arith.constant 0 : index
    %get3A_5 = arith.constant 0 : index
    %get3A_6 = arith.constant 0 : index
    %get3A_7 = vector.load %arg2[%get3A_4, %get3A_5, %get3A_6] : memref<2x400x128xf32, #tpu.memory_space<vmem>>, vector<1x400x128xf32>
    %get3A_8 = vector.shape_cast %get3A_7 : vector<1x400x128xf32> to vector<400x128xf32>
    %get3A_9 = arith.constant 1 : index
    %get3A_10 = arith.constant 0 : index
    %get3A_11 = arith.constant 0 : index
    %get3A_12 = vector.load %arg2[%get3A_9, %get3A_10, %get3A_11] : memref<2x400x128xf32, #tpu.memory_space<vmem>>, vector<1x400x128xf32>
    %get3A_13 = vector.shape_cast %get3A_12 : vector<1x400x128xf32> to vector<400x128xf32>
    %concatenate3A = tpu.concatenate %get3A_8, %get3A_13 in 1 : vector<400x128xf32>, vector<400x128xf32> -> vector<400x256xf32>
    %get3A_14 = arith.constant 0 : index
    %get3A_15 = arith.constant 0 : index
    %get3A_16 = arith.constant 0 : index
    %get3A_17 = vector.load %arg3[%get3A_14, %get3A_15, %get3A_16] : memref<2x400x128xf32, #tpu.memory_space<vmem>>, vector<1x400x128xf32>
    %get3A_18 = vector.shape_cast %get3A_17 : vector<1x400x128xf32> to vector<400x128xf32>
    %get3A_19 = arith.constant 1 : index
    %get3A_20 = arith.constant 0 : index
    %get3A_21 = arith.constant 0 : index
    %get3A_22 = vector.load %arg3[%get3A_19, %get3A_20, %get3A_21] : memref<2x400x128xf32, #tpu.memory_space<vmem>>, vector<1x400x128xf32>
    %get3A_23 = vector.shape_cast %get3A_22 : vector<1x400x128xf32> to vector<400x128xf32>
    %concatenate3A_24 = tpu.concatenate %get3A_18, %get3A_23 in 1 : vector<400x128xf32>, vector<400x128xf32> -> vector<400x256xf32>
    %add3A_25 = arith.addf %concatenate3A, %concatenate3A_24 : vector<400x256xf32>
    %mul3A = vector.broadcast %rsqrt3A : vector<400x1xf32> to vector<400x256xf32>
    %mul3A_26 = arith.mulf %mul3A, %add3A_25 : vector<400x256xf32>
    %get3A_27 = arith.constant 0 : index
    %get3A_28 = arith.constant 0 : index
    %get3A_29 = vector.load %arg4[%get3A_27, %get3A_28] : memref<256x512xf32, #tpu.memory_space<vmem>>, vector<256x512xf32>
    %dot_general3A = arith.constant dense<0.000000e+00> : vector<400x512xf32>
    %dot_general3A_30 = tpu.matmul %mul3A_26, %get3A_29, %dot_general3A {dimension_numbers = #tpu.dot_dimension_numbers<[1], [0], [0], [1], [0, 0, 1, 1], [], []>, transpose_lhs_hint = false} : vector<400x256xf32>, vector<256x512xf32>, vector<400x512xf32> -> vector<400x512xf32>
    %get3A_31 = arith.constant 0 : index
    %get3A_32 = arith.constant 0 : index
    %get3A_33 = vector.load %arg5[%get3A_31, %get3A_32] : memref<1x512xf32, #tpu.memory_space<vmem>>, vector<1x512xf32>
    %add3A_34 = vector.broadcast %get3A_33 : vector<1x512xf32> to vector<400x512xf32>
    %add3A_35 = arith.addf %dot_general3A_30, %add3A_34 : vector<400x512xf32>
    %jit3A = arith.constant 0.000000e+00 : f32
    %jit3A_36 = arith.constant 6.000000e+00 : f32
    %max3A = vector.broadcast %jit3A : f32 to vector<400x512xf32>
    %max3A_37 = arith.maximumf %max3A, %add3A_35 : vector<400x512xf32>
    %min3A = vector.broadcast %jit3A_36 : f32 to vector<400x512xf32>
    %min3A_38 = arith.minimumf %min3A, %max3A_37 : vector<400x512xf32>
    %get3A_39 = arith.constant 0 : index
    %get3A_40 = arith.constant 0 : index
    %get3A_41 = vector.load %arg6[%get3A_39, %get3A_40] : memref<512x256xf32, #tpu.memory_space<vmem>>, vector<512x256xf32>
    %dot_general3A_42 = arith.constant dense<0.000000e+00> : vector<400x256xf32>
    %dot_general3A_43 = tpu.matmul %min3A_38, %get3A_41, %dot_general3A_42 {dimension_numbers = #tpu.dot_dimension_numbers<[1], [0], [0], [1], [0, 0, 1, 1], [], []>, transpose_lhs_hint = false} : vector<400x512xf32>, vector<512x256xf32>, vector<400x256xf32> -> vector<400x256xf32>
    %mul3A_44 = vector.broadcast %rsqrt3A : vector<400x1xf32> to vector<400x256xf32>
    %mul3A_45 = arith.mulf %mul3A_44, %dot_general3A_43 : vector<400x256xf32>
    %slice3A = vector.extract_strided_slice %mul3A_45 {offsets = [0, 0], sizes = [400, 128], strides = [1, 1]} : vector<400x256xf32> to vector<400x128xf32>
    %swap3A = arith.constant 0 : index
    %swap3A_46 = arith.constant 0 : index
    %swap3A_47 = arith.constant 0 : index
    %swap3A_48 = vector.load %arg7[%swap3A, %swap3A_46, %swap3A_47] : memref<2x400x128xf32, #tpu.memory_space<vmem>>, vector<1x400x128xf32>
    %swap3A_49 = vector.shape_cast %swap3A_48 : vector<1x400x128xf32> to vector<400x128xf32>
    %swap3A_50 = vector.shape_cast %slice3A : vector<400x128xf32> to vector<1x400x128xf32>
    tpu.vector_store %arg7[%swap3A, %swap3A_46, %swap3A_47], %swap3A_50 {strides = array<i32>} : memref<2x400x128xf32, #tpu.memory_space<vmem>>, vector<1x400x128xf32>,
    %slice3A_51 = vector.extract_strided_slice %mul3A_45 {offsets = [0, 128], sizes = [400, 128], strides = [1, 1]} : vector<400x256xf32> to vector<400x128xf32>
    %swap3A_52 = arith.constant 1 : index
    %swap3A_53 = arith.constant 0 : index
    %swap3A_54 = arith.constant 0 : index
    %swap3A_55 = vector.load %arg7[%swap3A_52, %swap3A_53, %swap3A_54] : memref<2x400x128xf32, #tpu.memory_space<vmem>>, vector<1x400x128xf32>
    %swap3A_56 = vector.shape_cast %swap3A_55 : vector<1x400x128xf32> to vector<400x128xf32>
    %swap3A_57 = vector.shape_cast %slice3A_51 : vector<400x128xf32> to vector<1x400x128xf32>
    tpu.vector_store %arg7[%swap3A_52, %swap3A_53, %swap3A_54], %swap3A_57 {strides = array<i32>} : memref<2x400x128xf32, #tpu.memory_space<vmem>>, vector<1x400x128xf32>,
    return
  }
  func.func @transform_0(%arg0: i32) -> (i32, i32) {
    %c0_i32 = arith.constant 0 : i32
    %c0_i32_0 = arith.constant 0 : i32
    return %arg0, %c0_i32 : i32, i32
  }
  func.func @transform_1(%arg0: i32) -> (i32, i32, i32) {
    %c0_i32 = arith.constant 0 : i32
    %c0_i32_0 = arith.constant 0 : i32
    %c0_i32_1 = arith.constant 0 : i32
    return %c0_i32, %arg0, %c0_i32_0 : i32, i32, i32
  }
  func.func @transform_2(%arg0: i32) -> (i32, i32, i32) {
    %c0_i32 = arith.constant 0 : i32
    %c0_i32_0 = arith.constant 0 : i32
    %c0_i32_1 = arith.constant 0 : i32
    return %c0_i32, %arg0, %c0_i32_0 : i32, i32, i32
  }
  func.func @transform_3(%arg0: i32) -> (i32, i32) {
    %c0_i32 = arith.constant 0 : i32
    %c0_i32_0 = arith.constant 0 : i32
    %c0_i32_1 = arith.constant 0 : i32
    return %c0_i32, %c0_i32_0 : i32, i32
  }
  func.func @transform_4(%arg0: i32) -> (i32, i32) {
    %c0_i32 = arith.constant 0 : i32
    %c0_i32_0 = arith.constant 0 : i32
    %c0_i32_1 = arith.constant 0 : i32
    return %c0_i32, %c0_i32_0 : i32, i32
  }
  func.func @transform_5(%arg0: i32) -> (i32, i32) {
    %c0_i32 = arith.constant 0 : i32
    %c0_i32_0 = arith.constant 0 : i32
    %c0_i32_1 = arith.constant 0 : i32
    return %c0_i32, %c0_i32_0 : i32, i32
  }
  func.func @transform_6(%arg0: i32) -> (i32, i32, i32) {
    %c0_i32 = arith.constant 0 : i32
    %c0_i32_0 = arith.constant 0 : i32
    %c0_i32_1 = arith.constant 0 : i32
    return %c0_i32, %arg0, %c0_i32_0 : i32, i32, i32
  }
}

module attributes {stable_mosaic.version = 14 : i64} {
  func.func @_tc3_body(%arg0: i32, %arg1: memref<400x16xf32, #tpu.memory_space<vmem>>, %arg2: memref<2x400x128xf32, #tpu.memory_space<vmem>>, %arg3: memref<2x400x128xf32, #tpu.memory_space<vmem>>, %arg4: memref<1x256xf32, #tpu.memory_space<vmem>>, %arg5: memref<256x256xf32, #tpu.memory_space<vmem>>, %arg6: memref<2x400x128xf32, #tpu.memory_space<vmem>>) attributes {dimension_semantics = [#tpu.dimension_semantics<arbitrary>], iteration_bounds = array<i64: 25>, scalar_prefetch = 0 : i64, scratch_operands = 0 : i64, tpu.core_type = #tpu.core_type<tc>, window_params = [{transform_indices = @transform_0, window_bounds = array<i64: 400, 16>}, {transform_indices = @transform_1, window_bounds = array<i64: 2, 400, 128>}, {transform_indices = @transform_2, window_bounds = array<i64: 2, 400, 128>}, {pipeline_mode = #tpu.pipeline_mode<synchronous>, transform_indices = @transform_3, window_bounds = array<i64: 1, 256>}, {pipeline_mode = #tpu.pipeline_mode<synchronous>, transform_indices = @transform_4, window_bounds = array<i64: 256, 256>}, {transform_indices = @transform_5, window_bounds = array<i64: 2, 400, 128>}]} {
    %get3A = arith.constant 0 : index
    %get3A_0 = arith.constant 0 : index
    %get3A_1 = vector.load %arg1[%get3A, %get3A_0] : memref<400x16xf32, #tpu.memory_space<vmem>>, vector<400x1xf32>
    %add3A = arith.constant 1.000000e+00 : f32
    %add3A_2 = vector.broadcast %add3A : f32 to vector<400x1xf32>
    %add3A_3 = arith.addf %get3A_1, %add3A_2 : vector<400x1xf32>
    %rsqrt3A = math.rsqrt %add3A_3 : vector<400x1xf32>
    %get3A_4 = arith.constant 0 : index
    %get3A_5 = arith.constant 0 : index
    %get3A_6 = arith.constant 0 : index
    %get3A_7 = vector.load %arg2[%get3A_4, %get3A_5, %get3A_6] : memref<2x400x128xf32, #tpu.memory_space<vmem>>, vector<1x400x128xf32>
    %get3A_8 = vector.shape_cast %get3A_7 : vector<1x400x128xf32> to vector<400x128xf32>
    %get3A_9 = arith.constant 1 : index
    %get3A_10 = arith.constant 0 : index
    %get3A_11 = arith.constant 0 : index
    %get3A_12 = vector.load %arg2[%get3A_9, %get3A_10, %get3A_11] : memref<2x400x128xf32, #tpu.memory_space<vmem>>, vector<1x400x128xf32>
    %get3A_13 = vector.shape_cast %get3A_12 : vector<1x400x128xf32> to vector<400x128xf32>
    %concatenate3A = tpu.concatenate %get3A_8, %get3A_13 in 1 : vector<400x128xf32>, vector<400x128xf32> -> vector<400x256xf32>
    %get3A_14 = arith.constant 0 : index
    %get3A_15 = arith.constant 0 : index
    %get3A_16 = arith.constant 0 : index
    %get3A_17 = vector.load %arg3[%get3A_14, %get3A_15, %get3A_16] : memref<2x400x128xf32, #tpu.memory_space<vmem>>, vector<1x400x128xf32>
    %get3A_18 = vector.shape_cast %get3A_17 : vector<1x400x128xf32> to vector<400x128xf32>
    %get3A_19 = arith.constant 1 : index
    %get3A_20 = arith.constant 0 : index
    %get3A_21 = arith.constant 0 : index
    %get3A_22 = vector.load %arg3[%get3A_19, %get3A_20, %get3A_21] : memref<2x400x128xf32, #tpu.memory_space<vmem>>, vector<1x400x128xf32>
    %get3A_23 = vector.shape_cast %get3A_22 : vector<1x400x128xf32> to vector<400x128xf32>
    %concatenate3A_24 = tpu.concatenate %get3A_18, %get3A_23 in 1 : vector<400x128xf32>, vector<400x128xf32> -> vector<400x256xf32>
    %add3A_25 = arith.addf %concatenate3A, %concatenate3A_24 : vector<400x256xf32>
    %mul3A = vector.broadcast %rsqrt3A : vector<400x1xf32> to vector<400x256xf32>
    %mul3A_26 = arith.mulf %mul3A, %add3A_25 : vector<400x256xf32>
    %get3A_27 = arith.constant 0 : index
    %get3A_28 = arith.constant 0 : index
    %get3A_29 = vector.load %arg4[%get3A_27, %get3A_28] : memref<1x256xf32, #tpu.memory_space<vmem>>, vector<1x256xf32>
    %add3A_30 = vector.broadcast %get3A_29 : vector<1x256xf32> to vector<400x256xf32>
    %add3A_31 = arith.addf %mul3A_26, %add3A_30 : vector<400x256xf32>
    %jit3A = arith.constant 0.000000e+00 : f32
    %jit3A_32 = arith.constant 6.000000e+00 : f32
    %max3A = vector.broadcast %jit3A : f32 to vector<400x256xf32>
    %max3A_33 = arith.maximumf %max3A, %add3A_31 : vector<400x256xf32>
    %min3A = vector.broadcast %jit3A_32 : f32 to vector<400x256xf32>
    %min3A_34 = arith.minimumf %min3A, %max3A_33 : vector<400x256xf32>
    %get3A_35 = arith.constant 0 : index
    %get3A_36 = arith.constant 0 : index
    %get3A_37 = vector.load %arg5[%get3A_35, %get3A_36] : memref<256x256xf32, #tpu.memory_space<vmem>>, vector<256x256xf32>
    %dot_general3A = arith.constant dense<0.000000e+00> : vector<400x256xf32>
    %dot_general3A_38 = tpu.matmul %min3A_34, %get3A_37, %dot_general3A {dimension_numbers = #tpu.dot_dimension_numbers<[1], [0], [0], [1], [0, 0, 1, 1], [], []>, transpose_lhs_hint = false} : vector<400x256xf32>, vector<256x256xf32>, vector<400x256xf32> -> vector<400x256xf32>
    %mul3A_39 = vector.broadcast %rsqrt3A : vector<400x1xf32> to vector<400x256xf32>
    %mul3A_40 = arith.mulf %mul3A_39, %dot_general3A_38 : vector<400x256xf32>
    %slice3A = vector.extract_strided_slice %mul3A_40 {offsets = [0, 0], sizes = [400, 128], strides = [1, 1]} : vector<400x256xf32> to vector<400x128xf32>
    %swap3A = arith.constant 0 : index
    %swap3A_41 = arith.constant 0 : index
    %swap3A_42 = arith.constant 0 : index
    %swap3A_43 = vector.load %arg6[%swap3A, %swap3A_41, %swap3A_42] : memref<2x400x128xf32, #tpu.memory_space<vmem>>, vector<1x400x128xf32>
    %swap3A_44 = vector.shape_cast %swap3A_43 : vector<1x400x128xf32> to vector<400x128xf32>
    %swap3A_45 = vector.shape_cast %slice3A : vector<400x128xf32> to vector<1x400x128xf32>
    tpu.vector_store %arg6[%swap3A, %swap3A_41, %swap3A_42], %swap3A_45 {strides = array<i32>} : memref<2x400x128xf32, #tpu.memory_space<vmem>>, vector<1x400x128xf32>,
    %slice3A_46 = vector.extract_strided_slice %mul3A_40 {offsets = [0, 128], sizes = [400, 128], strides = [1, 1]} : vector<400x256xf32> to vector<400x128xf32>
    %swap3A_47 = arith.constant 1 : index
    %swap3A_48 = arith.constant 0 : index
    %swap3A_49 = arith.constant 0 : index
    %swap3A_50 = vector.load %arg6[%swap3A_47, %swap3A_48, %swap3A_49] : memref<2x400x128xf32, #tpu.memory_space<vmem>>, vector<1x400x128xf32>
    %swap3A_51 = vector.shape_cast %swap3A_50 : vector<1x400x128xf32> to vector<400x128xf32>
    %swap3A_52 = vector.shape_cast %slice3A_46 : vector<400x128xf32> to vector<1x400x128xf32>
    tpu.vector_store %arg6[%swap3A_47, %swap3A_48, %swap3A_49], %swap3A_52 {strides = array<i32>} : memref<2x400x128xf32, #tpu.memory_space<vmem>>, vector<1x400x128xf32>,
    return
  }
  func.func @transform_0(%arg0: i32) -> (i32, i32) {
    %c0_i32 = arith.constant 0 : i32
    %c0_i32_0 = arith.constant 0 : i32
    return %arg0, %c0_i32 : i32, i32
  }
  func.func @transform_1(%arg0: i32) -> (i32, i32, i32) {
    %c0_i32 = arith.constant 0 : i32
    %c0_i32_0 = arith.constant 0 : i32
    %c0_i32_1 = arith.constant 0 : i32
    return %c0_i32, %arg0, %c0_i32_0 : i32, i32, i32
  }
  func.func @transform_2(%arg0: i32) -> (i32, i32, i32) {
    %c0_i32 = arith.constant 0 : i32
    %c0_i32_0 = arith.constant 0 : i32
    %c0_i32_1 = arith.constant 0 : i32
    return %c0_i32, %arg0, %c0_i32_0 : i32, i32, i32
  }
  func.func @transform_3(%arg0: i32) -> (i32, i32) {
    %c0_i32 = arith.constant 0 : i32
    %c0_i32_0 = arith.constant 0 : i32
    %c0_i32_1 = arith.constant 0 : i32
    return %c0_i32, %c0_i32_0 : i32, i32
  }
  func.func @transform_4(%arg0: i32) -> (i32, i32) {
    %c0_i32 = arith.constant 0 : i32
    %c0_i32_0 = arith.constant 0 : i32
    %c0_i32_1 = arith.constant 0 : i32
    return %c0_i32, %c0_i32_0 : i32, i32
  }
  func.func @transform_5(%arg0: i32) -> (i32, i32, i32) {
    %c0_i32 = arith.constant 0 : i32
    %c0_i32_0 = arith.constant 0 : i32
    %c0_i32_1 = arith.constant 0 : i32
    return %c0_i32, %arg0, %c0_i32_0 : i32, i32, i32
  }
}

module attributes {stable_mosaic.version = 14 : i64} {
  func.func @_tc4_body(%arg0: i32, %arg1: memref<400x16xf32, #tpu.memory_space<vmem>>, %arg2: memref<2x400x128xf32, #tpu.memory_space<vmem>>, %arg3: memref<2x400x128xf32, #tpu.memory_space<vmem>>, %arg4: memref<1x256xf32, #tpu.memory_space<vmem>>, %arg5: memref<256x3xf32, #tpu.memory_space<vmem>>, %arg6: memref<1x3xf32, #tpu.memory_space<vmem>>, %arg7: memref<400x3xf32, #tpu.memory_space<vmem>>) attributes {dimension_semantics = [#tpu.dimension_semantics<arbitrary>], iteration_bounds = array<i64: 25>, scalar_prefetch = 0 : i64, scratch_operands = 0 : i64, tpu.core_type = #tpu.core_type<tc>, window_params = [{transform_indices = @transform_0, window_bounds = array<i64: 400, 16>}, {transform_indices = @transform_1, window_bounds = array<i64: 2, 400, 128>}, {transform_indices = @transform_2, window_bounds = array<i64: 2, 400, 128>}, {pipeline_mode = #tpu.pipeline_mode<synchronous>, transform_indices = @transform_3, window_bounds = array<i64: 1, 256>}, {pipeline_mode = #tpu.pipeline_mode<synchronous>, transform_indices = @transform_4, window_bounds = array<i64: 256, 3>}, {pipeline_mode = #tpu.pipeline_mode<synchronous>, transform_indices = @transform_5, window_bounds = array<i64: 1, 3>}, {transform_indices = @transform_6, window_bounds = array<i64: 400, 3>}]} {
    %get3A = arith.constant 0 : index
    %get3A_0 = arith.constant 0 : index
    %get3A_1 = vector.load %arg1[%get3A, %get3A_0] : memref<400x16xf32, #tpu.memory_space<vmem>>, vector<400x1xf32>
    %add3A = arith.constant 1.000000e+00 : f32
    %add3A_2 = vector.broadcast %add3A : f32 to vector<400x1xf32>
    %add3A_3 = arith.addf %get3A_1, %add3A_2 : vector<400x1xf32>
    %rsqrt3A = math.rsqrt %add3A_3 : vector<400x1xf32>
    %get3A_4 = arith.constant 0 : index
    %get3A_5 = arith.constant 0 : index
    %get3A_6 = arith.constant 0 : index
    %get3A_7 = vector.load %arg2[%get3A_4, %get3A_5, %get3A_6] : memref<2x400x128xf32, #tpu.memory_space<vmem>>, vector<1x400x128xf32>
    %get3A_8 = vector.shape_cast %get3A_7 : vector<1x400x128xf32> to vector<400x128xf32>
    %get3A_9 = arith.constant 1 : index
    %get3A_10 = arith.constant 0 : index
    %get3A_11 = arith.constant 0 : index
    %get3A_12 = vector.load %arg2[%get3A_9, %get3A_10, %get3A_11] : memref<2x400x128xf32, #tpu.memory_space<vmem>>, vector<1x400x128xf32>
    %get3A_13 = vector.shape_cast %get3A_12 : vector<1x400x128xf32> to vector<400x128xf32>
    %concatenate3A = tpu.concatenate %get3A_8, %get3A_13 in 1 : vector<400x128xf32>, vector<400x128xf32> -> vector<400x256xf32>
    %get3A_14 = arith.constant 0 : index
    %get3A_15 = arith.constant 0 : index
    %get3A_16 = arith.constant 0 : index
    %get3A_17 = vector.load %arg3[%get3A_14, %get3A_15, %get3A_16] : memref<2x400x128xf32, #tpu.memory_space<vmem>>, vector<1x400x128xf32>
    %get3A_18 = vector.shape_cast %get3A_17 : vector<1x400x128xf32> to vector<400x128xf32>
    %get3A_19 = arith.constant 1 : index
    %get3A_20 = arith.constant 0 : index
    %get3A_21 = arith.constant 0 : index
    %get3A_22 = vector.load %arg3[%get3A_19, %get3A_20, %get3A_21] : memref<2x400x128xf32, #tpu.memory_space<vmem>>, vector<1x400x128xf32>
    %get3A_23 = vector.shape_cast %get3A_22 : vector<1x400x128xf32> to vector<400x128xf32>
    %concatenate3A_24 = tpu.concatenate %get3A_18, %get3A_23 in 1 : vector<400x128xf32>, vector<400x128xf32> -> vector<400x256xf32>
    %add3A_25 = arith.addf %concatenate3A, %concatenate3A_24 : vector<400x256xf32>
    %mul3A = vector.broadcast %rsqrt3A : vector<400x1xf32> to vector<400x256xf32>
    %mul3A_26 = arith.mulf %mul3A, %add3A_25 : vector<400x256xf32>
    %get3A_27 = arith.constant 0 : index
    %get3A_28 = arith.constant 0 : index
    %get3A_29 = vector.load %arg4[%get3A_27, %get3A_28] : memref<1x256xf32, #tpu.memory_space<vmem>>, vector<1x256xf32>
    %add3A_30 = vector.broadcast %get3A_29 : vector<1x256xf32> to vector<400x256xf32>
    %add3A_31 = arith.addf %mul3A_26, %add3A_30 : vector<400x256xf32>
    %jit3A = arith.constant 0.000000e+00 : f32
    %jit3A_32 = arith.constant 6.000000e+00 : f32
    %max3A = vector.broadcast %jit3A : f32 to vector<400x256xf32>
    %max3A_33 = arith.maximumf %max3A, %add3A_31 : vector<400x256xf32>
    %min3A = vector.broadcast %jit3A_32 : f32 to vector<400x256xf32>
    %min3A_34 = arith.minimumf %min3A, %max3A_33 : vector<400x256xf32>
    %get3A_35 = arith.constant 0 : index
    %get3A_36 = arith.constant 0 : index
    %get3A_37 = vector.load %arg5[%get3A_35, %get3A_36] : memref<256x3xf32, #tpu.memory_space<vmem>>, vector<256x3xf32>
    %dot_general3A = arith.constant dense<0.000000e+00> : vector<400x3xf32>
    %dot_general3A_38 = tpu.matmul %min3A_34, %get3A_37, %dot_general3A {dimension_numbers = #tpu.dot_dimension_numbers<[1], [0], [0], [1], [0, 0, 1, 1], [], []>, transpose_lhs_hint = false} : vector<400x256xf32>, vector<256x3xf32>, vector<400x3xf32> -> vector<400x3xf32>
    %get3A_39 = arith.constant 0 : index
    %get3A_40 = arith.constant 0 : index
    %get3A_41 = vector.load %arg6[%get3A_39, %get3A_40] : memref<1x3xf32, #tpu.memory_space<vmem>>, vector<1x3xf32>
    %add3A_42 = vector.broadcast %get3A_41 : vector<1x3xf32> to vector<400x3xf32>
    %add3A_43 = arith.addf %dot_general3A_38, %add3A_42 : vector<400x3xf32>
    %logistic3A = arith.negf %add3A_43 : vector<400x3xf32>
    %logistic3A_44 = math.exp %logistic3A : vector<400x3xf32>
    %logistic3A_45 = arith.constant 1.000000e+00 : f32
    %logistic3A_46 = vector.broadcast %logistic3A_45 : f32 to vector<400x3xf32>
    %logistic3A_47 = arith.addf %logistic3A_46, %logistic3A_44 : vector<400x3xf32>
    %logistic3A_48 = arith.divf %logistic3A_46, %logistic3A_47 : vector<400x3xf32>
    %swap3A = arith.constant 0 : index
    %swap3A_49 = arith.constant 0 : index
    %swap3A_50 = vector.load %arg7[%swap3A, %swap3A_49] : memref<400x3xf32, #tpu.memory_space<vmem>>, vector<400x3xf32>
    tpu.vector_store %arg7[%swap3A, %swap3A_49], %logistic3A_48 {strides = array<i32>} : memref<400x3xf32, #tpu.memory_space<vmem>>, vector<400x3xf32>,
    return
  }
  func.func @transform_0(%arg0: i32) -> (i32, i32) {
    %c0_i32 = arith.constant 0 : i32
    %c0_i32_0 = arith.constant 0 : i32
    return %arg0, %c0_i32 : i32, i32
  }
  func.func @transform_1(%arg0: i32) -> (i32, i32, i32) {
    %c0_i32 = arith.constant 0 : i32
    %c0_i32_0 = arith.constant 0 : i32
    %c0_i32_1 = arith.constant 0 : i32
    return %c0_i32, %arg0, %c0_i32_0 : i32, i32, i32
  }
  func.func @transform_2(%arg0: i32) -> (i32, i32, i32) {
    %c0_i32 = arith.constant 0 : i32
    %c0_i32_0 = arith.constant 0 : i32
    %c0_i32_1 = arith.constant 0 : i32
    return %c0_i32, %arg0, %c0_i32_0 : i32, i32, i32
  }
  func.func @transform_3(%arg0: i32) -> (i32, i32) {
    %c0_i32 = arith.constant 0 : i32
    %c0_i32_0 = arith.constant 0 : i32
    %c0_i32_1 = arith.constant 0 : i32
    return %c0_i32, %c0_i32_0 : i32, i32
  }
  func.func @transform_4(%arg0: i32) -> (i32, i32) {
    %c0_i32 = arith.constant 0 : i32
    %c0_i32_0 = arith.constant 0 : i32
    %c0_i32_1 = arith.constant 0 : i32
    return %c0_i32, %c0_i32_0 : i32, i32
  }
  func.func @transform_5(%arg0: i32) -> (i32, i32) {
    %c0_i32 = arith.constant 0 : i32
    %c0_i32_0 = arith.constant 0 : i32
    %c0_i32_1 = arith.constant 0 : i32
    return %c0_i32, %c0_i32_0 : i32, i32
  }
  func.func @transform_6(%arg0: i32) -> (i32, i32) {
    %c0_i32 = arith.constant 0 : i32
    %c0_i32_0 = arith.constant 0 : i32
    return %arg0, %c0_i32 : i32, i32
  }
}

</mosaic_0001>

<sc_bundles>
// kernel: kernel.10.cloned.1.call-start
scs
__scs_entry_jumppad:
0x0: {  	(pc) =	sbr.rel $0x88, $3  }
0x1: {  	(tag) =	ssettag $0x0;
	lr =	simm.s32 $0x1  }
0x2: {  	[smem:$0x3F96] =	sst lr;
	_ =	strace $0xD0000000  }
0x3: {  	_ = 	snop  }
0x4: {  	_ = 	snop  }
0x5: {  	_ = 	snop  }
0x6: {  	_ = 	snop  }
0x7: {  	_ = 	snop  }
__scs_overlays_trampoline_lowered:
0x8: {  	[smem:$0x3FA5] =	sst s0  }
0x9: {  	[smem:$0x3FA6] =	sst s1  }
0xa: {  	[smem:$0x3FA7] =	sst s2  }
0xb: {  	[smem:$0x3FA8] =	sst s3  }
0xc: {  	[smem:$0x3FA9] =	sst s4  }
0xd: {  	[smem:$0x3FAA] =	sst s5  }
0xe: {  	[smem:$0x3FAB] =	sst s6  }
0xf: {  	[smem:$0x3FAC] =	sst s7  }
0x10: {  	[smem:$0x3FAD] =	sst s8  }
0x11: {  	[smem:$0x3FAE] =	sst s9;
	s0 =	simm.s32 @!p0 $0x0  }
0x12: {  	s1 =	sld [smem:$0x3F94];
	s0 =	simm.s32 @p0 $0x1  }
0x13: {  	[smem:$0x3FAF] =	sst s0;
	s0 =	simm.s32 @!p1 $0x0  }
0x14: {  	s2 =	sld [smem:$0x3F93];
	s0 =	simm.s32 @p1 $0x1  }
0x15: {  	[smem:$0x3FB0] =	sst s0;
	s0 =	simm.s32 @!p2 $0x0  }
0x16: {  	s3 =	sld [smem:$0x3FDB];
	s0 =	simm.s32 @p2 $0x1  }
0x17: {  	s4 =	simm.s32 $0x1BF5;
	[smem:$0x3FB2] =	sst s0  }
0x18: {  	s0 =	sld [smem:$0x3F95];
	_ =	swait.ge [sflag:s4], $0x0  }
0x19: {  	s7 =	sld [smem:$0x3F96]  }
0x1a: {  	s8 =	sadd.s32 $0xFFFFE003, lr  }
0x1b: {  	s9 =	sadd.s32 $0xFFFFFEF7, lr;
	s5 =	simm.s32 $0xFFFFFFFF;
	p2 =	slt.u32 s8, $0xFFFFF086  }
0x1c: {  	p1 =	slt.u32 s9, $0xF7A;
	s5 =	simm.s32 @!p2 $0x0  }
0x1d: {  	s5 =	simm.s32 @p1 $0x1;
	p0 =	seq.s32 s7, s2  }
0x1e: {  	s7 =	smul.u32 @!p0 $0xF7A, s2;
	p2 =	seq.s32 @!p0 s5, $0x0  }
0x1f: {  	s9 =	smul.u32 $0xF7A, s1;
	s8 =	simm.s32 @!p0 $0x1BF5;
	p2 =	por !p2, p0  }
0x20: {  	[sflag:s8] =	ssyncset.s32 @!p0 $0xFFFFF086;
	s6 =	sadd.s32 @!p0 s3, s7;
	s7 =	simm.s32 @!p0 $0x108  }
0x21: {  	s3 =	sadd.s32 s3, s9;
	s6 =	sadd.s32 @!p0 $0x88, s6;
	s7 =	simm.s32 @p2 $0x1082  }
0x22: {  	[simem:s7], [sflag:s8] =	dma.local @!p0 [hbm:s6], $0xF7A  }
0x23: {  	s9 =	sor.u32 $0xD0000000, s2;
	s6 =	simm.s32 $0x108;
	_ =	swait.ge @!p0 [sflag:s8], $0x0  }
0x24: {  	s3 =	sadd.s32 $0x88, s3;
	s6 =	simm.s32 @!p1 $0x1082;
	[sflag:s4] =	ssyncset.s32 $0xFFFFF086  }
0x25: {  	[simem:s6], [sflag:s4] =	dma.local [hbm:s3], $0xF7A  }
0x26: {  	[smem:$0x3F96] =	sst s1;
	(tag) =	ssettag s2;
	_ =	strace s9  }
0x27: {  	s1 =	sld [smem:$0x3FA6]  }
0x28: {  	s2 =	sld [smem:$0x3FA7]  }
0x29: {  	s4 =	sld [smem:$0x3FA9]  }
0x2a: {  	p0 =	seq.s32 s5, $0x0;
	s5 =	sld [smem:$0x3FAA]  }
0x2b: {  	s6 =	sld [smem:$0x3FAB]  }
0x2c: {  	s7 =	sld [smem:$0x3FAC]  }
0x2d: {  	s3 =	simm.s32 $0x108;
	s8 =	sld [smem:$0x3FAD]  }
0x2e: {  	s3 =	simm.s32 @!p0 $0x1082;
	s9 =	sld [smem:$0x3FAE]  }
0x2f: {  	lr =	sadd.s32 s0, s3;
	s0 =	sld [smem:$0x3FA5]  }
0x30: {  	s3 =	sld [smem:$0x3FA8]  }
0x31: {  	[smem:$0x3FB1] =	sst s10  }
0x32: {  	s10 =	sld [smem:$0x3FAF];
	_ =	sdelay $0x3  }
0x33: {  	p0 =	seq.s32 s10, $0x1;
	s10 =	sld [smem:$0x3FB1];
	_ =	sdelay $0x3  }
0x34: {  	[smem:$0x3FB1] =	sst s10  }
0x35: {  	s10 =	sld [smem:$0x3FB0];
	_ =	sdelay $0x3  }
0x36: {  	p1 =	seq.s32 s10, $0x1;
	s10 =	sld [smem:$0x3FB1];
	_ =	sdelay $0x3  }
0x37: {  	[smem:$0x3FB1] =	sst s10  }
0x38: {  	s10 =	sld [smem:$0x3FB2]  }
0x39: {  	_ = 	snop;
	(pc) =	sbr.ind lr, $3  }
0x3a: {  	_ = 	snop  }
0x3b: {  	_ = 	snop  }
0x3c: {  	p2 =	seq.s32 s10, $0x1;
	s10 =	sld [smem:$0x3FB1]  }
0x3d: {  	_ =	shalt  }
0x3e: {  	_ =	shalt  }
0x3f: {  	_ =	shalt  }
0x40: {  	_ =	shalt  }
0x41: {  	_ =	shalt  }
0x42: {  	_ =	shalt  }
0x43: {  	_ =	shalt  }
0x44: {  	_ =	shalt  }
0x45: {  	_ =	shalt  }
0x46: {  	_ =	shalt  }
0x47: {  	_ =	shalt  }
0x48: {  	_ =	shalt  }
0x49: {  	_ =	shalt  }
0x4a: {  	_ =	shalt  }
0x4b: {  	_ =	shalt  }
0x4c: {  	_ =	shalt  }
0x4d: {  	_ =	shalt  }
0x4e: {  	_ =	shalt  }
0x4f: {  	_ =	shalt  }
0x50: {  	_ =	shalt  }
0x51: {  	_ =	shalt  }
0x52: {  	_ =	shalt  }
0x53: {  	_ =	shalt  }
0x54: {  	_ =	shalt  }
0x55: {  	_ =	shalt  }
0x56: {  	_ =	shalt  }
0x57: {  	_ =	shalt  }
0x58: {  	_ =	shalt  }
0x59: {  	_ =	shalt  }
0x5a: {  	_ =	shalt  }
0x5b: {  	_ =	shalt  }
0x5c: {  	_ =	shalt  }
0x5d: {  	_ =	shalt  }
0x5e: {  	_ =	shalt  }
0x5f: {  	_ =	shalt  }
0x60: {  	_ =	shalt  }
0x61: {  	_ =	shalt  }
0x62: {  	_ =	shalt  }
0x63: {  	_ =	shalt  }
0x64: {  	_ =	shalt  }
0x65: {  	_ =	shalt  }
0x66: {  	_ =	shalt  }
0x67: {  	_ =	shalt  }
0x68: {  	_ =	shalt  }
0x69: {  	_ =	shalt  }
0x6a: {  	_ =	shalt  }
0x6b: {  	_ =	shalt  }
0x6c: {  	_ =	shalt  }
0x6d: {  	_ =	shalt  }
0x6e: {  	_ =	shalt  }
0x6f: {  	_ =	shalt  }
0x70: {  	_ =	shalt  }
0x71: {  	_ =	shalt  }
0x72: {  	_ =	shalt  }
0x73: {  	_ =	shalt  }
0x74: {  	_ =	shalt  }
0x75: {  	_ =	shalt  }
0x76: {  	_ =	shalt  }
0x77: {  	_ =	shalt  }
0x78: {  	_ =	shalt  }
0x79: {  	_ =	shalt  }
0x7a: {  	_ =	shalt  }
0x7b: {  	_ =	shalt  }
0x7c: {  	_ =	shalt  }
0x7d: {  	_ =	shalt  }
0x7e: {  	_ =	shalt  }
0x7f: {  	_ =	shalt  }
0x80: {  	_ =	shalt  }
0x81: {  	_ =	shalt  }
0x82: {  	_ =	shalt  }
0x83: {  	_ =	shalt  }
0x84: {  	_ =	shalt  }
0x85: {  	_ =	shalt  }
0x86: {  	_ =	shalt  }
0x87: {  	_ =	shalt  }
.Lfunc_end0:
.L_simem_size_0:
called_computation_lowered:
.L_overlay_start_0:
0x88: {  	s2 =	sld [smem:$0x3FD9]  }
0x89: {  	s3 =	sld [smem:$0x3FFE];
	_ =	sdelay $0x1  }
0x8a: {  	s1 =	srdreg.scid  }
0x8b: {  	s0 =	sand.u32 $0x1, s1  }
0x8c: {  	s14 =	sshll.u32 s0, $0xA;
	s2 =	sadd.s32 s3, s2  }
0x8d: {  	s2 =	sadd.s32 s2, s14  }
0x8e: {  	[smem:$0x3FBD] =	sst s2  }
0x8f: {  	_ = 	snop  }
0x90: {  	s2 =	sld [smem:$0x3FD0];
	_ =	sdelay $0x2  }
0x91: {  	s15 =	simm.s32 $0xA;
	s4 =	simm.s32 $0x10  }
0x92: {  	[smem:s4], [sflag:s15] =	dma.local [hbm:s2], $0x1  }
0x93: {  	_ =	swait.eq [sflag:s15], $0x1  }
0x94: {  	[sflag:s15] =	ssyncset.done $0x0  }
0x95: {  	[sflag:s15] =	ssyncadd.s32 $0xFFFFFFFF  }
0x96: {  	s16 =	sld [smem:$0x11];
	(tm) =	ssettm $0x1  }
0x97: {  	s17 =	sld [smem:$0x3FFB];
	_ =	sdelay $0x3  }
0x98: {  	_ =	strace s17  }
0x99: {  	s3 =	sld [smem:$0x3FFC];
	_ =	sdelay $0x3  }
0x9a: {  	_ =	strace s3  }
0x9b: {  	s3 =	sld [smem:$0x3FFD];
	_ =	sdelay $0x3  }
0x9c: {  	_ =	strace s3  }
0x9d: {  	_ =	strace $0x8FFFFFFF  }
0x9e: {  	s18 =	sld [smem:$0x3FDB];
	_ =	sdelay $0x1  }
0x9f: {  	s19 =	simm.s32 $_scs_section_size  }
0xa0: {  	s5 =	simm.s32 $_size__tile_overlayer_lowered;
	s6 =	simm.s32 $_tile_overlayer_lowered  }
0xa1: {  	s22 =	simm.s32 $0x1BFF;
	s21 =	sshll.u32 s6, $0x1;
	s3 =	sadd.s32 s19, s18  }
0xa2: {  	s7 =	simm.s32 $0x0;
	s20 =	sshll.u32 s5, $0x1;
	s5 =	sadd.s32 s21, s3  }
0xa3: {  	[timem:s7], [sflag:s22] =	dma.local [hbm:s5], s20  }
0xa4: {  	_ =	swait.ge [sflag:s22], s20  }
0xa5: {  	s4 =	ssub.s32 $0x0, s20;
	[sflag:s22] =	ssyncset.done $0x0  }
0xa6: {  	[sflag:s22] =	ssyncadd.s32 s4;
	_ =	sdelay $0x1  }
0xa7: {  	s23 =	simm.s32 $0x1B8B  }
0xa8: {  	_ =	swait.ge [sflag:s23], $0x1  }
0xa9: {  	[sflag:s23] =	ssyncset.done $0x0  }
0xaa: {  	s25 =	simm.s32 $0x1B8E;
	s24 =	sld [smem:$0x3FFE];
	[sflag:s23] =	ssyncadd.s32 $0xFFFFFFFF  }
0xab: {  	s26 =	simm.s32 $execute0_lowered;
	[smem:$0x3FD2] =	sst s25  }
0xac: {  	s5 =	sshll.u32 s26, $0x1;
	_ =	strace $0x80000046;
	[dreg:$0x1] =	wrdreg $0xFFFFFFFF  }
0xad: {  	s28 =	simm.s32 $_size_execute0_lowered;
	s3 =	sadd.s32 s3, s5;
	[dreg:$0x0] =	wrdreg $0x0  }
0xae: {  	s5 =	sshll.u32 s28, $0x1;
	[dreg:$0x2] =	wrdreg s3  }
0xaf: {  	[dreg:$0x3] =	wrdreg s5  }
0xb0: {  	[dreg:$0x4] =	wrdreg $0xC0  }
0xb1: {  	_ =	task [dreg:s7], $0x5FFFF  }
0xb2: {  	[dreg:$0x1] =	wrdreg $0xFFFFFFFF  }
0xb3: {  	[dreg:$0x0] =	wrdreg $0x60  }
0xb4: {  	[dreg:$0x2] =	wrdreg s16  }
0xb5: {  	[dreg:$0x3] =	wrdreg s24  }
0xb6: {  	[dreg:$0x4] =	wrdreg $0x90000  }
0xb7: {  	[dreg:$0x5] =	wrdreg $0x9  }
0xb8: {  	_ =	task.clear_ibuf [dreg:s7], $0x6FFFF;
	_ =	strace $0x90000046  }
0xb9: {  	s29 =	simm.s32 $0x9;
	_ =	strace $0x80000048  }
0xba: {  	_ =	swait.ge [sflag:s29], $0x1  }
0xbb: {  	[sflag:s29] =	ssyncadd.s32 $0xFFFFFFFF  }
0xbc: {  	_ =	strace $0x90000048  }
0xbd: {  	_ =	sfence  }
0xbe: {  	s30 =	sld [smem:$0x0];
	_ =	sdelay $0x2  }
0xbf: {  	s31 =	sshll.u32 s1, $0xD;
	s1 =	sshrl.u32 s1, $0x2  }
0xc0: {  	s3 =	sand.u32 $0x4000, s31;
	s1 =	sadd.s32 s1, s30  }
0xc1: {  	s0 =	sor.u32 s3, s0;
	s1 =	sshll.u32 s1, $0x11  }
0xc2: {  	s0 =	sor.u32 s1, s0  }
0xc3: {  	s0 =	sadd.s32 $0x8F2B, s0  }
0xc4: {  	[sflag:s0] =	ssyncadd.remote.s32 $0x1  }
0xc5: {  	_ =	sfence.sel $0xFFFF  }
0xc6: {  	[dreg:$0x0] =	wrdreg $0xFFFFFFFF;
	(pc) =	sbr.abs _section_cstart, $3  }
0xc7: {  	[dreg:$0x1] =	wrdreg $0xFFFFFFFF  }
0xc8: {  	_ =	task.clear_ibuf [dreg:s7], $0x2FFFF;
	_ =	strace $0x9FFFFFFF  }
0xc9: {  	(tm) =	ssettm $0x7FFFFFFF  }
tec
execute0_lowered:
.L_overlay_start_1:
0x0: {  	(tag) =	ssettag $0x1  }
0x1: {  	s4 =	rddreg [dreg:$0x0]  }
0x2: {  	s5 =	rddreg [dreg:$0x1]  }
0x3: {  	s2 =	rddreg [dreg:$0x2]  }
0x4: {  	s0 =	rddreg [dreg:$0x3]  }
0x5: {  	s3 =	simm.s32 $0x0;
	s6 =	srdreg.scid;
	s1 =	stileid.u32  }
0x6: {  	s23 =	simm.s32 $0x0;
	[smem:$0x7FF] =	sst s3;
	s6 =	sand.u32 $0x1, s6  }
0x7: {  	s7 =	smul.u32 $0x50000, s1;
	s10 =	sadd.s32 $0x2400, s5;
	s28 =	sshll.u32 s1, $0xB  }
0x8: {  	s11 =	smul.u32 $0x2800, s1;
	s20 =	sadd.s32 $0x12C000, s2;
	s16 =	sadd.s32 $0x12E800, s2  }
0x9: {  	s17 =	sadd.s32 $0x131000, s2;
	s18 =	sadd.s32 $0x133800, s2;
	p0 =	seq.s32 s1, $0xF  }
0xa: {  	s19 =	sadd.s32 $0x136000, s2;
	_ =	strace $0x80000047;
	s9 =	smul.u32 $0x27100, s6  }
0xb: {  	s8 =	ssub.s32 $0x2, s6;
	s6 =	smul.u32 $0x138800, s6;
	s4 =	sadd.s32 s4, s28  }
0xc: {  	s21 =	sshll.u32 @!p0 s1, $0x6;
	s26 =	sshrl.u32 s8, $0x1;
	s29 =	sshrl.u32 s7, $0x2  }
0xd: {  	s21 =	sor.u32 @!p0 $0x1C01, s21;
	s8 =	ssub.s32 s8, s26;
	s6 =	sshrl.u32 s6, $0x3  }
0xe: {  	s5 =	sadd.s32 s29, s2;
	s30 =	sadd.s32 s11, s9;
	s31 =	sadd.s32 s10, s6  }
0xf: {  	s6 =	sadd.s32 s10, s30;
	s8 =	smax.u32 s8, $0x1;
	s9 =	sadd.s32 $0x2800, s5  }
0x10: {  	s10 =	sadd.s32 $0x5000, s5;
	s11 =	sadd.s32 $0x7800, s5;
	s12 =	sadd.s32 $0xA000, s5  }
0x11: {  	s13 =	sadd.s32 $0xC800, s5;
	s14 =	sadd.s32 $0xF000, s5;
	s15 =	sadd.s32 $0x11800, s5  }
0x12: {  	s22 =	sshrl.u32 @!p0 s5, $0x3;
	s7 =	sadd.s32 $0x25800, s31;
	s11 =	smov.u32 @p0 s20  }
0x13: {  	s12 =	smov.u32 @p0 s16;
	s16 =	simm.s32 $0x1;
	s13 =	smov.u32 @p0 s17  }
0x14: {  	s14 =	smov.u32 @p0 s18;
	s15 =	smov.u32 @p0 s19;
	s17 =	simm.s32 $0x6800  }
0x15: {  	v0 =	vimm.f32 $1.000000000e+00;
	v1 =	vimm.f32 $0.0e+00;
	s18 =	simm.s32 $0x50;
	s19 =	simm.s32 $0x4000;
	s20 =	sshrl.u32 @p0 s20, $0x3  }
.LBB2_1:
0x16: {  	[tilespmem:s3], [sflag:$0x1] =	stream.linear.gather [hbm4b:s4+s3], $0x3E80, $0x38;
	[tilespmem:$0xB710] =	vst v63  }
0x17: {  	_ =	swait.ge [sflag:s16], $0x3E80  }
0x18: {  	[sflag:s16] =	ssyncset.done $0x0  }
0x19: {  	s24 =	simm.s32 $0x200;
	s25 =	simm.s32 $0x0;
	[sflag:s16] =	ssyncadd.s32 $0xFFFFC180  }
.LBB2_2:
0x1a: {  	p1 =	sne.s32 s24, $0x9E00;
	[tilespmem:s25+$0x4000] =	vst v0;
	s26 =	smov.u32 s24;
	s24 =	sadd.s32 $0x200, s24  }
.Ltmp0:
0x1b: {  	[tilespmem:s25+$0x6800] =	vst v1;
	(pc) =	sbr.rel @p1 .LBB2_2-.Ltmp0, $2  }
0x1c: {  	_ =	sdelay $0x2  }
0x1d: {  	s25 =	sshra.s32 s26, $0x2  }
0x1e: {  	[tilespmem:s25+$0x4000] =	vst v0  }
0x1f: {  	[tilespmem:s25+$0x6800] =	vst v1;
	s24 =	simm.s32 @!p0 $0x6800;
	s25 =	simm.s32 @!p0 $0x1  }
0x20: {  	[spmem:s5] =	stream.linear.scatter @!p0 [tilespmem:s24], [sflag:$0x1], $0x2800, $0x38;
	[tilespmem:$0xB710] =	vst v63  }
0x21: {  	_ =	swait.ge @!p0 [sflag:s25], $0x2800  }
0x22: {  	[sflag:s25] =	ssyncset.done @!p0 $0x0  }
0x23: {  	[sflag:s25] =	ssyncadd.s32 @!p0 $0xFFFFD800  }
0x24: {  	[spmem:s9] =	stream.linear.scatter @!p0 [tilespmem:s24], [sflag:$0x1], $0x2800, $0x38;
	[tilespmem:$0xB710] =	vst v63  }
0x25: {  	_ =	swait.ge @!p0 [sflag:s25], $0x2800  }
0x26: {  	[sflag:s25] =	ssyncset.done @!p0 $0x0  }
0x27: {  	[sflag:s25] =	ssyncadd.s32 @!p0 $0xFFFFD800  }
0x28: {  	[spmem:s10] =	stream.linear.scatter @!p0 [tilespmem:s24], [sflag:$0x1], $0x2800, $0x38;
	[tilespmem:$0xB710] =	vst v63  }
0x29: {  	_ =	swait.ge @!p0 [sflag:s25], $0x2800  }
0x2a: {  	[sflag:s25] =	ssyncset.done @!p0 $0x0  }
0x2b: {  	[sflag:s25] =	ssyncadd.s32 @!p0 $0xFFFFD800  }
0x2c: {  	[spmem:s11] =	stream.linear.scatter [tilespmem:s17], [sflag:$0x1], $0x2800, $0x38;
	[tilespmem:$0xB710] =	vst v63  }
0x2d: {  	_ =	swait.ge [sflag:s16], $0x2800  }
0x2e: {  	[sflag:s16] =	ssyncset.done $0x0  }
0x2f: {  	[sflag:s16] =	ssyncadd.s32 $0xFFFFD800  }
0x30: {  	[spmem:s12] =	stream.linear.scatter [tilespmem:s17], [sflag:$0x1], $0x2800, $0x38;
	[tilespmem:$0xB710] =	vst v63  }
0x31: {  	_ =	swait.ge [sflag:s16], $0x2800  }
0x32: {  	[sflag:s16] =	ssyncset.done $0x0  }
0x33: {  	[sflag:s16] =	ssyncadd.s32 $0xFFFFD800  }
0x34: {  	[spmem:s13] =	stream.linear.scatter [tilespmem:s17], [sflag:$0x1], $0x2800, $0x38;
	[tilespmem:$0xB710] =	vst v63  }
0x35: {  	_ =	swait.ge [sflag:s16], $0x2800  }
0x36: {  	[sflag:s16] =	ssyncset.done $0x0  }
0x37: {  	[sflag:s16] =	ssyncadd.s32 $0xFFFFD800  }
0x38: {  	[spmem:s14] =	stream.linear.scatter [tilespmem:s17], [sflag:$0x1], $0x2800, $0x38;
	[tilespmem:$0xB710] =	vst v63  }
0x39: {  	_ =	swait.ge [sflag:s16], $0x2800  }
0x3a: {  	[sflag:s16] =	ssyncset.done $0x0  }
0x3b: {  	[sflag:s16] =	ssyncadd.s32 $0xFFFFD800  }
0x3c: {  	[spmem:s15] =	stream.linear.scatter [tilespmem:s17], [sflag:$0x1], $0x2800, $0x38;
	[tilespmem:$0xB710] =	vst v63  }
0x3d: {  	_ =	swait.ge [sflag:s16], $0x2800  }
0x3e: {  	[sflag:s16] =	ssyncset.done $0x0  }
0x3f: {  	[sflag:s16] =	ssyncadd.s32 $0xFFFFD800  }
0x40: {  	s31 =	simm.s32 $0x0;
	[bflag:$0x0] =	sbarrier.arrive $0xFFFF  }
0x41: {  	[spmem:s2] =	stream.indirect.scatter.add.f32 [tilespmem:s19], [sflag:$0x1], $0x10, s31, s18, $0xb8;
	[tilespmem:$0xB710] =	vst v63  }
0x42: {  	_ =	swait.ge [sflag:s16], $0x500  }
0x43: {  	s24 =	simm.s32 $0x200;
	[sflag:s16] =	ssyncset.done $0x0  }
.LBB2_4:
0x44: {  	s25 =	sshra.s32 s24, $0x2;
	[sflag:s16] =	ssyncadd.s32 $0xFFFFFB00;
	p1 =	sne.s32 s24, $0xF800  }
0x45: {  	[spmem:s2] =	stream.indirect.scatter.add.f32 [tilespmem:s19], [sflag:$0x1], $0x10, s25, s18, $0xb8;
	[tilespmem:$0xB710] =	vst v63  }
.Ltmp1:
0x46: {  	_ = 	snop;
	(pc) =	sbr.rel @p1 .LBB2_4-.Ltmp1, $4  }
0x47: {  	_ = 	snop  }
0x48: {  	s24 =	sadd.s32 $0x200, s24  }
0x49: {  	_ =	swait.ge [sflag:s16], $0x500  }
0x4a: {  	[sflag:s16] =	ssyncset.done $0x0  }
0x4b: {  	[sflag:s16] =	ssyncadd.s32 $0xFFFFFB00  }
0x4c: {  	s24 =	simm.s32 @p0 $0x1FC1;
	[bflag:$0x0] =	sbarrier.arrive $0xFFFF  }
0x4d: {  	[hbm:s7], [sflag:s24] =	dma.local @p0 [spmem:s20], $0x1900  }
0x4e: {  	s24 =	simm.s32 @p0 $0x1  }
0x4f: {  	s23 =	sadd.s32 $0x1, s23;
	_ =	swait.ge @p0 [sflag:s24], $0x1900  }
0x50: {  	p1 =	sne.s32 s23, s8;
	[sflag:s24] =	ssyncset.done @p0 $0x0  }
.Ltmp2:
0x51: {  	[sflag:s24] =	ssyncadd.s32 @p0 $0xFFFFE700;
	s24 =	simm.s32 @!p0 $0x1;
	(pc) =	sbr.rel @p1 .LBB2_1-.Ltmp2, $4  }
0x52: {  	[hbm:s6], [sflag:s21] =	dma.local @!p0 [spmem:s22], $0x2800  }
0x53: {  	_ =	swait.ge @!p0 [sflag:s24], $0x2800  }
0x54: {  	[sflag:s24] =	ssyncset.done @!p0 $0x0  }
0x55: {  	[sflag:s24] =	ssyncadd.s32 @!p0 $0xFFFFD800  }
0x56: {  	_ =	sfence.sel $0x180000  }
0x57: {  	[bflag:$0x0] =	sbarrier.arrive $0xFFFF  }
0x58: {  	p0 =	sne.s32 s1, $0x0;
	_ =	strace $0x90000047  }
0x59: {  	s0 =	sadd.s32 @!p0 $0x100000, s0;
	[bflag:$0x2] =	sbarrier.arrive $0xFFFF  }
0x5a: {  	[sflag:s0] =	ssyncadd.tile.s32 @!p0 $0x1;
	_ =	shalt  }
.Lfunc_end2:
_tile_overlayer_lowered:
.L_overlay_start_2:
0x5b: {  	(tag) =	ssettag $0x2  }
0x5c: {  	s0 =	rddreg [dreg:$0x0];
	s2 =	stileid.u32  }
0x5d: {  	s1 =	rddreg [dreg:$0x1];
	p0 =	sne.s32 s2, $0x0  }
0x5e: {  	s3 =	rddreg [dreg:$0x2];
	[bflag:$0x3] =	sbarrier.arrive $0xFFFF;
	s2 =	simm.s32 @!p0 $0x1C01  }
0x5f: {  	[timem:s3], [sflag:s2] =	dma.local @!p0 [hbm:s0], s1  }
0x60: {  	s0 =	simm.s32 @!p0 $0x1  }
0x61: {  	_ =	swait.ge @!p0 [sflag:s0], s1  }
0x62: {  	s1 =	ssub.s32 @!p0 $0x0, s1;
	[sflag:s0] =	ssyncset.done @!p0 $0x0  }
0x63: {  	[sflag:s0] =	ssyncadd.s32 @!p0 s1  }
0x64: {  	[bflag:$0x3] =	sbarrier.arrive $0xFFFF  }
0x65: {  	_ =	shalt  }

// kernel: kernel.13.cloned.1.call-start
scs
__scs_entry_jumppad:
0x0: {  	(pc) =	sbr.rel $0x88, $3  }
0x1: {  	(tag) =	ssettag $0x0;
	lr =	simm.s32 $0x1  }
0x2: {  	[smem:$0x3F96] =	sst lr;
	_ =	strace $0xD0000000  }
0x3: {  	_ = 	snop  }
0x4: {  	_ = 	snop  }
0x5: {  	_ = 	snop  }
0x6: {  	_ = 	snop  }
0x7: {  	_ = 	snop  }
__scs_overlays_trampoline_lowered:
0x8: {  	[smem:$0x3FA5] =	sst s0  }
0x9: {  	[smem:$0x3FA6] =	sst s1  }
0xa: {  	[smem:$0x3FA7] =	sst s2  }
0xb: {  	[smem:$0x3FA8] =	sst s3  }
0xc: {  	[smem:$0x3FA9] =	sst s4  }
0xd: {  	[smem:$0x3FAA] =	sst s5  }
0xe: {  	[smem:$0x3FAB] =	sst s6  }
0xf: {  	[smem:$0x3FAC] =	sst s7  }
0x10: {  	[smem:$0x3FAD] =	sst s8  }
0x11: {  	[smem:$0x3FAE] =	sst s9;
	s0 =	simm.s32 @!p0 $0x0  }
0x12: {  	s1 =	sld [smem:$0x3F94];
	s0 =	simm.s32 @p0 $0x1  }
0x13: {  	[smem:$0x3FAF] =	sst s0;
	s0 =	simm.s32 @!p1 $0x0  }
0x14: {  	s2 =	sld [smem:$0x3F93];
	s0 =	simm.s32 @p1 $0x1  }
0x15: {  	[smem:$0x3FB0] =	sst s0;
	s0 =	simm.s32 @!p2 $0x0  }
0x16: {  	s3 =	sld [smem:$0x3FDB];
	s0 =	simm.s32 @p2 $0x1  }
0x17: {  	s4 =	simm.s32 $0x1BF5;
	[smem:$0x3FB2] =	sst s0  }
0x18: {  	s0 =	sld [smem:$0x3F95];
	_ =	swait.ge [sflag:s4], $0x0  }
0x19: {  	s7 =	sld [smem:$0x3F96]  }
0x1a: {  	s8 =	sadd.s32 $0xFFFFE003, lr  }
0x1b: {  	s9 =	sadd.s32 $0xFFFFFEF7, lr;
	s5 =	simm.s32 $0xFFFFFFFF;
	p2 =	slt.u32 s8, $0xFFFFF086  }
0x1c: {  	p1 =	slt.u32 s9, $0xF7A;
	s5 =	simm.s32 @!p2 $0x0  }
0x1d: {  	s5 =	simm.s32 @p1 $0x1;
	p0 =	seq.s32 s7, s2  }
0x1e: {  	s7 =	smul.u32 @!p0 $0xF7A, s2;
	p2 =	seq.s32 @!p0 s5, $0x0  }
0x1f: {  	s9 =	smul.u32 $0xF7A, s1;
	s8 =	simm.s32 @!p0 $0x1BF5;
	p2 =	por !p2, p0  }
0x20: {  	[sflag:s8] =	ssyncset.s32 @!p0 $0xFFFFF086;
	s6 =	sadd.s32 @!p0 s3, s7;
	s7 =	simm.s32 @!p0 $0x108  }
0x21: {  	s3 =	sadd.s32 s3, s9;
	s6 =	sadd.s32 @!p0 $0x88, s6;
	s7 =	simm.s32 @p2 $0x1082  }
0x22: {  	[simem:s7], [sflag:s8] =	dma.local @!p0 [hbm:s6], $0xF7A  }
0x23: {  	s9 =	sor.u32 $0xD0000000, s2;
	s6 =	simm.s32 $0x108;
	_ =	swait.ge @!p0 [sflag:s8], $0x0  }
0x24: {  	s3 =	sadd.s32 $0x88, s3;
	s6 =	simm.s32 @!p1 $0x1082;
	[sflag:s4] =	ssyncset.s32 $0xFFFFF086  }
0x25: {  	[simem:s6], [sflag:s4] =	dma.local [hbm:s3], $0xF7A  }
0x26: {  	[smem:$0x3F96] =	sst s1;
	(tag) =	ssettag s2;
	_ =	strace s9  }
0x27: {  	s1 =	sld [smem:$0x3FA6]  }
0x28: {  	s2 =	sld [smem:$0x3FA7]  }
0x29: {  	s4 =	sld [smem:$0x3FA9]  }
0x2a: {  	p0 =	seq.s32 s5, $0x0;
	s5 =	sld [smem:$0x3FAA]  }
0x2b: {  	s6 =	sld [smem:$0x3FAB]  }
0x2c: {  	s7 =	sld [smem:$0x3FAC]  }
0x2d: {  	s3 =	simm.s32 $0x108;
	s8 =	sld [smem:$0x3FAD]  }
0x2e: {  	s3 =	simm.s32 @!p0 $0x1082;
	s9 =	sld [smem:$0x3FAE]  }
0x2f: {  	lr =	sadd.s32 s0, s3;
	s0 =	sld [smem:$0x3FA5]  }
0x30: {  	s3 =	sld [smem:$0x3FA8]  }
0x31: {  	[smem:$0x3FB1] =	sst s10  }
0x32: {  	s10 =	sld [smem:$0x3FAF];
	_ =	sdelay $0x3  }
0x33: {  	p0 =	seq.s32 s10, $0x1;
	s10 =	sld [smem:$0x3FB1];
	_ =	sdelay $0x3  }
0x34: {  	[smem:$0x3FB1] =	sst s10  }
0x35: {  	s10 =	sld [smem:$0x3FB0];
	_ =	sdelay $0x3  }
0x36: {  	p1 =	seq.s32 s10, $0x1;
	s10 =	sld [smem:$0x3FB1];
	_ =	sdelay $0x3  }
0x37: {  	[smem:$0x3FB1] =	sst s10  }
0x38: {  	s10 =	sld [smem:$0x3FB2]  }
0x39: {  	_ = 	snop;
	(pc) =	sbr.ind lr, $3  }
0x3a: {  	_ = 	snop  }
0x3b: {  	_ = 	snop  }
0x3c: {  	p2 =	seq.s32 s10, $0x1;
	s10 =	sld [smem:$0x3FB1]  }
0x3d: {  	_ =	shalt  }
0x3e: {  	_ =	shalt  }
0x3f: {  	_ =	shalt  }
0x40: {  	_ =	shalt  }
0x41: {  	_ =	shalt  }
0x42: {  	_ =	shalt  }
0x43: {  	_ =	shalt  }
0x44: {  	_ =	shalt  }
0x45: {  	_ =	shalt  }
0x46: {  	_ =	shalt  }
0x47: {  	_ =	shalt  }
0x48: {  	_ =	shalt  }
0x49: {  	_ =	shalt  }
0x4a: {  	_ =	shalt  }
0x4b: {  	_ =	shalt  }
0x4c: {  	_ =	shalt  }
0x4d: {  	_ =	shalt  }
0x4e: {  	_ =	shalt  }
0x4f: {  	_ =	shalt  }
0x50: {  	_ =	shalt  }
0x51: {  	_ =	shalt  }
0x52: {  	_ =	shalt  }
0x53: {  	_ =	shalt  }
0x54: {  	_ =	shalt  }
0x55: {  	_ =	shalt  }
0x56: {  	_ =	shalt  }
0x57: {  	_ =	shalt  }
0x58: {  	_ =	shalt  }
0x59: {  	_ =	shalt  }
0x5a: {  	_ =	shalt  }
0x5b: {  	_ =	shalt  }
0x5c: {  	_ =	shalt  }
0x5d: {  	_ =	shalt  }
0x5e: {  	_ =	shalt  }
0x5f: {  	_ =	shalt  }
0x60: {  	_ =	shalt  }
0x61: {  	_ =	shalt  }
0x62: {  	_ =	shalt  }
0x63: {  	_ =	shalt  }
0x64: {  	_ =	shalt  }
0x65: {  	_ =	shalt  }
0x66: {  	_ =	shalt  }
0x67: {  	_ =	shalt  }
0x68: {  	_ =	shalt  }
0x69: {  	_ =	shalt  }
0x6a: {  	_ =	shalt  }
0x6b: {  	_ =	shalt  }
0x6c: {  	_ =	shalt  }
0x6d: {  	_ =	shalt  }
0x6e: {  	_ =	shalt  }
0x6f: {  	_ =	shalt  }
0x70: {  	_ =	shalt  }
0x71: {  	_ =	shalt  }
0x72: {  	_ =	shalt  }
0x73: {  	_ =	shalt  }
0x74: {  	_ =	shalt  }
0x75: {  	_ =	shalt  }
0x76: {  	_ =	shalt  }
0x77: {  	_ =	shalt  }
0x78: {  	_ =	shalt  }
0x79: {  	_ =	shalt  }
0x7a: {  	_ =	shalt  }
0x7b: {  	_ =	shalt  }
0x7c: {  	_ =	shalt  }
0x7d: {  	_ =	shalt  }
0x7e: {  	_ =	shalt  }
0x7f: {  	_ =	shalt  }
0x80: {  	_ =	shalt  }
0x81: {  	_ =	shalt  }
0x82: {  	_ =	shalt  }
0x83: {  	_ =	shalt  }
0x84: {  	_ =	shalt  }
0x85: {  	_ =	shalt  }
0x86: {  	_ =	shalt  }
0x87: {  	_ =	shalt  }
.Lfunc_end0:
.L_simem_size_0:
called_computation.1_lowered:
.L_overlay_start_0:
0x88: {  	s2 =	sld [smem:$0x3FD9]  }
0x89: {  	s3 =	sld [smem:$0x3FFE];
	_ =	sdelay $0x1  }
0x8a: {  	s1 =	srdreg.scid  }
0x8b: {  	s0 =	sand.u32 $0x1, s1  }
0x8c: {  	s14 =	sshll.u32 s0, $0xA;
	s2 =	sadd.s32 s3, s2  }
0x8d: {  	s2 =	sadd.s32 s2, s14  }
0x8e: {  	[smem:$0x3FBD] =	sst s2  }
0x8f: {  	_ = 	snop  }
0x90: {  	s2 =	sld [smem:$0x3FD0];
	_ =	sdelay $0x2  }
0x91: {  	s15 =	simm.s32 $0xA;
	s4 =	simm.s32 $0x10  }
0x92: {  	[smem:s4], [sflag:s15] =	dma.local [hbm:s2], $0x1  }
0x93: {  	_ =	swait.eq [sflag:s15], $0x1  }
0x94: {  	[sflag:s15] =	ssyncset.done $0x0  }
0x95: {  	[sflag:s15] =	ssyncadd.s32 $0xFFFFFFFF  }
0x96: {  	s16 =	sld [smem:$0x11];
	(tm) =	ssettm $0x1  }
0x97: {  	s17 =	sld [smem:$0x3FFB];
	_ =	sdelay $0x3  }
0x98: {  	_ =	strace s17  }
0x99: {  	s3 =	sld [smem:$0x3FFC];
	_ =	sdelay $0x3  }
0x9a: {  	_ =	strace s3  }
0x9b: {  	s3 =	sld [smem:$0x3FFD];
	_ =	sdelay $0x3  }
0x9c: {  	_ =	strace s3  }
0x9d: {  	_ =	strace $0x8FFFFFFF  }
0x9e: {  	s18 =	sld [smem:$0x3FDB];
	_ =	sdelay $0x1  }
0x9f: {  	s19 =	simm.s32 $_scs_section_size  }
0xa0: {  	s5 =	simm.s32 $_size__tile_overlayer_lowered;
	s6 =	simm.s32 $_tile_overlayer_lowered  }
0xa1: {  	s22 =	simm.s32 $0x1BFF;
	s21 =	sshll.u32 s6, $0x1;
	s3 =	sadd.s32 s19, s18  }
0xa2: {  	s7 =	simm.s32 $0x0;
	s20 =	sshll.u32 s5, $0x1;
	s5 =	sadd.s32 s21, s3  }
0xa3: {  	[timem:s7], [sflag:s22] =	dma.local [hbm:s5], s20  }
0xa4: {  	_ =	swait.ge [sflag:s22], s20  }
0xa5: {  	s4 =	ssub.s32 $0x0, s20;
	[sflag:s22] =	ssyncset.done $0x0  }
0xa6: {  	[sflag:s22] =	ssyncadd.s32 s4;
	_ =	sdelay $0x1  }
0xa7: {  	s23 =	simm.s32 $0x1B8B  }
0xa8: {  	_ =	swait.ge [sflag:s23], $0x1  }
0xa9: {  	[sflag:s23] =	ssyncset.done $0x0  }
0xaa: {  	s25 =	simm.s32 $0x1B8E;
	s24 =	sld [smem:$0x3FFE];
	[sflag:s23] =	ssyncadd.s32 $0xFFFFFFFF  }
0xab: {  	s26 =	simm.s32 $execute0_lowered;
	[smem:$0x3FD2] =	sst s25  }
0xac: {  	s5 =	sshll.u32 s26, $0x1;
	_ =	strace $0x80000049;
	[dreg:$0x1] =	wrdreg $0xFFFFFFFF  }
0xad: {  	s28 =	simm.s32 $_size_execute0_lowered;
	s3 =	sadd.s32 s3, s5;
	[dreg:$0x0] =	wrdreg $0x0  }
0xae: {  	s5 =	sshll.u32 s28, $0x1;
	[dreg:$0x2] =	wrdreg s3  }
0xaf: {  	[dreg:$0x3] =	wrdreg s5  }
0xb0: {  	[dreg:$0x4] =	wrdreg $0xC0  }
0xb1: {  	_ =	task [dreg:s7], $0x5FFFF  }
0xb2: {  	[dreg:$0x1] =	wrdreg $0xFFFFFFFF  }
0xb3: {  	[dreg:$0x0] =	wrdreg $0x60  }
0xb4: {  	[dreg:$0x2] =	wrdreg s24  }
0xb5: {  	[dreg:$0x3] =	wrdreg s16  }
0xb6: {  	[dreg:$0x4] =	wrdreg $0xB7800  }
0xb7: {  	[dreg:$0x5] =	wrdreg $0x9  }
0xb8: {  	_ =	task.clear_ibuf [dreg:s7], $0x6FFFF;
	_ =	strace $0x90000049  }
0xb9: {  	s29 =	simm.s32 $0x9;
	_ =	strace $0x8000004B  }
0xba: {  	_ =	swait.ge [sflag:s29], $0x1  }
0xbb: {  	[sflag:s29] =	ssyncadd.s32 $0xFFFFFFFF  }
0xbc: {  	_ =	strace $0x9000004B  }
0xbd: {  	_ =	sfence  }
0xbe: {  	s30 =	sld [smem:$0x0];
	_ =	sdelay $0x2  }
0xbf: {  	s31 =	sshll.u32 s1, $0xD;
	s1 =	sshrl.u32 s1, $0x2  }
0xc0: {  	s3 =	sand.u32 $0x4000, s31;
	s1 =	sadd.s32 s1, s30  }
0xc1: {  	s0 =	sor.u32 s3, s0;
	s1 =	sshll.u32 s1, $0x11  }
0xc2: {  	s0 =	sor.u32 s1, s0  }
0xc3: {  	s0 =	sadd.s32 $0x8F2B, s0  }
0xc4: {  	[sflag:s0] =	ssyncadd.remote.s32 $0x1  }
0xc5: {  	_ =	sfence.sel $0xFFFF  }
0xc6: {  	[dreg:$0x0] =	wrdreg $0xFFFFFFFF;
	(pc) =	sbr.abs _section_cstart, $3  }
0xc7: {  	[dreg:$0x1] =	wrdreg $0xFFFFFFFF  }
0xc8: {  	_ =	task.clear_ibuf [dreg:s7], $0x2FFFF;
	_ =	strace $0x9FFFFFFF  }
0xc9: {  	(tm) =	ssettm $0x7FFFFFFF  }
tec
execute0_lowered:
.L_overlay_start_1:
0x0: {  	(tag) =	ssettag $0x1  }
0x1: {  	s5 =	rddreg [dreg:$0x0]  }
0x2: {  	s6 =	rddreg [dreg:$0x1]  }
0x3: {  	s0 =	stileid.u32;
	s2 =	rddreg [dreg:$0x2]  }
0x4: {  	s8 =	srdreg.scid;
	s20 =	simm.s32 $0x400;
	s19 =	stileid.u32  }
0x5: {  	s28 =	simm.s32 $0x0;
	s3 =	sshrl.u32 s0, $0x3;
	s7 =	sshll.u32 s0, $0x7  }
0x6: {  	s23 =	sand.u32 $0x1, s8;
	s9 =	smul.u32 $0x280, s0;
	s10 =	sadd.s32 $0x55600, s5  }
0x7: {  	s11 =	smul.u32 $0x50000, s0;
	s13 =	sshll.u32 s0, $0xB;
	s21 =	sadd.s32 $0x12E800, s2  }
0x8: {  	s22 =	sadd.s32 $0x131000, s2;
	p0 =	seq.s32 s0, $0xF;
	s4 =	smul.u32 $0x13C00, s3  }
0x9: {  	s3 =	simm.s32 $0x0;
	s7 =	sand.u32 $0x380, s7;
	s25 =	smul.u32 $0x2710, s23  }
0xa: {  	s26 =	ssub.s32 $0x2, s23;
	s6 =	sadd.s32 s6, s13;
	[smem:$0x7FF] =	sst s3  }
0xb: {  	s12 =	sshrl.u32 s26, $0x1;
	s29 =	sshrl.u32 s11, $0x2;
	s4 =	sor.u32 s7, s4  }
0xc: {  	_ =	strace $0x8000004A;
	s7 =	smul.u32 $0x138800, s23;
	s12 =	ssub.s32 s26, s12  }
0xd: {  	s9 =	sadd.s32 s9, s25;
	s23 =	sadd.s32 $0x133800, s2;
	v0 =	vmov s25;
	s25 =	simm.s32 $0x6780  }
0xe: {  	s26 =	simm.s32 $0x1;
	s24 =	sshrl.u32 s4, $0x3;
	s4 =	sadd.s32 $0x2400, s5  }
0xf: {  	s31 =	sshll.u32 s9, $0x4;
	s9 =	sadd.s32 $0x12C000, s2;
	s8 =	sadd.s32 s24, s5  }
0x10: {  	s30 =	sshrl.u32 s7, $0x3;
	s7 =	sadd.s32 s29, s2;
	s24 =	sadd.s32 $0x136000, s2  }
0x11: {  	s5 =	sadd.s32 $0x50600, s8;
	s11 =	sadd.s32 s10, s30;
	s8 =	sadd.s32 s10, s31  }
0x12: {  	s13 =	sadd.s32 $0x5000, s7;
	s14 =	sadd.s32 $0x7800, s7;
	s15 =	sadd.s32 $0xA000, s7  }
0x13: {  	s16 =	sadd.s32 $0xC800, s7;
	s17 =	sadd.s32 $0xF000, s7;
	s18 =	sadd.s32 $0x11800, s7  }
0x14: {  	s10 =	sadd.s32 $0x25800, s11;
	s11 =	smax.u32 s12, $0x1;
	s12 =	sadd.s32 $0x2800, s7  }
0x15: {  	s15 =	smov.u32 @p0 s21;
	s21 =	simm.s32 $0x2;
	s16 =	smov.u32 @p0 s22  }
0x16: {  	s22 =	simm.s32 $0x2780;
	s14 =	smov.u32 @p0 s9;
	s17 =	smov.u32 @p0 s23  }
0x17: {  	v1 =	vimm.f32 $0.0e+00;
	s18 =	smov.u32 @p0 s24;
	s23 =	simm.s32 $0x8F80;
	s24 =	simm.s32 $0x50  }
.LBB2_1:
0x18: {  	s0 =	simm.s32 $0x80  }
0x19: {  	[tilespmem:s3], [sflag:$0x2] =	stream.strided.gather [hbm4b:s5+s0], $0x2780, s20, s0, $0x38;
	[tilespmem:$0x1F000] =	vst v63  }
0x1a: {  	_ =	swait.ge [sflag:s21], $0x2780  }
0x1b: {  	[sflag:s21] =	ssyncset.done $0x0  }
0x1c: {  	[sflag:s21] =	ssyncadd.s32 $0xFFFFD880  }
0x1d: {  	[tilespmem:s22], [sflag:$0x2] =	stream.linear.gather [hbm4b:s6+s3], $0x3E80, $0x38;
	[tilespmem:$0x1F000] =	vst v63  }
0x1e: {  	_ =	swait.ge [sflag:s21], $0x3E80  }
0x1f: {  	[sflag:s21] =	ssyncset.done $0x0  }
0x20: {  	s30 =	simm.s32 $0x0;
	s29 =	simm.s32 $0x40;
	[sflag:s21] =	ssyncadd.s32 $0xFFFFC180  }
.LBB2_2:
0x21: {  	p1 =	sne.s32 s29, $0x9C00;
	v2 =	vld [tilespmem:s30+$0x0];
	_ =	sdelay $0x1  }
.Ltmp0:
0x22: {  	(pc) =	sbr.rel @p1 .LBB2_2-.Ltmp0, $3  }
0x23: {  	_ =	sdelay $0x1  }
0x24: {  	v2 =	vadd.s32 v0, v2  }
0x25: {  	[tilespmem:s30+$0x0] =	vst v2;
	s30 =	sshra.s32 s29, $0x2;
	s29 =	sadd.s32 $0x40, s29  }
0x26: {  	v2 =	vld [tilespmem:s30+$0x0]  }
0x27: {  	s31 =	simm.s32 $0x0  }
0x28: {  	s29 =	sand.u32 $0xFFFFFF80, s31  }
0x29: {  	s1 =	ssub.s32 $0x0, s29  }
0x2a: {  	s31 =	sand.u32 $0x3FFFFF80, s31;
	s29 =	simm.s32 $0x0;
	s1 =	sand.u32 $0xFFFFFF80, s1  }
0x2b: {  	s0 =	sand.u32 $0x70, s29;
	s1 =	sadd.s32 s1, s31;
	v2 =	vadd.s32 v0, v2  }
0x2c: {  	s31 =	sor.u32 s0, s1;
	[tilespmem:s30+$0x0] =	vst v2;
	s30 =	simm.s32 $0x1  }
.LBB2_4:
0x2d: {  	s0 =	sshll.u32 s30, $0x4;
	p1 =	sne.s32 s30, $0x27F;
	s30 =	sadd.s32 $0x1, s30;
	[tilespmem:s31+$0x8F80] =	vst v1  }
.Ltmp1:
0x2e: {  	s29 =	sadd.s32 $0x10, s29;
	s1 =	sand.u32 $0xFFFFFF80, s0;
	(pc) =	sbr.rel @p1 .LBB2_4-.Ltmp1, $4  }
0x2f: {  	s1 =	ssub.s32 s29, s1  }
0x30: {  	s0 =	sand.u32 $0x3FFFFF80, s0;
	s1 =	sand.u32 $0xFFFFFF80, s1  }
0x31: {  	s31 =	sand.u32 $0x70, s29;
	s0 =	sadd.s32 s1, s0  }
0x32: {  	s31 =	sor.u32 s31, s0  }
0x33: {  	[tilespmem:s31+$0x8F80] =	vst v1;
	s0 =	simm.s32 @!p0 $0x8F80;
	s1 =	simm.s32 @!p0 $0x2  }
0x34: {  	[spmem:s7] =	stream.linear.scatter @!p0 [tilespmem:s0], [sflag:$0x2], $0x2800, $0x38;
	[tilespmem:$0x1F000] =	vst v63  }
0x35: {  	_ =	swait.ge @!p0 [sflag:s1], $0x2800  }
0x36: {  	[sflag:s1] =	ssyncset.done @!p0 $0x0  }
0x37: {  	[sflag:s1] =	ssyncadd.s32 @!p0 $0xFFFFD800  }
0x38: {  	[spmem:s12] =	stream.linear.scatter @!p0 [tilespmem:s0], [sflag:$0x2], $0x2800, $0x38;
	[tilespmem:$0x1F000] =	vst v63  }
0x39: {  	_ =	swait.ge @!p0 [sflag:s1], $0x2800  }
0x3a: {  	[sflag:s1] =	ssyncset.done @!p0 $0x0  }
0x3b: {  	[sflag:s1] =	ssyncadd.s32 @!p0 $0xFFFFD800  }
0x3c: {  	[spmem:s13] =	stream.linear.scatter @!p0 [tilespmem:s0], [sflag:$0x2], $0x2800, $0x38;
	[tilespmem:$0x1F000] =	vst v63  }
0x3d: {  	_ =	swait.ge @!p0 [sflag:s1], $0x2800  }
0x3e: {  	[sflag:s1] =	ssyncset.done @!p0 $0x0  }
0x3f: {  	[sflag:s1] =	ssyncadd.s32 @!p0 $0xFFFFD800  }
0x40: {  	[spmem:s14] =	stream.linear.scatter [tilespmem:s23], [sflag:$0x2], $0x2800, $0x38;
	[tilespmem:$0x1F000] =	vst v63  }
0x41: {  	_ =	swait.ge [sflag:s21], $0x2800  }
0x42: {  	[sflag:s21] =	ssyncset.done $0x0  }
0x43: {  	[sflag:s21] =	ssyncadd.s32 $0xFFFFD800  }
0x44: {  	[spmem:s15] =	stream.linear.scatter [tilespmem:s23], [sflag:$0x2], $0x2800, $0x38;
	[tilespmem:$0x1F000] =	vst v63  }
0x45: {  	_ =	swait.ge [sflag:s21], $0x2800  }
0x46: {  	[sflag:s21] =	ssyncset.done $0x0  }
0x47: {  	[sflag:s21] =	ssyncadd.s32 $0xFFFFD800  }
0x48: {  	[spmem:s16] =	stream.linear.scatter [tilespmem:s23], [sflag:$0x2], $0x2800, $0x38;
	[tilespmem:$0x1F000] =	vst v63  }
0x49: {  	_ =	swait.ge [sflag:s21], $0x2800  }
0x4a: {  	[sflag:s21] =	ssyncset.done $0x0  }
0x4b: {  	[sflag:s21] =	ssyncadd.s32 $0xFFFFD800  }
0x4c: {  	[spmem:s17] =	stream.linear.scatter [tilespmem:s23], [sflag:$0x2], $0x2800, $0x38;
	[tilespmem:$0x1F000] =	vst v63  }
0x4d: {  	_ =	swait.ge [sflag:s21], $0x2800  }
0x4e: {  	[sflag:s21] =	ssyncset.done $0x0  }
0x4f: {  	[sflag:s21] =	ssyncadd.s32 $0xFFFFD800  }
0x50: {  	[spmem:s18] =	stream.linear.scatter [tilespmem:s23], [sflag:$0x2], $0x2800, $0x38;
	[tilespmem:$0x1F000] =	vst v63  }
0x51: {  	_ =	swait.ge [sflag:s21], $0x2800  }
0x52: {  	[sflag:s21] =	ssyncset.done $0x0  }
0x53: {  	[sflag:s21] =	ssyncadd.s32 $0xFFFFD800  }
0x54: {  	s1 =	simm.s32 $0x0;
	[bflag:$0x0] =	sbarrier.arrive $0xFFFF  }
0x55: {  	[tilespmem:s25], [sflag:$0x1] =	stream.indirect.gather [hbm4b:s4+s24], $0x80, s1, s24, $0xb8;
	[tilespmem:$0x1F000] =	vst v63  }
0x56: {  	_ =	swait.ge [sflag:s26], $0x2800  }
0x57: {  	[sflag:s26] =	ssyncset.done $0x0  }
0x58: {  	s1 =	simm.s32 $0x2780;
	[sflag:s26] =	ssyncadd.s32 $0xFFFFD800  }
0x59: {  	[spmem:s2] =	stream.indirect.scatter.add.f32 [tilespmem:s25], [sflag:$0x2], $0x80, s1, s24, $0xb8;
	[tilespmem:$0x1F000] =	vst v63  }
0x5a: {  	s30 =	simm.s32 $0x140;
	_ =	swait.ge [sflag:s21], $0x2800  }
0x5b: {  	s31 =	simm.s32 $0x280;
	s29 =	simm.s32 $0x2800;
	[sflag:s21] =	ssyncset.done $0x0  }
.LBB2_6:
0x5c: {  	s0 =	sshra.s32 s30, $0x2  }
0x5d: {  	[sflag:s21] =	ssyncadd.s32 $0xFFFFD800;
	s30 =	smov.u32 s31;
	s1 =	sadd.s32 $0x140, s31  }
0x5e: {  	[tilespmem:s25], [sflag:$0x1] =	stream.indirect.gather [hbm4b:s4+s24], $0x80, s0, s24, $0xb8;
	[tilespmem:$0x1F000] =	vst v63  }
0x5f: {  	p1 =	sne.s32 s31, $0x9B00;
	_ =	swait.ge [sflag:s26], $0x2800  }
.Ltmp2:
0x60: {  	[sflag:s26] =	ssyncset.done $0x0;
	(pc) =	sbr.rel @p1 .LBB2_6-.Ltmp2, $4  }
0x61: {  	[sflag:s26] =	ssyncadd.s32 $0xFFFFD800  }
0x62: {  	[spmem:s2] =	stream.indirect.scatter.add.f32 [tilespmem:s25], [sflag:$0x2], $0x80, s29, s24, $0xb8;
	[tilespmem:$0x1F000] =	vst v63  }
0x63: {  	_ =	swait.ge [sflag:s21], $0x2800  }
0x64: {  	s31 =	smov.u32 s1;
	s29 =	sadd.s32 $0x80, s29;
	[sflag:s21] =	ssyncset.done $0x0  }
0x65: {  	s0 =	sshra.s32 s30, $0x2;
	[sflag:s21] =	ssyncadd.s32 $0xFFFFD800  }
0x66: {  	[tilespmem:s25], [sflag:$0x1] =	stream.indirect.gather [hbm4b:s4+s24], $0x80, s0, s24, $0xb8;
	[tilespmem:$0x1F000] =	vst v63  }
0x67: {  	_ =	swait.ge [sflag:s26], $0x2800  }
0x68: {  	[sflag:s26] =	ssyncset.done $0x0  }
0x69: {  	[sflag:s26] =	ssyncadd.s32 $0xFFFFD800  }
0x6a: {  	[spmem:s2] =	stream.indirect.scatter.add.f32 [tilespmem:s25], [sflag:$0x2], $0x80, s29, s24, $0xb8;
	[tilespmem:$0x1F000] =	vst v63  }
0x6b: {  	_ =	swait.ge [sflag:s21], $0x2800  }
0x6c: {  	[sflag:s21] =	ssyncset.done $0x0  }
0x6d: {  	[sflag:s21] =	ssyncadd.s32 $0xFFFFD800  }
0x6e: {  	s1 =	simm.s32 @p0 $0x1FC2;
	s0 =	sshrl.u32 @p0 s9, $0x3;
	[bflag:$0x0] =	sbarrier.arrive $0xFFFF  }
0x6f: {  	[hbm:s10], [sflag:s1] =	dma.local @p0 [spmem:s0], $0x1900  }
0x70: {  	s0 =	simm.s32 @p0 $0x2  }
0x71: {  	s28 =	sadd.s32 $0x1, s28;
	_ =	swait.ge @p0 [sflag:s0], $0x1900  }
0x72: {  	p1 =	sne.s32 s28, s11;
	s1 =	sshll.u32 @!p0 s19, $0x6;
	[sflag:s0] =	ssyncset.done @p0 $0x0  }
0x73: {  	[sflag:s0] =	ssyncadd.s32 @p0 $0xFFFFE700;
	s0 =	sor.u32 @!p0 $0x1C02, s1;
	s1 =	sshrl.u32 @!p0 s7, $0x3  }
0x74: {  	[hbm:s8], [sflag:s0] =	dma.local @!p0 [spmem:s1], $0x2800  }
.Ltmp3:
0x75: {  	_ = 	snop;
	(pc) =	sbr.rel @p1 .LBB2_1-.Ltmp3, $4  }
0x76: {  	s0 =	simm.s32 @!p0 $0x2  }
0x77: {  	_ =	swait.ge @!p0 [sflag:s0], $0x2800  }
0x78: {  	[sflag:s0] =	ssyncset.done @!p0 $0x0  }
0x79: {  	[sflag:s0] =	ssyncadd.s32 @!p0 $0xFFFFD800  }
0x7a: {  	_ =	sfence.sel $0x180000  }
0x7b: {  	[bflag:$0x0] =	sbarrier.arrive $0xFFFF  }
0x7c: {  	_ =	strace $0x9000004A  }
0x7d: {  	[bflag:$0x2] =	sbarrier.arrive $0xFFFF  }
0x7e: {  	p0 =	sne.s32 s19, $0x0;
	s0 =	rddreg [dreg:$0x3]  }
0x7f: {  	s0 =	sadd.s32 @!p0 $0x100000, s0  }
0x80: {  	[sflag:s0] =	ssyncadd.tile.s32 @!p0 $0x1;
	_ =	shalt  }
.Lfunc_end2:
_tile_overlayer_lowered:
.L_overlay_start_2:
0x81: {  	(tag) =	ssettag $0x2  }
0x82: {  	s0 =	rddreg [dreg:$0x0];
	s2 =	stileid.u32  }
0x83: {  	s1 =	rddreg [dreg:$0x1];
	p0 =	sne.s32 s2, $0x0  }
0x84: {  	s3 =	rddreg [dreg:$0x2];
	[bflag:$0x3] =	sbarrier.arrive $0xFFFF;
	s2 =	simm.s32 @!p0 $0x1C02  }
0x85: {  	[timem:s3], [sflag:s2] =	dma.local @!p0 [hbm:s0], s1  }
0x86: {  	s0 =	simm.s32 @!p0 $0x2  }
0x87: {  	_ =	swait.ge @!p0 [sflag:s0], s1  }
0x88: {  	s1 =	ssub.s32 @!p0 $0x0, s1;
	[sflag:s0] =	ssyncset.done @!p0 $0x0  }
0x89: {  	[sflag:s0] =	ssyncadd.s32 @!p0 s1  }
0x8a: {  	[bflag:$0x3] =	sbarrier.arrive $0xFFFF  }
0x8b: {  	_ =	shalt  }

// kernel: kernel.16.cloned.1.call-start
scs
__scs_entry_jumppad:
0x0: {  	(pc) =	sbr.rel $0x88, $3  }
0x1: {  	(tag) =	ssettag $0x0;
	lr =	simm.s32 $0x1  }
0x2: {  	[smem:$0x3F96] =	sst lr;
	_ =	strace $0xD0000000  }
0x3: {  	_ = 	snop  }
0x4: {  	_ = 	snop  }
0x5: {  	_ = 	snop  }
0x6: {  	_ = 	snop  }
0x7: {  	_ = 	snop  }
__scs_overlays_trampoline_lowered:
0x8: {  	[smem:$0x3FA5] =	sst s0  }
0x9: {  	[smem:$0x3FA6] =	sst s1  }
0xa: {  	[smem:$0x3FA7] =	sst s2  }
0xb: {  	[smem:$0x3FA8] =	sst s3  }
0xc: {  	[smem:$0x3FA9] =	sst s4  }
0xd: {  	[smem:$0x3FAA] =	sst s5  }
0xe: {  	[smem:$0x3FAB] =	sst s6  }
0xf: {  	[smem:$0x3FAC] =	sst s7  }
0x10: {  	[smem:$0x3FAD] =	sst s8  }
0x11: {  	[smem:$0x3FAE] =	sst s9;
	s0 =	simm.s32 @!p0 $0x0  }
0x12: {  	s1 =	sld [smem:$0x3F94];
	s0 =	simm.s32 @p0 $0x1  }
0x13: {  	[smem:$0x3FAF] =	sst s0;
	s0 =	simm.s32 @!p1 $0x0  }
0x14: {  	s2 =	sld [smem:$0x3F93];
	s0 =	simm.s32 @p1 $0x1  }
0x15: {  	[smem:$0x3FB0] =	sst s0;
	s0 =	simm.s32 @!p2 $0x0  }
0x16: {  	s3 =	sld [smem:$0x3FDB];
	s0 =	simm.s32 @p2 $0x1  }
0x17: {  	s4 =	simm.s32 $0x1BF5;
	[smem:$0x3FB2] =	sst s0  }
0x18: {  	s0 =	sld [smem:$0x3F95];
	_ =	swait.ge [sflag:s4], $0x0  }
0x19: {  	s7 =	sld [smem:$0x3F96]  }
0x1a: {  	s8 =	sadd.s32 $0xFFFFE003, lr  }
0x1b: {  	s9 =	sadd.s32 $0xFFFFFEF7, lr;
	s5 =	simm.s32 $0xFFFFFFFF;
	p2 =	slt.u32 s8, $0xFFFFF086  }
0x1c: {  	p1 =	slt.u32 s9, $0xF7A;
	s5 =	simm.s32 @!p2 $0x0  }
0x1d: {  	s5 =	simm.s32 @p1 $0x1;
	p0 =	seq.s32 s7, s2  }
0x1e: {  	s7 =	smul.u32 @!p0 $0xF7A, s2;
	p2 =	seq.s32 @!p0 s5, $0x0  }
0x1f: {  	s9 =	smul.u32 $0xF7A, s1;
	s8 =	simm.s32 @!p0 $0x1BF5;
	p2 =	por !p2, p0  }
0x20: {  	[sflag:s8] =	ssyncset.s32 @!p0 $0xFFFFF086;
	s6 =	sadd.s32 @!p0 s3, s7;
	s7 =	simm.s32 @!p0 $0x108  }
0x21: {  	s3 =	sadd.s32 s3, s9;
	s6 =	sadd.s32 @!p0 $0x88, s6;
	s7 =	simm.s32 @p2 $0x1082  }
0x22: {  	[simem:s7], [sflag:s8] =	dma.local @!p0 [hbm:s6], $0xF7A  }
0x23: {  	s9 =	sor.u32 $0xD0000000, s2;
	s6 =	simm.s32 $0x108;
	_ =	swait.ge @!p0 [sflag:s8], $0x0  }
0x24: {  	s3 =	sadd.s32 $0x88, s3;
	s6 =	simm.s32 @!p1 $0x1082;
	[sflag:s4] =	ssyncset.s32 $0xFFFFF086  }
0x25: {  	[simem:s6], [sflag:s4] =	dma.local [hbm:s3], $0xF7A  }
0x26: {  	[smem:$0x3F96] =	sst s1;
	(tag) =	ssettag s2;
	_ =	strace s9  }
0x27: {  	s1 =	sld [smem:$0x3FA6]  }
0x28: {  	s2 =	sld [smem:$0x3FA7]  }
0x29: {  	s4 =	sld [smem:$0x3FA9]  }
0x2a: {  	p0 =	seq.s32 s5, $0x0;
	s5 =	sld [smem:$0x3FAA]  }
0x2b: {  	s6 =	sld [smem:$0x3FAB]  }
0x2c: {  	s7 =	sld [smem:$0x3FAC]  }
0x2d: {  	s3 =	simm.s32 $0x108;
	s8 =	sld [smem:$0x3FAD]  }
0x2e: {  	s3 =	simm.s32 @!p0 $0x1082;
	s9 =	sld [smem:$0x3FAE]  }
0x2f: {  	lr =	sadd.s32 s0, s3;
	s0 =	sld [smem:$0x3FA5]  }
0x30: {  	s3 =	sld [smem:$0x3FA8]  }
0x31: {  	[smem:$0x3FB1] =	sst s10  }
0x32: {  	s10 =	sld [smem:$0x3FAF];
	_ =	sdelay $0x3  }
0x33: {  	p0 =	seq.s32 s10, $0x1;
	s10 =	sld [smem:$0x3FB1];
	_ =	sdelay $0x3  }
0x34: {  	[smem:$0x3FB1] =	sst s10  }
0x35: {  	s10 =	sld [smem:$0x3FB0];
	_ =	sdelay $0x3  }
0x36: {  	p1 =	seq.s32 s10, $0x1;
	s10 =	sld [smem:$0x3FB1];
	_ =	sdelay $0x3  }
0x37: {  	[smem:$0x3FB1] =	sst s10  }
0x38: {  	s10 =	sld [smem:$0x3FB2]  }
0x39: {  	_ = 	snop;
	(pc) =	sbr.ind lr, $3  }
0x3a: {  	_ = 	snop  }
0x3b: {  	_ = 	snop  }
0x3c: {  	p2 =	seq.s32 s10, $0x1;
	s10 =	sld [smem:$0x3FB1]  }
0x3d: {  	_ =	shalt  }
0x3e: {  	_ =	shalt  }
0x3f: {  	_ =	shalt  }
0x40: {  	_ =	shalt  }
0x41: {  	_ =	shalt  }
0x42: {  	_ =	shalt  }
0x43: {  	_ =	shalt  }
0x44: {  	_ =	shalt  }
0x45: {  	_ =	shalt  }
0x46: {  	_ =	shalt  }
0x47: {  	_ =	shalt  }
0x48: {  	_ =	shalt  }
0x49: {  	_ =	shalt  }
0x4a: {  	_ =	shalt  }
0x4b: {  	_ =	shalt  }
0x4c: {  	_ =	shalt  }
0x4d: {  	_ =	shalt  }
0x4e: {  	_ =	shalt  }
0x4f: {  	_ =	shalt  }
0x50: {  	_ =	shalt  }
0x51: {  	_ =	shalt  }
0x52: {  	_ =	shalt  }
0x53: {  	_ =	shalt  }
0x54: {  	_ =	shalt  }
0x55: {  	_ =	shalt  }
0x56: {  	_ =	shalt  }
0x57: {  	_ =	shalt  }
0x58: {  	_ =	shalt  }
0x59: {  	_ =	shalt  }
0x5a: {  	_ =	shalt  }
0x5b: {  	_ =	shalt  }
0x5c: {  	_ =	shalt  }
0x5d: {  	_ =	shalt  }
0x5e: {  	_ =	shalt  }
0x5f: {  	_ =	shalt  }
0x60: {  	_ =	shalt  }
0x61: {  	_ =	shalt  }
0x62: {  	_ =	shalt  }
0x63: {  	_ =	shalt  }
0x64: {  	_ =	shalt  }
0x65: {  	_ =	shalt  }
0x66: {  	_ =	shalt  }
0x67: {  	_ =	shalt  }
0x68: {  	_ =	shalt  }
0x69: {  	_ =	shalt  }
0x6a: {  	_ =	shalt  }
0x6b: {  	_ =	shalt  }
0x6c: {  	_ =	shalt  }
0x6d: {  	_ =	shalt  }
0x6e: {  	_ =	shalt  }
0x6f: {  	_ =	shalt  }
0x70: {  	_ =	shalt  }
0x71: {  	_ =	shalt  }
0x72: {  	_ =	shalt  }
0x73: {  	_ =	shalt  }
0x74: {  	_ =	shalt  }
0x75: {  	_ =	shalt  }
0x76: {  	_ =	shalt  }
0x77: {  	_ =	shalt  }
0x78: {  	_ =	shalt  }
0x79: {  	_ =	shalt  }
0x7a: {  	_ =	shalt  }
0x7b: {  	_ =	shalt  }
0x7c: {  	_ =	shalt  }
0x7d: {  	_ =	shalt  }
0x7e: {  	_ =	shalt  }
0x7f: {  	_ =	shalt  }
0x80: {  	_ =	shalt  }
0x81: {  	_ =	shalt  }
0x82: {  	_ =	shalt  }
0x83: {  	_ =	shalt  }
0x84: {  	_ =	shalt  }
0x85: {  	_ =	shalt  }
0x86: {  	_ =	shalt  }
0x87: {  	_ =	shalt  }
.Lfunc_end0:
.L_simem_size_0:
called_computation.2_lowered:
.L_overlay_start_0:
0x88: {  	s2 =	sld [smem:$0x3FD9]  }
0x89: {  	s3 =	sld [smem:$0x3FFE];
	_ =	sdelay $0x1  }
0x8a: {  	s1 =	srdreg.scid  }
0x8b: {  	s0 =	sand.u32 $0x1, s1  }
0x8c: {  	s14 =	sshll.u32 s0, $0xA;
	s2 =	sadd.s32 s3, s2  }
0x8d: {  	s2 =	sadd.s32 s2, s14  }
0x8e: {  	[smem:$0x3FBD] =	sst s2  }
0x8f: {  	_ = 	snop  }
0x90: {  	s2 =	sld [smem:$0x3FD0];
	_ =	sdelay $0x2  }
0x91: {  	s15 =	simm.s32 $0xA;
	s4 =	simm.s32 $0x10  }
0x92: {  	[smem:s4], [sflag:s15] =	dma.local [hbm:s2], $0x1  }
0x93: {  	_ =	swait.eq [sflag:s15], $0x1  }
0x94: {  	[sflag:s15] =	ssyncset.done $0x0  }
0x95: {  	[sflag:s15] =	ssyncadd.s32 $0xFFFFFFFF  }
0x96: {  	s16 =	sld [smem:$0x11];
	(tm) =	ssettm $0x1  }
0x97: {  	s17 =	sld [smem:$0x3FFB];
	_ =	sdelay $0x3  }
0x98: {  	_ =	strace s17  }
0x99: {  	s3 =	sld [smem:$0x3FFC];
	_ =	sdelay $0x3  }
0x9a: {  	_ =	strace s3  }
0x9b: {  	s3 =	sld [smem:$0x3FFD];
	_ =	sdelay $0x3  }
0x9c: {  	_ =	strace s3  }
0x9d: {  	_ =	strace $0x8FFFFFFF  }
0x9e: {  	s18 =	sld [smem:$0x3FDB];
	_ =	sdelay $0x1  }
0x9f: {  	s19 =	simm.s32 $_scs_section_size  }
0xa0: {  	s5 =	simm.s32 $_size__tile_overlayer_lowered;
	s6 =	simm.s32 $_tile_overlayer_lowered  }
0xa1: {  	s22 =	simm.s32 $0x1BFF;
	s21 =	sshll.u32 s6, $0x1;
	s3 =	sadd.s32 s19, s18  }
0xa2: {  	s7 =	simm.s32 $0x0;
	s20 =	sshll.u32 s5, $0x1;
	s5 =	sadd.s32 s21, s3  }
0xa3: {  	[timem:s7], [sflag:s22] =	dma.local [hbm:s5], s20  }
0xa4: {  	_ =	swait.ge [sflag:s22], s20  }
0xa5: {  	s4 =	ssub.s32 $0x0, s20;
	[sflag:s22] =	ssyncset.done $0x0  }
0xa6: {  	[sflag:s22] =	ssyncadd.s32 s4;
	_ =	sdelay $0x1  }
0xa7: {  	s23 =	simm.s32 $0x1B8B  }
0xa8: {  	_ =	swait.ge [sflag:s23], $0x1  }
0xa9: {  	[sflag:s23] =	ssyncset.done $0x0  }
0xaa: {  	s25 =	simm.s32 $0x1B8E;
	s24 =	sld [smem:$0x3FFE];
	[sflag:s23] =	ssyncadd.s32 $0xFFFFFFFF  }
0xab: {  	s26 =	simm.s32 $execute0_lowered;
	[smem:$0x3FD2] =	sst s25  }
0xac: {  	s5 =	sshll.u32 s26, $0x1;
	_ =	strace $0x8000004C;
	[dreg:$0x1] =	wrdreg $0xFFFFFFFF  }
0xad: {  	s28 =	simm.s32 $_size_execute0_lowered;
	s3 =	sadd.s32 s3, s5;
	[dreg:$0x0] =	wrdreg $0x0  }
0xae: {  	s5 =	sshll.u32 s28, $0x1;
	[dreg:$0x2] =	wrdreg s3  }
0xaf: {  	[dreg:$0x3] =	wrdreg s5  }
0xb0: {  	[dreg:$0x4] =	wrdreg $0xC0  }
0xb1: {  	_ =	task [dreg:s7], $0x5FFFF  }
0xb2: {  	[dreg:$0x1] =	wrdreg $0xFFFFFFFF  }
0xb3: {  	[dreg:$0x0] =	wrdreg $0x60  }
0xb4: {  	[dreg:$0x2] =	wrdreg s24  }
0xb5: {  	[dreg:$0x3] =	wrdreg s16  }
0xb6: {  	[dreg:$0x4] =	wrdreg $0xB7800  }
0xb7: {  	[dreg:$0x5] =	wrdreg $0x9  }
0xb8: {  	_ =	task.clear_ibuf [dreg:s7], $0x6FFFF;
	_ =	strace $0x9000004C  }
0xb9: {  	s29 =	simm.s32 $0x9;
	_ =	strace $0x8000004E  }
0xba: {  	_ =	swait.ge [sflag:s29], $0x1  }
0xbb: {  	[sflag:s29] =	ssyncadd.s32 $0xFFFFFFFF  }
0xbc: {  	_ =	strace $0x9000004E  }
0xbd: {  	_ =	sfence  }
0xbe: {  	s30 =	sld [smem:$0x0];
	_ =	sdelay $0x2  }
0xbf: {  	s31 =	sshll.u32 s1, $0xD;
	s1 =	sshrl.u32 s1, $0x2  }
0xc0: {  	s3 =	sand.u32 $0x4000, s31;
	s1 =	sadd.s32 s1, s30  }
0xc1: {  	s0 =	sor.u32 s3, s0;
	s1 =	sshll.u32 s1, $0x11  }
0xc2: {  	s0 =	sor.u32 s1, s0  }
0xc3: {  	s0 =	sadd.s32 $0x8F2B, s0  }
0xc4: {  	[sflag:s0] =	ssyncadd.remote.s32 $0x1  }
0xc5: {  	_ =	sfence.sel $0xFFFF  }
0xc6: {  	[dreg:$0x0] =	wrdreg $0xFFFFFFFF;
	(pc) =	sbr.abs _section_cstart, $3  }
0xc7: {  	[dreg:$0x1] =	wrdreg $0xFFFFFFFF  }
0xc8: {  	_ =	task.clear_ibuf [dreg:s7], $0x2FFFF;
	_ =	strace $0x9FFFFFFF  }
0xc9: {  	(tm) =	ssettm $0x7FFFFFFF  }
tec
execute0_lowered:
.L_overlay_start_1:
0x0: {  	(tag) =	ssettag $0x1  }
0x1: {  	s5 =	rddreg [dreg:$0x0]  }
0x2: {  	s6 =	rddreg [dreg:$0x1]  }
0x3: {  	s0 =	stileid.u32;
	s2 =	rddreg [dreg:$0x2]  }
0x4: {  	s8 =	srdreg.scid;
	s20 =	simm.s32 $0x400;
	s19 =	stileid.u32  }
0x5: {  	s28 =	simm.s32 $0x0;
	s3 =	sshrl.u32 s0, $0x3;
	s7 =	sshll.u32 s0, $0x7  }
0x6: {  	s23 =	sand.u32 $0x1, s8;
	s9 =	smul.u32 $0x280, s0;
	s10 =	sadd.s32 $0x55600, s5  }
0x7: {  	s11 =	smul.u32 $0x50000, s0;
	s13 =	sshll.u32 s0, $0xB;
	s21 =	sadd.s32 $0x12E800, s2  }
0x8: {  	s22 =	sadd.s32 $0x131000, s2;
	p0 =	seq.s32 s0, $0xF;
	s4 =	smul.u32 $0x13C00, s3  }
0x9: {  	s3 =	simm.s32 $0x0;
	s7 =	sand.u32 $0x380, s7;
	s25 =	smul.u32 $0x2710, s23  }
0xa: {  	s26 =	ssub.s32 $0x2, s23;
	s6 =	sadd.s32 s6, s13;
	[smem:$0x7FF] =	sst s3  }
0xb: {  	s12 =	sshrl.u32 s26, $0x1;
	s29 =	sshrl.u32 s11, $0x2;
	s4 =	sor.u32 s7, s4  }
0xc: {  	_ =	strace $0x8000004D;
	s7 =	smul.u32 $0x138800, s23;
	s12 =	ssub.s32 s26, s12  }
0xd: {  	s9 =	sadd.s32 s9, s25;
	s23 =	sadd.s32 $0x133800, s2;
	v0 =	vmov s25;
	s25 =	simm.s32 $0x6780  }
0xe: {  	s26 =	simm.s32 $0x1;
	s24 =	sshrl.u32 s4, $0x3;
	s4 =	sadd.s32 $0x2400, s5  }
0xf: {  	s31 =	sshll.u32 s9, $0x4;
	s9 =	sadd.s32 $0x12C000, s2;
	s8 =	sadd.s32 s24, s5  }
0x10: {  	s30 =	sshrl.u32 s7, $0x3;
	s7 =	sadd.s32 s29, s2;
	s24 =	sadd.s32 $0x136000, s2  }
0x11: {  	s5 =	sadd.s32 $0x50600, s8;
	s11 =	sadd.s32 s10, s30;
	s8 =	sadd.s32 s10, s31  }
0x12: {  	s13 =	sadd.s32 $0x5000, s7;
	s14 =	sadd.s32 $0x7800, s7;
	s15 =	sadd.s32 $0xA000, s7  }
0x13: {  	s16 =	sadd.s32 $0xC800, s7;
	s17 =	sadd.s32 $0xF000, s7;
	s18 =	sadd.s32 $0x11800, s7  }
0x14: {  	s10 =	sadd.s32 $0x25800, s11;
	s11 =	smax.u32 s12, $0x1;
	s12 =	sadd.s32 $0x2800, s7  }
0x15: {  	s15 =	smov.u32 @p0 s21;
	s21 =	simm.s32 $0x2;
	s16 =	smov.u32 @p0 s22  }
0x16: {  	s22 =	simm.s32 $0x2780;
	s14 =	smov.u32 @p0 s9;
	s17 =	smov.u32 @p0 s23  }
0x17: {  	v1 =	vimm.f32 $0.0e+00;
	s18 =	smov.u32 @p0 s24;
	s23 =	simm.s32 $0x8F80;
	s24 =	simm.s32 $0x50  }
.LBB2_1:
0x18: {  	s0 =	simm.s32 $0x80  }
0x19: {  	[tilespmem:s3], [sflag:$0x2] =	stream.strided.gather [hbm4b:s5+s0], $0x2780, s20, s0, $0x38;
	[tilespmem:$0x1F000] =	vst v63  }
0x1a: {  	_ =	swait.ge [sflag:s21], $0x2780  }
0x1b: {  	[sflag:s21] =	ssyncset.done $0x0  }
0x1c: {  	[sflag:s21] =	ssyncadd.s32 $0xFFFFD880  }
0x1d: {  	[tilespmem:s22], [sflag:$0x2] =	stream.linear.gather [hbm4b:s6+s3], $0x3E80, $0x38;
	[tilespmem:$0x1F000] =	vst v63  }
0x1e: {  	_ =	swait.ge [sflag:s21], $0x3E80  }
0x1f: {  	[sflag:s21] =	ssyncset.done $0x0  }
0x20: {  	s30 =	simm.s32 $0x0;
	s29 =	simm.s32 $0x40;
	[sflag:s21] =	ssyncadd.s32 $0xFFFFC180  }
.LBB2_2:
0x21: {  	p1 =	sne.s32 s29, $0x9C00;
	v2 =	vld [tilespmem:s30+$0x0];
	_ =	sdelay $0x1  }
.Ltmp0:
0x22: {  	(pc) =	sbr.rel @p1 .LBB2_2-.Ltmp0, $3  }
0x23: {  	_ =	sdelay $0x1  }
0x24: {  	v2 =	vadd.s32 v0, v2  }
0x25: {  	[tilespmem:s30+$0x0] =	vst v2;
	s30 =	sshra.s32 s29, $0x2;
	s29 =	sadd.s32 $0x40, s29  }
0x26: {  	v2 =	vld [tilespmem:s30+$0x0]  }
0x27: {  	s31 =	simm.s32 $0x0  }
0x28: {  	s29 =	sand.u32 $0xFFFFFF80, s31  }
0x29: {  	s1 =	ssub.s32 $0x0, s29  }
0x2a: {  	s31 =	sand.u32 $0x3FFFFF80, s31;
	s29 =	simm.s32 $0x0;
	s1 =	sand.u32 $0xFFFFFF80, s1  }
0x2b: {  	s0 =	sand.u32 $0x70, s29;
	s1 =	sadd.s32 s1, s31;
	v2 =	vadd.s32 v0, v2  }
0x2c: {  	s31 =	sor.u32 s0, s1;
	[tilespmem:s30+$0x0] =	vst v2;
	s30 =	simm.s32 $0x1  }
.LBB2_4:
0x2d: {  	s0 =	sshll.u32 s30, $0x4;
	p1 =	sne.s32 s30, $0x27F;
	s30 =	sadd.s32 $0x1, s30;
	[tilespmem:s31+$0x8F80] =	vst v1  }
.Ltmp1:
0x2e: {  	s29 =	sadd.s32 $0x10, s29;
	s1 =	sand.u32 $0xFFFFFF80, s0;
	(pc) =	sbr.rel @p1 .LBB2_4-.Ltmp1, $4  }
0x2f: {  	s1 =	ssub.s32 s29, s1  }
0x30: {  	s0 =	sand.u32 $0x3FFFFF80, s0;
	s1 =	sand.u32 $0xFFFFFF80, s1  }
0x31: {  	s31 =	sand.u32 $0x70, s29;
	s0 =	sadd.s32 s1, s0  }
0x32: {  	s31 =	sor.u32 s31, s0  }
0x33: {  	[tilespmem:s31+$0x8F80] =	vst v1;
	s0 =	simm.s32 @!p0 $0x8F80;
	s1 =	simm.s32 @!p0 $0x2  }
0x34: {  	[spmem:s7] =	stream.linear.scatter @!p0 [tilespmem:s0], [sflag:$0x2], $0x2800, $0x38;
	[tilespmem:$0x1F000] =	vst v63  }
0x35: {  	_ =	swait.ge @!p0 [sflag:s1], $0x2800  }
0x36: {  	[sflag:s1] =	ssyncset.done @!p0 $0x0  }
0x37: {  	[sflag:s1] =	ssyncadd.s32 @!p0 $0xFFFFD800  }
0x38: {  	[spmem:s12] =	stream.linear.scatter @!p0 [tilespmem:s0], [sflag:$0x2], $0x2800, $0x38;
	[tilespmem:$0x1F000] =	vst v63  }
0x39: {  	_ =	swait.ge @!p0 [sflag:s1], $0x2800  }
0x3a: {  	[sflag:s1] =	ssyncset.done @!p0 $0x0  }
0x3b: {  	[sflag:s1] =	ssyncadd.s32 @!p0 $0xFFFFD800  }
0x3c: {  	[spmem:s13] =	stream.linear.scatter @!p0 [tilespmem:s0], [sflag:$0x2], $0x2800, $0x38;
	[tilespmem:$0x1F000] =	vst v63  }
0x3d: {  	_ =	swait.ge @!p0 [sflag:s1], $0x2800  }
0x3e: {  	[sflag:s1] =	ssyncset.done @!p0 $0x0  }
0x3f: {  	[sflag:s1] =	ssyncadd.s32 @!p0 $0xFFFFD800  }
0x40: {  	[spmem:s14] =	stream.linear.scatter [tilespmem:s23], [sflag:$0x2], $0x2800, $0x38;
	[tilespmem:$0x1F000] =	vst v63  }
0x41: {  	_ =	swait.ge [sflag:s21], $0x2800  }
0x42: {  	[sflag:s21] =	ssyncset.done $0x0  }
0x43: {  	[sflag:s21] =	ssyncadd.s32 $0xFFFFD800  }
0x44: {  	[spmem:s15] =	stream.linear.scatter [tilespmem:s23], [sflag:$0x2], $0x2800, $0x38;
	[tilespmem:$0x1F000] =	vst v63  }
0x45: {  	_ =	swait.ge [sflag:s21], $0x2800  }
0x46: {  	[sflag:s21] =	ssyncset.done $0x0  }
0x47: {  	[sflag:s21] =	ssyncadd.s32 $0xFFFFD800  }
0x48: {  	[spmem:s16] =	stream.linear.scatter [tilespmem:s23], [sflag:$0x2], $0x2800, $0x38;
	[tilespmem:$0x1F000] =	vst v63  }
0x49: {  	_ =	swait.ge [sflag:s21], $0x2800  }
0x4a: {  	[sflag:s21] =	ssyncset.done $0x0  }
0x4b: {  	[sflag:s21] =	ssyncadd.s32 $0xFFFFD800  }
0x4c: {  	[spmem:s17] =	stream.linear.scatter [tilespmem:s23], [sflag:$0x2], $0x2800, $0x38;
	[tilespmem:$0x1F000] =	vst v63  }
0x4d: {  	_ =	swait.ge [sflag:s21], $0x2800  }
0x4e: {  	[sflag:s21] =	ssyncset.done $0x0  }
0x4f: {  	[sflag:s21] =	ssyncadd.s32 $0xFFFFD800  }
0x50: {  	[spmem:s18] =	stream.linear.scatter [tilespmem:s23], [sflag:$0x2], $0x2800, $0x38;
	[tilespmem:$0x1F000] =	vst v63  }
0x51: {  	_ =	swait.ge [sflag:s21], $0x2800  }
0x52: {  	[sflag:s21] =	ssyncset.done $0x0  }
0x53: {  	[sflag:s21] =	ssyncadd.s32 $0xFFFFD800  }
0x54: {  	s1 =	simm.s32 $0x0;
	[bflag:$0x0] =	sbarrier.arrive $0xFFFF  }
0x55: {  	[tilespmem:s25], [sflag:$0x1] =	stream.indirect.gather [hbm4b:s4+s24], $0x80, s1, s24, $0xb8;
	[tilespmem:$0x1F000] =	vst v63  }
0x56: {  	_ =	swait.ge [sflag:s26], $0x2800  }
0x57: {  	[sflag:s26] =	ssyncset.done $0x0  }
0x58: {  	s1 =	simm.s32 $0x2780;
	[sflag:s26] =	ssyncadd.s32 $0xFFFFD800  }
0x59: {  	[spmem:s2] =	stream.indirect.scatter.add.f32 [tilespmem:s25], [sflag:$0x2], $0x80, s1, s24, $0xb8;
	[tilespmem:$0x1F000] =	vst v63  }
0x5a: {  	s30 =	simm.s32 $0x140;
	_ =	swait.ge [sflag:s21], $0x2800  }
0x5b: {  	s31 =	simm.s32 $0x280;
	s29 =	simm.s32 $0x2800;
	[sflag:s21] =	ssyncset.done $0x0  }
.LBB2_6:
0x5c: {  	s0 =	sshra.s32 s30, $0x2  }
0x5d: {  	[sflag:s21] =	ssyncadd.s32 $0xFFFFD800;
	s30 =	smov.u32 s31;
	s1 =	sadd.s32 $0x140, s31  }
0x5e: {  	[tilespmem:s25], [sflag:$0x1] =	stream.indirect.gather [hbm4b:s4+s24], $0x80, s0, s24, $0xb8;
	[tilespmem:$0x1F000] =	vst v63  }
0x5f: {  	p1 =	sne.s32 s31, $0x9B00;
	_ =	swait.ge [sflag:s26], $0x2800  }
.Ltmp2:
0x60: {  	[sflag:s26] =	ssyncset.done $0x0;
	(pc) =	sbr.rel @p1 .LBB2_6-.Ltmp2, $4  }
0x61: {  	[sflag:s26] =	ssyncadd.s32 $0xFFFFD800  }
0x62: {  	[spmem:s2] =	stream.indirect.scatter.add.f32 [tilespmem:s25], [sflag:$0x2], $0x80, s29, s24, $0xb8;
	[tilespmem:$0x1F000] =	vst v63  }
0x63: {  	_ =	swait.ge [sflag:s21], $0x2800  }
0x64: {  	s31 =	smov.u32 s1;
	s29 =	sadd.s32 $0x80, s29;
	[sflag:s21] =	ssyncset.done $0x0  }
0x65: {  	s0 =	sshra.s32 s30, $0x2;
	[sflag:s21] =	ssyncadd.s32 $0xFFFFD800  }
0x66: {  	[tilespmem:s25], [sflag:$0x1] =	stream.indirect.gather [hbm4b:s4+s24], $0x80, s0, s24, $0xb8;
	[tilespmem:$0x1F000] =	vst v63  }
0x67: {  	_ =	swait.ge [sflag:s26], $0x2800  }
0x68: {  	[sflag:s26] =	ssyncset.done $0x0  }
0x69: {  	[sflag:s26] =	ssyncadd.s32 $0xFFFFD800  }
0x6a: {  	[spmem:s2] =	stream.indirect.scatter.add.f32 [tilespmem:s25], [sflag:$0x2], $0x80, s29, s24, $0xb8;
	[tilespmem:$0x1F000] =	vst v63  }
0x6b: {  	_ =	swait.ge [sflag:s21], $0x2800  }
0x6c: {  	[sflag:s21] =	ssyncset.done $0x0  }
0x6d: {  	[sflag:s21] =	ssyncadd.s32 $0xFFFFD800  }
0x6e: {  	s1 =	simm.s32 @p0 $0x1FC2;
	s0 =	sshrl.u32 @p0 s9, $0x3;
	[bflag:$0x0] =	sbarrier.arrive $0xFFFF  }
0x6f: {  	[hbm:s10], [sflag:s1] =	dma.local @p0 [spmem:s0], $0x1900  }
0x70: {  	s0 =	simm.s32 @p0 $0x2  }
0x71: {  	s28 =	sadd.s32 $0x1, s28;
	_ =	swait.ge @p0 [sflag:s0], $0x1900  }
0x72: {  	p1 =	sne.s32 s28, s11;
	s1 =	sshll.u32 @!p0 s19, $0x6;
	[sflag:s0] =	ssyncset.done @p0 $0x0  }
0x73: {  	[sflag:s0] =	ssyncadd.s32 @p0 $0xFFFFE700;
	s0 =	sor.u32 @!p0 $0x1C02, s1;
	s1 =	sshrl.u32 @!p0 s7, $0x3  }
0x74: {  	[hbm:s8], [sflag:s0] =	dma.local @!p0 [spmem:s1], $0x2800  }
.Ltmp3:
0x75: {  	_ = 	snop;
	(pc) =	sbr.rel @p1 .LBB2_1-.Ltmp3, $4  }
0x76: {  	s0 =	simm.s32 @!p0 $0x2  }
0x77: {  	_ =	swait.ge @!p0 [sflag:s0], $0x2800  }
0x78: {  	[sflag:s0] =	ssyncset.done @!p0 $0x0  }
0x79: {  	[sflag:s0] =	ssyncadd.s32 @!p0 $0xFFFFD800  }
0x7a: {  	_ =	sfence.sel $0x180000  }
0x7b: {  	[bflag:$0x0] =	sbarrier.arrive $0xFFFF  }
0x7c: {  	_ =	strace $0x9000004D  }
0x7d: {  	[bflag:$0x2] =	sbarrier.arrive $0xFFFF  }
0x7e: {  	p0 =	sne.s32 s19, $0x0;
	s0 =	rddreg [dreg:$0x3]  }
0x7f: {  	s0 =	sadd.s32 @!p0 $0x100000, s0  }
0x80: {  	[sflag:s0] =	ssyncadd.tile.s32 @!p0 $0x1;
	_ =	shalt  }
.Lfunc_end2:
_tile_overlayer_lowered:
.L_overlay_start_2:
0x81: {  	(tag) =	ssettag $0x2  }
0x82: {  	s0 =	rddreg [dreg:$0x0];
	s2 =	stileid.u32  }
0x83: {  	s1 =	rddreg [dreg:$0x1];
	p0 =	sne.s32 s2, $0x0  }
0x84: {  	s3 =	rddreg [dreg:$0x2];
	[bflag:$0x3] =	sbarrier.arrive $0xFFFF;
	s2 =	simm.s32 @!p0 $0x1C02  }
0x85: {  	[timem:s3], [sflag:s2] =	dma.local @!p0 [hbm:s0], s1  }
0x86: {  	s0 =	simm.s32 @!p0 $0x2  }
0x87: {  	_ =	swait.ge @!p0 [sflag:s0], s1  }
0x88: {  	s1 =	ssub.s32 @!p0 $0x0, s1;
	[sflag:s0] =	ssyncset.done @!p0 $0x0  }
0x89: {  	[sflag:s0] =	ssyncadd.s32 @!p0 s1  }
0x8a: {  	[bflag:$0x3] =	sbarrier.arrive $0xFFFF  }
0x8b: {  	_ =	shalt  }

// kernel: kernel.19.cloned.1.call-start
scs
__scs_entry_jumppad:
0x0: {  	(pc) =	sbr.rel $0x88, $3  }
0x1: {  	(tag) =	ssettag $0x0;
	lr =	simm.s32 $0x1  }
0x2: {  	[smem:$0x3F96] =	sst lr;
	_ =	strace $0xD0000000  }
0x3: {  	_ = 	snop  }
0x4: {  	_ = 	snop  }
0x5: {  	_ = 	snop  }
0x6: {  	_ = 	snop  }
0x7: {  	_ = 	snop  }
__scs_overlays_trampoline_lowered:
0x8: {  	[smem:$0x3FA5] =	sst s0  }
0x9: {  	[smem:$0x3FA6] =	sst s1  }
0xa: {  	[smem:$0x3FA7] =	sst s2  }
0xb: {  	[smem:$0x3FA8] =	sst s3  }
0xc: {  	[smem:$0x3FA9] =	sst s4  }
0xd: {  	[smem:$0x3FAA] =	sst s5  }
0xe: {  	[smem:$0x3FAB] =	sst s6  }
0xf: {  	[smem:$0x3FAC] =	sst s7  }
0x10: {  	[smem:$0x3FAD] =	sst s8  }
0x11: {  	[smem:$0x3FAE] =	sst s9;
	s0 =	simm.s32 @!p0 $0x0  }
0x12: {  	s1 =	sld [smem:$0x3F94];
	s0 =	simm.s32 @p0 $0x1  }
0x13: {  	[smem:$0x3FAF] =	sst s0;
	s0 =	simm.s32 @!p1 $0x0  }
0x14: {  	s2 =	sld [smem:$0x3F93];
	s0 =	simm.s32 @p1 $0x1  }
0x15: {  	[smem:$0x3FB0] =	sst s0;
	s0 =	simm.s32 @!p2 $0x0  }
0x16: {  	s3 =	sld [smem:$0x3FDB];
	s0 =	simm.s32 @p2 $0x1  }
0x17: {  	s4 =	simm.s32 $0x1BF5;
	[smem:$0x3FB2] =	sst s0  }
0x18: {  	s0 =	sld [smem:$0x3F95];
	_ =	swait.ge [sflag:s4], $0x0  }
0x19: {  	s7 =	sld [smem:$0x3F96]  }
0x1a: {  	s8 =	sadd.s32 $0xFFFFE003, lr  }
0x1b: {  	s9 =	sadd.s32 $0xFFFFFEF7, lr;
	s5 =	simm.s32 $0xFFFFFFFF;
	p2 =	slt.u32 s8, $0xFFFFF086  }
0x1c: {  	p1 =	slt.u32 s9, $0xF7A;
	s5 =	simm.s32 @!p2 $0x0  }
0x1d: {  	s5 =	simm.s32 @p1 $0x1;
	p0 =	seq.s32 s7, s2  }
0x1e: {  	s7 =	smul.u32 @!p0 $0xF7A, s2;
	p2 =	seq.s32 @!p0 s5, $0x0  }
0x1f: {  	s9 =	smul.u32 $0xF7A, s1;
	s8 =	simm.s32 @!p0 $0x1BF5;
	p2 =	por !p2, p0  }
0x20: {  	[sflag:s8] =	ssyncset.s32 @!p0 $0xFFFFF086;
	s6 =	sadd.s32 @!p0 s3, s7;
	s7 =	simm.s32 @!p0 $0x108  }
0x21: {  	s3 =	sadd.s32 s3, s9;
	s6 =	sadd.s32 @!p0 $0x88, s6;
	s7 =	simm.s32 @p2 $0x1082  }
0x22: {  	[simem:s7], [sflag:s8] =	dma.local @!p0 [hbm:s6], $0xF7A  }
0x23: {  	s9 =	sor.u32 $0xD0000000, s2;
	s6 =	simm.s32 $0x108;
	_ =	swait.ge @!p0 [sflag:s8], $0x0  }
0x24: {  	s3 =	sadd.s32 $0x88, s3;
	s6 =	simm.s32 @!p1 $0x1082;
	[sflag:s4] =	ssyncset.s32 $0xFFFFF086  }
0x25: {  	[simem:s6], [sflag:s4] =	dma.local [hbm:s3], $0xF7A  }
0x26: {  	[smem:$0x3F96] =	sst s1;
	(tag) =	ssettag s2;
	_ =	strace s9  }
0x27: {  	s1 =	sld [smem:$0x3FA6]  }
0x28: {  	s2 =	sld [smem:$0x3FA7]  }
0x29: {  	s4 =	sld [smem:$0x3FA9]  }
0x2a: {  	p0 =	seq.s32 s5, $0x0;
	s5 =	sld [smem:$0x3FAA]  }
0x2b: {  	s6 =	sld [smem:$0x3FAB]  }
0x2c: {  	s7 =	sld [smem:$0x3FAC]  }
0x2d: {  	s3 =	simm.s32 $0x108;
	s8 =	sld [smem:$0x3FAD]  }
0x2e: {  	s3 =	simm.s32 @!p0 $0x1082;
	s9 =	sld [smem:$0x3FAE]  }
0x2f: {  	lr =	sadd.s32 s0, s3;
	s0 =	sld [smem:$0x3FA5]  }
0x30: {  	s3 =	sld [smem:$0x3FA8]  }
0x31: {  	[smem:$0x3FB1] =	sst s10  }
0x32: {  	s10 =	sld [smem:$0x3FAF];
	_ =	sdelay $0x3  }
0x33: {  	p0 =	seq.s32 s10, $0x1;
	s10 =	sld [smem:$0x3FB1];
	_ =	sdelay $0x3  }
0x34: {  	[smem:$0x3FB1] =	sst s10  }
0x35: {  	s10 =	sld [smem:$0x3FB0];
	_ =	sdelay $0x3  }
0x36: {  	p1 =	seq.s32 s10, $0x1;
	s10 =	sld [smem:$0x3FB1];
	_ =	sdelay $0x3  }
0x37: {  	[smem:$0x3FB1] =	sst s10  }
0x38: {  	s10 =	sld [smem:$0x3FB2]  }
0x39: {  	_ = 	snop;
	(pc) =	sbr.ind lr, $3  }
0x3a: {  	_ = 	snop  }
0x3b: {  	_ = 	snop  }
0x3c: {  	p2 =	seq.s32 s10, $0x1;
	s10 =	sld [smem:$0x3FB1]  }
0x3d: {  	_ =	shalt  }
0x3e: {  	_ =	shalt  }
0x3f: {  	_ =	shalt  }
0x40: {  	_ =	shalt  }
0x41: {  	_ =	shalt  }
0x42: {  	_ =	shalt  }
0x43: {  	_ =	shalt  }
0x44: {  	_ =	shalt  }
0x45: {  	_ =	shalt  }
0x46: {  	_ =	shalt  }
0x47: {  	_ =	shalt  }
0x48: {  	_ =	shalt  }
0x49: {  	_ =	shalt  }
0x4a: {  	_ =	shalt  }
0x4b: {  	_ =	shalt  }
0x4c: {  	_ =	shalt  }
0x4d: {  	_ =	shalt  }
0x4e: {  	_ =	shalt  }
0x4f: {  	_ =	shalt  }
0x50: {  	_ =	shalt  }
0x51: {  	_ =	shalt  }
0x52: {  	_ =	shalt  }
0x53: {  	_ =	shalt  }
0x54: {  	_ =	shalt  }
0x55: {  	_ =	shalt  }
0x56: {  	_ =	shalt  }
0x57: {  	_ =	shalt  }
0x58: {  	_ =	shalt  }
0x59: {  	_ =	shalt  }
0x5a: {  	_ =	shalt  }
0x5b: {  	_ =	shalt  }
0x5c: {  	_ =	shalt  }
0x5d: {  	_ =	shalt  }
0x5e: {  	_ =	shalt  }
0x5f: {  	_ =	shalt  }
0x60: {  	_ =	shalt  }
0x61: {  	_ =	shalt  }
0x62: {  	_ =	shalt  }
0x63: {  	_ =	shalt  }
0x64: {  	_ =	shalt  }
0x65: {  	_ =	shalt  }
0x66: {  	_ =	shalt  }
0x67: {  	_ =	shalt  }
0x68: {  	_ =	shalt  }
0x69: {  	_ =	shalt  }
0x6a: {  	_ =	shalt  }
0x6b: {  	_ =	shalt  }
0x6c: {  	_ =	shalt  }
0x6d: {  	_ =	shalt  }
0x6e: {  	_ =	shalt  }
0x6f: {  	_ =	shalt  }
0x70: {  	_ =	shalt  }
0x71: {  	_ =	shalt  }
0x72: {  	_ =	shalt  }
0x73: {  	_ =	shalt  }
0x74: {  	_ =	shalt  }
0x75: {  	_ =	shalt  }
0x76: {  	_ =	shalt  }
0x77: {  	_ =	shalt  }
0x78: {  	_ =	shalt  }
0x79: {  	_ =	shalt  }
0x7a: {  	_ =	shalt  }
0x7b: {  	_ =	shalt  }
0x7c: {  	_ =	shalt  }
0x7d: {  	_ =	shalt  }
0x7e: {  	_ =	shalt  }
0x7f: {  	_ =	shalt  }
0x80: {  	_ =	shalt  }
0x81: {  	_ =	shalt  }
0x82: {  	_ =	shalt  }
0x83: {  	_ =	shalt  }
0x84: {  	_ =	shalt  }
0x85: {  	_ =	shalt  }
0x86: {  	_ =	shalt  }
0x87: {  	_ =	shalt  }
.Lfunc_end0:
.L_simem_size_0:
called_computation.3_lowered:
.L_overlay_start_0:
0x88: {  	s2 =	sld [smem:$0x3FD9]  }
0x89: {  	s3 =	sld [smem:$0x3FFE];
	_ =	sdelay $0x1  }
0x8a: {  	s1 =	srdreg.scid  }
0x8b: {  	s0 =	sand.u32 $0x1, s1  }
0x8c: {  	s14 =	sshll.u32 s0, $0xA;
	s2 =	sadd.s32 s3, s2  }
0x8d: {  	s2 =	sadd.s32 s2, s14  }
0x8e: {  	[smem:$0x3FBD] =	sst s2  }
0x8f: {  	_ = 	snop  }
0x90: {  	s2 =	sld [smem:$0x3FD0];
	_ =	sdelay $0x2  }
0x91: {  	s15 =	simm.s32 $0xA;
	s4 =	simm.s32 $0x10  }
0x92: {  	[smem:s4], [sflag:s15] =	dma.local [hbm:s2], $0x1  }
0x93: {  	_ =	swait.eq [sflag:s15], $0x1  }
0x94: {  	[sflag:s15] =	ssyncset.done $0x0  }
0x95: {  	[sflag:s15] =	ssyncadd.s32 $0xFFFFFFFF  }
0x96: {  	s16 =	sld [smem:$0x11];
	(tm) =	ssettm $0x1  }
0x97: {  	s17 =	sld [smem:$0x3FFB];
	_ =	sdelay $0x3  }
0x98: {  	_ =	strace s17  }
0x99: {  	s3 =	sld [smem:$0x3FFC];
	_ =	sdelay $0x3  }
0x9a: {  	_ =	strace s3  }
0x9b: {  	s3 =	sld [smem:$0x3FFD];
	_ =	sdelay $0x3  }
0x9c: {  	_ =	strace s3  }
0x9d: {  	_ =	strace $0x8FFFFFFF  }
0x9e: {  	s18 =	sld [smem:$0x3FDB];
	_ =	sdelay $0x1  }
0x9f: {  	s19 =	simm.s32 $_scs_section_size  }
0xa0: {  	s5 =	simm.s32 $_size__tile_overlayer_lowered;
	s6 =	simm.s32 $_tile_overlayer_lowered  }
0xa1: {  	s22 =	simm.s32 $0x1BFF;
	s21 =	sshll.u32 s6, $0x1;
	s3 =	sadd.s32 s19, s18  }
0xa2: {  	s7 =	simm.s32 $0x0;
	s20 =	sshll.u32 s5, $0x1;
	s5 =	sadd.s32 s21, s3  }
0xa3: {  	[timem:s7], [sflag:s22] =	dma.local [hbm:s5], s20  }
0xa4: {  	_ =	swait.ge [sflag:s22], s20  }
0xa5: {  	s4 =	ssub.s32 $0x0, s20;
	[sflag:s22] =	ssyncset.done $0x0  }
0xa6: {  	[sflag:s22] =	ssyncadd.s32 s4;
	_ =	sdelay $0x1  }
0xa7: {  	s23 =	simm.s32 $0x1B8B  }
0xa8: {  	_ =	swait.ge [sflag:s23], $0x1  }
0xa9: {  	[sflag:s23] =	ssyncset.done $0x0  }
0xaa: {  	s25 =	simm.s32 $0x1B8E;
	s24 =	sld [smem:$0x3FFE];
	[sflag:s23] =	ssyncadd.s32 $0xFFFFFFFF  }
0xab: {  	s26 =	simm.s32 $execute0_lowered;
	[smem:$0x3FD2] =	sst s25  }
0xac: {  	s5 =	sshll.u32 s26, $0x1;
	_ =	strace $0x8000004F;
	[dreg:$0x1] =	wrdreg $0xFFFFFFFF  }
0xad: {  	s28 =	simm.s32 $_size_execute0_lowered;
	s3 =	sadd.s32 s3, s5;
	[dreg:$0x0] =	wrdreg $0x0  }
0xae: {  	s5 =	sshll.u32 s28, $0x1;
	[dreg:$0x2] =	wrdreg s3  }
0xaf: {  	[dreg:$0x3] =	wrdreg s5  }
0xb0: {  	[dreg:$0x4] =	wrdreg $0xC0  }
0xb1: {  	_ =	task [dreg:s7], $0x5FFFF  }
0xb2: {  	[dreg:$0x1] =	wrdreg $0xFFFFFFFF  }
0xb3: {  	[dreg:$0x0] =	wrdreg $0x60  }
0xb4: {  	[dreg:$0x2] =	wrdreg s24  }
0xb5: {  	[dreg:$0x3] =	wrdreg s16  }
0xb6: {  	[dreg:$0x4] =	wrdreg $0xB7800  }
0xb7: {  	[dreg:$0x5] =	wrdreg $0x9  }
0xb8: {  	_ =	task.clear_ibuf [dreg:s7], $0x6FFFF;
	_ =	strace $0x9000004F  }
0xb9: {  	s29 =	simm.s32 $0x9;
	_ =	strace $0x80000051  }
0xba: {  	_ =	swait.ge [sflag:s29], $0x1  }
0xbb: {  	[sflag:s29] =	ssyncadd.s32 $0xFFFFFFFF  }
0xbc: {  	_ =	strace $0x90000051  }
0xbd: {  	_ =	sfence  }
0xbe: {  	s30 =	sld [smem:$0x0];
	_ =	sdelay $0x2  }
0xbf: {  	s31 =	sshll.u32 s1, $0xD;
	s1 =	sshrl.u32 s1, $0x2  }
0xc0: {  	s3 =	sand.u32 $0x4000, s31;
	s1 =	sadd.s32 s1, s30  }
0xc1: {  	s0 =	sor.u32 s3, s0;
	s1 =	sshll.u32 s1, $0x11  }
0xc2: {  	s0 =	sor.u32 s1, s0  }
0xc3: {  	s0 =	sadd.s32 $0x8F2B, s0  }
0xc4: {  	[sflag:s0] =	ssyncadd.remote.s32 $0x1  }
0xc5: {  	_ =	sfence.sel $0xFFFF  }
0xc6: {  	[dreg:$0x0] =	wrdreg $0xFFFFFFFF;
	(pc) =	sbr.abs _section_cstart, $3  }
0xc7: {  	[dreg:$0x1] =	wrdreg $0xFFFFFFFF  }
0xc8: {  	_ =	task.clear_ibuf [dreg:s7], $0x2FFFF;
	_ =	strace $0x9FFFFFFF  }
0xc9: {  	(tm) =	ssettm $0x7FFFFFFF  }
tec
execute0_lowered:
.L_overlay_start_1:
0x0: {  	(tag) =	ssettag $0x1  }
0x1: {  	s5 =	rddreg [dreg:$0x0]  }
0x2: {  	s6 =	rddreg [dreg:$0x1]  }
0x3: {  	s0 =	stileid.u32;
	s2 =	rddreg [dreg:$0x2]  }
0x4: {  	s8 =	srdreg.scid;
	s20 =	simm.s32 $0x400;
	s19 =	stileid.u32  }
0x5: {  	s28 =	simm.s32 $0x0;
	s3 =	sshrl.u32 s0, $0x3;
	s7 =	sshll.u32 s0, $0x7  }
0x6: {  	s23 =	sand.u32 $0x1, s8;
	s9 =	smul.u32 $0x280, s0;
	s10 =	sadd.s32 $0x55600, s5  }
0x7: {  	s11 =	smul.u32 $0x50000, s0;
	s13 =	sshll.u32 s0, $0xB;
	s21 =	sadd.s32 $0x12E800, s2  }
0x8: {  	s22 =	sadd.s32 $0x131000, s2;
	p0 =	seq.s32 s0, $0xF;
	s4 =	smul.u32 $0x13C00, s3  }
0x9: {  	s3 =	simm.s32 $0x0;
	s7 =	sand.u32 $0x380, s7;
	s25 =	smul.u32 $0x2710, s23  }
0xa: {  	s26 =	ssub.s32 $0x2, s23;
	s6 =	sadd.s32 s6, s13;
	[smem:$0x7FF] =	sst s3  }
0xb: {  	s12 =	sshrl.u32 s26, $0x1;
	s29 =	sshrl.u32 s11, $0x2;
	s4 =	sor.u32 s7, s4  }
0xc: {  	_ =	strace $0x80000050;
	s7 =	smul.u32 $0x138800, s23;
	s12 =	ssub.s32 s26, s12  }
0xd: {  	s9 =	sadd.s32 s9, s25;
	s23 =	sadd.s32 $0x133800, s2;
	v0 =	vmov s25;
	s25 =	simm.s32 $0x6780  }
0xe: {  	s26 =	simm.s32 $0x1;
	s24 =	sshrl.u32 s4, $0x3;
	s4 =	sadd.s32 $0x2400, s5  }
0xf: {  	s31 =	sshll.u32 s9, $0x4;
	s9 =	sadd.s32 $0x12C000, s2;
	s8 =	sadd.s32 s24, s5  }
0x10: {  	s30 =	sshrl.u32 s7, $0x3;
	s7 =	sadd.s32 s29, s2;
	s24 =	sadd.s32 $0x136000, s2  }
0x11: {  	s5 =	sadd.s32 $0x50600, s8;
	s11 =	sadd.s32 s10, s30;
	s8 =	sadd.s32 s10, s31  }
0x12: {  	s13 =	sadd.s32 $0x5000, s7;
	s14 =	sadd.s32 $0x7800, s7;
	s15 =	sadd.s32 $0xA000, s7  }
0x13: {  	s16 =	sadd.s32 $0xC800, s7;
	s17 =	sadd.s32 $0xF000, s7;
	s18 =	sadd.s32 $0x11800, s7  }
0x14: {  	s10 =	sadd.s32 $0x25800, s11;
	s11 =	smax.u32 s12, $0x1;
	s12 =	sadd.s32 $0x2800, s7  }
0x15: {  	s15 =	smov.u32 @p0 s21;
	s21 =	simm.s32 $0x2;
	s16 =	smov.u32 @p0 s22  }
0x16: {  	s22 =	simm.s32 $0x2780;
	s14 =	smov.u32 @p0 s9;
	s17 =	smov.u32 @p0 s23  }
0x17: {  	v1 =	vimm.f32 $0.0e+00;
	s18 =	smov.u32 @p0 s24;
	s23 =	simm.s32 $0x8F80;
	s24 =	simm.s32 $0x50  }
.LBB2_1:
0x18: {  	s0 =	simm.s32 $0x80  }
0x19: {  	[tilespmem:s3], [sflag:$0x2] =	stream.strided.gather [hbm4b:s5+s0], $0x2780, s20, s0, $0x38;
	[tilespmem:$0x1F000] =	vst v63  }
0x1a: {  	_ =	swait.ge [sflag:s21], $0x2780  }
0x1b: {  	[sflag:s21] =	ssyncset.done $0x0  }
0x1c: {  	[sflag:s21] =	ssyncadd.s32 $0xFFFFD880  }
0x1d: {  	[tilespmem:s22], [sflag:$0x2] =	stream.linear.gather [hbm4b:s6+s3], $0x3E80, $0x38;
	[tilespmem:$0x1F000] =	vst v63  }
0x1e: {  	_ =	swait.ge [sflag:s21], $0x3E80  }
0x1f: {  	[sflag:s21] =	ssyncset.done $0x0  }
0x20: {  	s30 =	simm.s32 $0x0;
	s29 =	simm.s32 $0x40;
	[sflag:s21] =	ssyncadd.s32 $0xFFFFC180  }
.LBB2_2:
0x21: {  	p1 =	sne.s32 s29, $0x9C00;
	v2 =	vld [tilespmem:s30+$0x0];
	_ =	sdelay $0x1  }
.Ltmp0:
0x22: {  	(pc) =	sbr.rel @p1 .LBB2_2-.Ltmp0, $3  }
0x23: {  	_ =	sdelay $0x1  }
0x24: {  	v2 =	vadd.s32 v0, v2  }
0x25: {  	[tilespmem:s30+$0x0] =	vst v2;
	s30 =	sshra.s32 s29, $0x2;
	s29 =	sadd.s32 $0x40, s29  }
0x26: {  	v2 =	vld [tilespmem:s30+$0x0]  }
0x27: {  	s31 =	simm.s32 $0x0  }
0x28: {  	s29 =	sand.u32 $0xFFFFFF80, s31  }
0x29: {  	s1 =	ssub.s32 $0x0, s29  }
0x2a: {  	s31 =	sand.u32 $0x3FFFFF80, s31;
	s29 =	simm.s32 $0x0;
	s1 =	sand.u32 $0xFFFFFF80, s1  }
0x2b: {  	s0 =	sand.u32 $0x70, s29;
	s1 =	sadd.s32 s1, s31;
	v2 =	vadd.s32 v0, v2  }
0x2c: {  	s31 =	sor.u32 s0, s1;
	[tilespmem:s30+$0x0] =	vst v2;
	s30 =	simm.s32 $0x1  }
.LBB2_4:
0x2d: {  	s0 =	sshll.u32 s30, $0x4;
	p1 =	sne.s32 s30, $0x27F;
	s30 =	sadd.s32 $0x1, s30;
	[tilespmem:s31+$0x8F80] =	vst v1  }
.Ltmp1:
0x2e: {  	s29 =	sadd.s32 $0x10, s29;
	s1 =	sand.u32 $0xFFFFFF80, s0;
	(pc) =	sbr.rel @p1 .LBB2_4-.Ltmp1, $4  }
0x2f: {  	s1 =	ssub.s32 s29, s1  }
0x30: {  	s0 =	sand.u32 $0x3FFFFF80, s0;
	s1 =	sand.u32 $0xFFFFFF80, s1  }
0x31: {  	s31 =	sand.u32 $0x70, s29;
	s0 =	sadd.s32 s1, s0  }
0x32: {  	s31 =	sor.u32 s31, s0  }
0x33: {  	[tilespmem:s31+$0x8F80] =	vst v1;
	s0 =	simm.s32 @!p0 $0x8F80;
	s1 =	simm.s32 @!p0 $0x2  }
0x34: {  	[spmem:s7] =	stream.linear.scatter @!p0 [tilespmem:s0], [sflag:$0x2], $0x2800, $0x38;
	[tilespmem:$0x1F000] =	vst v63  }
0x35: {  	_ =	swait.ge @!p0 [sflag:s1], $0x2800  }
0x36: {  	[sflag:s1] =	ssyncset.done @!p0 $0x0  }
0x37: {  	[sflag:s1] =	ssyncadd.s32 @!p0 $0xFFFFD800  }
0x38: {  	[spmem:s12] =	stream.linear.scatter @!p0 [tilespmem:s0], [sflag:$0x2], $0x2800, $0x38;
	[tilespmem:$0x1F000] =	vst v63  }
0x39: {  	_ =	swait.ge @!p0 [sflag:s1], $0x2800  }
0x3a: {  	[sflag:s1] =	ssyncset.done @!p0 $0x0  }
0x3b: {  	[sflag:s1] =	ssyncadd.s32 @!p0 $0xFFFFD800  }
0x3c: {  	[spmem:s13] =	stream.linear.scatter @!p0 [tilespmem:s0], [sflag:$0x2], $0x2800, $0x38;
	[tilespmem:$0x1F000] =	vst v63  }
0x3d: {  	_ =	swait.ge @!p0 [sflag:s1], $0x2800  }
0x3e: {  	[sflag:s1] =	ssyncset.done @!p0 $0x0  }
0x3f: {  	[sflag:s1] =	ssyncadd.s32 @!p0 $0xFFFFD800  }
0x40: {  	[spmem:s14] =	stream.linear.scatter [tilespmem:s23], [sflag:$0x2], $0x2800, $0x38;
	[tilespmem:$0x1F000] =	vst v63  }
0x41: {  	_ =	swait.ge [sflag:s21], $0x2800  }
0x42: {  	[sflag:s21] =	ssyncset.done $0x0  }
0x43: {  	[sflag:s21] =	ssyncadd.s32 $0xFFFFD800  }
0x44: {  	[spmem:s15] =	stream.linear.scatter [tilespmem:s23], [sflag:$0x2], $0x2800, $0x38;
	[tilespmem:$0x1F000] =	vst v63  }
0x45: {  	_ =	swait.ge [sflag:s21], $0x2800  }
0x46: {  	[sflag:s21] =	ssyncset.done $0x0  }
0x47: {  	[sflag:s21] =	ssyncadd.s32 $0xFFFFD800  }
0x48: {  	[spmem:s16] =	stream.linear.scatter [tilespmem:s23], [sflag:$0x2], $0x2800, $0x38;
	[tilespmem:$0x1F000] =	vst v63  }
0x49: {  	_ =	swait.ge [sflag:s21], $0x2800  }
0x4a: {  	[sflag:s21] =	ssyncset.done $0x0  }
0x4b: {  	[sflag:s21] =	ssyncadd.s32 $0xFFFFD800  }
0x4c: {  	[spmem:s17] =	stream.linear.scatter [tilespmem:s23], [sflag:$0x2], $0x2800, $0x38;
	[tilespmem:$0x1F000] =	vst v63  }
0x4d: {  	_ =	swait.ge [sflag:s21], $0x2800  }
0x4e: {  	[sflag:s21] =	ssyncset.done $0x0  }
0x4f: {  	[sflag:s21] =	ssyncadd.s32 $0xFFFFD800  }
0x50: {  	[spmem:s18] =	stream.linear.scatter [tilespmem:s23], [sflag:$0x2], $0x2800, $0x38;
	[tilespmem:$0x1F000] =	vst v63  }
0x51: {  	_ =	swait.ge [sflag:s21], $0x2800  }
0x52: {  	[sflag:s21] =	ssyncset.done $0x0  }
0x53: {  	[sflag:s21] =	ssyncadd.s32 $0xFFFFD800  }
0x54: {  	s1 =	simm.s32 $0x0;
	[bflag:$0x0] =	sbarrier.arrive $0xFFFF  }
0x55: {  	[tilespmem:s25], [sflag:$0x1] =	stream.indirect.gather [hbm4b:s4+s24], $0x80, s1, s24, $0xb8;
	[tilespmem:$0x1F000] =	vst v63  }
0x56: {  	_ =	swait.ge [sflag:s26], $0x2800  }
0x57: {  	[sflag:s26] =	ssyncset.done $0x0  }
0x58: {  	s1 =	simm.s32 $0x2780;
	[sflag:s26] =	ssyncadd.s32 $0xFFFFD800  }
0x59: {  	[spmem:s2] =	stream.indirect.scatter.add.f32 [tilespmem:s25], [sflag:$0x2], $0x80, s1, s24, $0xb8;
	[tilespmem:$0x1F000] =	vst v63  }
0x5a: {  	s30 =	simm.s32 $0x140;
	_ =	swait.ge [sflag:s21], $0x2800  }
0x5b: {  	s31 =	simm.s32 $0x280;
	s29 =	simm.s32 $0x2800;
	[sflag:s21] =	ssyncset.done $0x0  }
.LBB2_6:
0x5c: {  	s0 =	sshra.s32 s30, $0x2  }
0x5d: {  	[sflag:s21] =	ssyncadd.s32 $0xFFFFD800;
	s30 =	smov.u32 s31;
	s1 =	sadd.s32 $0x140, s31  }
0x5e: {  	[tilespmem:s25], [sflag:$0x1] =	stream.indirect.gather [hbm4b:s4+s24], $0x80, s0, s24, $0xb8;
	[tilespmem:$0x1F000] =	vst v63  }
0x5f: {  	p1 =	sne.s32 s31, $0x9B00;
	_ =	swait.ge [sflag:s26], $0x2800  }
.Ltmp2:
0x60: {  	[sflag:s26] =	ssyncset.done $0x0;
	(pc) =	sbr.rel @p1 .LBB2_6-.Ltmp2, $4  }
0x61: {  	[sflag:s26] =	ssyncadd.s32 $0xFFFFD800  }
0x62: {  	[spmem:s2] =	stream.indirect.scatter.add.f32 [tilespmem:s25], [sflag:$0x2], $0x80, s29, s24, $0xb8;
	[tilespmem:$0x1F000] =	vst v63  }
0x63: {  	_ =	swait.ge [sflag:s21], $0x2800  }
0x64: {  	s31 =	smov.u32 s1;
	s29 =	sadd.s32 $0x80, s29;
	[sflag:s21] =	ssyncset.done $0x0  }
0x65: {  	s0 =	sshra.s32 s30, $0x2;
	[sflag:s21] =	ssyncadd.s32 $0xFFFFD800  }
0x66: {  	[tilespmem:s25], [sflag:$0x1] =	stream.indirect.gather [hbm4b:s4+s24], $0x80, s0, s24, $0xb8;
	[tilespmem:$0x1F000] =	vst v63  }
0x67: {  	_ =	swait.ge [sflag:s26], $0x2800  }
0x68: {  	[sflag:s26] =	ssyncset.done $0x0  }
0x69: {  	[sflag:s26] =	ssyncadd.s32 $0xFFFFD800  }
0x6a: {  	[spmem:s2] =	stream.indirect.scatter.add.f32 [tilespmem:s25], [sflag:$0x2], $0x80, s29, s24, $0xb8;
	[tilespmem:$0x1F000] =	vst v63  }
0x6b: {  	_ =	swait.ge [sflag:s21], $0x2800  }
0x6c: {  	[sflag:s21] =	ssyncset.done $0x0  }
0x6d: {  	[sflag:s21] =	ssyncadd.s32 $0xFFFFD800  }
0x6e: {  	s1 =	simm.s32 @p0 $0x1FC2;
	s0 =	sshrl.u32 @p0 s9, $0x3;
	[bflag:$0x0] =	sbarrier.arrive $0xFFFF  }
0x6f: {  	[hbm:s10], [sflag:s1] =	dma.local @p0 [spmem:s0], $0x1900  }
0x70: {  	s0 =	simm.s32 @p0 $0x2  }
0x71: {  	s28 =	sadd.s32 $0x1, s28;
	_ =	swait.ge @p0 [sflag:s0], $0x1900  }
0x72: {  	p1 =	sne.s32 s28, s11;
	s1 =	sshll.u32 @!p0 s19, $0x6;
	[sflag:s0] =	ssyncset.done @p0 $0x0  }
0x73: {  	[sflag:s0] =	ssyncadd.s32 @p0 $0xFFFFE700;
	s0 =	sor.u32 @!p0 $0x1C02, s1;
	s1 =	sshrl.u32 @!p0 s7, $0x3  }
0x74: {  	[hbm:s8], [sflag:s0] =	dma.local @!p0 [spmem:s1], $0x2800  }
.Ltmp3:
0x75: {  	_ = 	snop;
	(pc) =	sbr.rel @p1 .LBB2_1-.Ltmp3, $4  }
0x76: {  	s0 =	simm.s32 @!p0 $0x2  }
0x77: {  	_ =	swait.ge @!p0 [sflag:s0], $0x2800  }
0x78: {  	[sflag:s0] =	ssyncset.done @!p0 $0x0  }
0x79: {  	[sflag:s0] =	ssyncadd.s32 @!p0 $0xFFFFD800  }
0x7a: {  	_ =	sfence.sel $0x180000  }
0x7b: {  	[bflag:$0x0] =	sbarrier.arrive $0xFFFF  }
0x7c: {  	_ =	strace $0x90000050  }
0x7d: {  	[bflag:$0x2] =	sbarrier.arrive $0xFFFF  }
0x7e: {  	p0 =	sne.s32 s19, $0x0;
	s0 =	rddreg [dreg:$0x3]  }
0x7f: {  	s0 =	sadd.s32 @!p0 $0x100000, s0  }
0x80: {  	[sflag:s0] =	ssyncadd.tile.s32 @!p0 $0x1;
	_ =	shalt  }
.Lfunc_end2:
_tile_overlayer_lowered:
.L_overlay_start_2:
0x81: {  	(tag) =	ssettag $0x2  }
0x82: {  	s0 =	rddreg [dreg:$0x0];
	s2 =	stileid.u32  }
0x83: {  	s1 =	rddreg [dreg:$0x1];
	p0 =	sne.s32 s2, $0x0  }
0x84: {  	s3 =	rddreg [dreg:$0x2];
	[bflag:$0x3] =	sbarrier.arrive $0xFFFF;
	s2 =	simm.s32 @!p0 $0x1C02  }
0x85: {  	[timem:s3], [sflag:s2] =	dma.local @!p0 [hbm:s0], s1  }
0x86: {  	s0 =	simm.s32 @!p0 $0x2  }
0x87: {  	_ =	swait.ge @!p0 [sflag:s0], s1  }
0x88: {  	s1 =	ssub.s32 @!p0 $0x0, s1;
	[sflag:s0] =	ssyncset.done @!p0 $0x0  }
0x89: {  	[sflag:s0] =	ssyncadd.s32 @!p0 s1  }
0x8a: {  	[bflag:$0x3] =	sbarrier.arrive $0xFFFF  }
0x8b: {  	_ =	shalt  }

</sc_bundles>
